<compile_context>
chip_gen: v7x
topology: tpu7x:2x2x1
jax: 0.10.2.dev20260603
libtpu: 0.0.44.dev20260713+nightly
codegen_flags: <defaults>
</compile_context>

<pallas_src>
import functools

import jax
import jax.numpy as jnp
import numpy as np
from jax import lax
from jax.experimental import pallas as pl
from jax.experimental.pallas import tpu as pltpu
from jax.experimental.pallas import tpu_sc as plsc

B = 16384
D_E = 32
D_M = 128
G = 16
CH = 128
BLK = 4096
SCALE = np.float32(np.sqrt(float(D_M)))


def _sc_gather_big(f0, e0t):
    mesh = plsc.VectorSubcoreMesh(core_axis_name="c", subcore_axis_name="s")
    nw = mesh.num_cores * mesh.num_subcores
    bpw = B // nw
    ngr = bpw // G
    fr = f0.reshape(nw, bpw)

    @functools.partial(
        pl.kernel,
        out_type=jax.ShapeDtypeStruct((B, D_E), jnp.float32),
        mesh=mesh,
        scratch_types=(
            [pltpu.VMEM((bpw,), jnp.int32),
             pltpu.VMEM((2, G // 4, D_E, 128), jnp.float32),
             pltpu.VMEM((bpw, D_E), jnp.float32),
             pltpu.SemaphoreType.DMA,
             pltpu.SemaphoreType.DMA]
        ),
        compiler_params=pltpu.CompilerParams(use_tc_tiling_on_sc=True,
                                             needs_layout_passes=False),
    )
    def gather_kernel(fh, eh, oh, idx_v, gb, rows_v, sem0, sem1):
        wid = lax.axis_index("s") * mesh.num_cores + lax.axis_index("c")
        base = wid * bpw
        feats = lax.iota(jnp.int32, 16)
        pltpu.sync_copy(fh.at[wid], idx_v)

        W = G // 4

        def fire_q(rv, q, buf):
            r_al_v = lax.bitwise_and(rv, jnp.int32(-128))
            for j in range(W):
                r_al = pl.multiple_of(r_al_v[q * W + j], 128)
                pltpu.async_copy(
                    eh.at[:, pl.ds(r_al, 128)], gb.at[buf, j],
                    sem0 if buf == 0 else sem1)

        def drain_extract(rv, q, buf, gbase):
            lane_v = lax.bitwise_and(rv, jnp.int32(127))
            for j in range(W):
                pltpu.make_async_copy(
                    eh.at[:, pl.ds(0, 128)], gb.at[buf, j],
                    sem0 if buf == 0 else sem1).wait()
            for j in range(W):
                bj = jnp.full((16,), j, jnp.int32)
                bl = jnp.full((16,), lane_v[q * W + j], jnp.int32)
                lo = plsc.load_gather(gb.at[buf], [bj, feats, bl])
                hi = plsc.load_gather(gb.at[buf], [bj, feats + 16, bl])
                rows_v[gbase + q * W + j, pl.ds(0, 16)] = lo
                rows_v[gbase + q * W + j, pl.ds(16, 16)] = hi

        rv0 = idx_v[pl.ds(0, G)]
        fire_q(rv0, 0, 0)

        def group(g, _):
            rv = idx_v[pl.ds(g * G, G)]
            gbase = g * G
            fire_q(rv, 1, 1)
            drain_extract(rv, 0, 0, gbase)
            fire_q(rv, 2, 0)
            drain_extract(rv, 1, 1, gbase)
            fire_q(rv, 3, 1)
            drain_extract(rv, 2, 0, gbase)

            @pl.when(g + 1 < ngr)
            def _():
                rvn = idx_v[pl.ds((g + 1) * G, G)]
                fire_q(rvn, 0, 0)

            drain_extract(rv, 3, 1, gbase)
            return 0

        lax.fori_loop(0, ngr, group, 0)
        pltpu.sync_copy(rows_v, oh.at[pl.ds(base, bpw)])

    return gather_kernel(fr, e0t)


def _sc_gather_small(f1, f2, emb1, emb2):
    mesh = plsc.VectorSubcoreMesh(core_axis_name="c", subcore_axis_name="s")
    nw = mesh.num_cores * mesh.num_subcores
    bpw = B // nw
    nch = bpw // CH
    fr = [f.reshape(nw, nch, CH) for f in (f1, f2)]

    @functools.partial(
        pl.kernel,
        out_type=[jax.ShapeDtypeStruct((B, D_E), jnp.float32) for _ in range(2)],
        mesh=mesh,
        scratch_types=(
            [pltpu.VMEM((nch, CH), jnp.int32) for _ in range(2)]
            + [pltpu.VMEM((bpw, D_E), jnp.float32) for _ in range(2)]
            + [pltpu.SemaphoreType.DMA]
        ),
        compiler_params=pltpu.CompilerParams(use_tc_tiling_on_sc=False),
    )
    def gather_kernel(f1h, f2h, e1h, e2h, o1h, o2h,
                      i1v, i2v, r1v, r2v, sem):
        wid = lax.axis_index("s") * mesh.num_cores + lax.axis_index("c")
        base = wid * bpw
        fhs = (f1h, f2h)
        ehs = (e1h, e2h)
        ohs = (o1h, o2h)
        ivs = (i1v, i2v)
        rvs = (r1v, r2v)
        for t in range(2):
            pltpu.sync_copy(fhs[t].at[wid], ivs[t])
        descs = []
        for t in range(2):
            for k in range(nch):
                descs.append(pltpu.async_copy(
                    ehs[t].at[ivs[t].at[k]], rvs[t].at[pl.ds(k * CH, CH)], sem))
        for dsc in descs:
            dsc.wait()
        for t in range(2):
            pltpu.sync_copy(rvs[t], ohs[t].at[pl.ds(base, bpw)])

    return gather_kernel(*fr, emb1, emb2)


def _proj_body(x0r, x1r, x2r, f3r, lwr, lbr, w0r, w1r, w2r, w3r, pbr, outr):
    dn = (((0,), (0,)), ((), ()))
    acc = jnp.dot(x0r[...], w0r[...], preferred_element_type=jnp.float32)
    acc += jnp.dot(x1r[...], w1r[...], preferred_element_type=jnp.float32)
    acc += jnp.dot(x2r[...], w2r[...], preferred_element_type=jnp.float32)
    v = lax.dot_general(lwr[...], w3r[...], dn,
                        preferred_element_type=jnp.float32)
    cb = jnp.dot(lbr[...], w3r[...],
                 preferred_element_type=jnp.float32)
    acc += jnp.dot(f3r[...], v, preferred_element_type=jnp.float32)
    outr[...] = (acc + cb + pbr[...]) * SCALE


def kernel(f0, f1, f2, f3, emb0, emb1, emb2, lin_w, lin_b, proj_w, proj_b):
    x0 = _sc_gather_big(f0, emb0.T)
    dep = (x0[0, 0] * 0.0).astype(jnp.int32)
    x1, x2 = _sc_gather_small(f1 + dep, f2 + dep, emb1, emb2)

    w0 = proj_w[:, 0:32].T
    w1 = proj_w[:, 32:64].T
    w2 = proj_w[:, 64:96].T
    w3 = proj_w[:, 96:112].T
    pb = proj_b.reshape(1, D_M)
    lb = lin_b.reshape(1, 16)

    cst = lambda i: (0, 0)
    row = lambda i: (i, 0)
    out = pl.pallas_call(
        _proj_body,
        grid=(B // BLK,),
        in_specs=[
            pl.BlockSpec((BLK, D_E), row),
            pl.BlockSpec((BLK, D_E), row),
            pl.BlockSpec((BLK, D_E), row),
            pl.BlockSpec((BLK, 1), row),
            pl.BlockSpec((16, 1), cst),
            pl.BlockSpec((1, 16), cst),
            pl.BlockSpec((D_E, D_M), cst),
            pl.BlockSpec((D_E, D_M), cst),
            pl.BlockSpec((D_E, D_M), cst),
            pl.BlockSpec((16, D_M), cst),
            pl.BlockSpec((1, D_M), cst),
        ],
        out_specs=pl.BlockSpec((BLK, D_M), row),
        out_shape=jax.ShapeDtypeStruct((B, D_M), jnp.float32),
    )(x0, x1, x2, f3, lin_w, lb, w0, w1, w2, w3, pb)
    return out

# --- scband reference (transcript-rebuilt; emitter-appended) ---
"""Pipeline reference for scband-fusion-embeddings-66554813219052 (READ-ONLY COPY).

The authoritative reference and input builder live on the scoring server;
editing this copy changes nothing except your own understanding.
"""

import jax, jax.numpy as jnp
import numpy as np

D_MODEL = 128

def setup_inputs(seed: int = 0) -> dict:
    key = jax.random.key(seed)
    ks = jax.random.split(key, 12)
    f0 = jax.random.randint(ks[0], (16384,), 0, 1000000, dtype=jnp.int64) if jax.config.jax_enable_x64 else jax.random.randint(ks[0], (16384,), 0, 1000000).astype(jnp.int32)
    f1 = jax.random.randint(ks[1], (16384,), 0, 100000).astype(jnp.int32)
    f2 = jax.random.randint(ks[2], (16384,), 0, 100000).astype(jnp.int32)
    f3 = jax.random.normal(ks[3], (16384, 1), dtype=jnp.float32)
    emb0 = jax.random.normal(ks[4], (1000000, 32), dtype=jnp.float32) * 0.02
    emb1 = jax.random.normal(ks[5], (100000, 32), dtype=jnp.float32) * 0.02
    emb2 = jax.random.normal(ks[6], (100000, 32), dtype=jnp.float32) * 0.02
    lin_w = jax.random.normal(ks[7], (16, 1), dtype=jnp.float32) * 0.1
    lin_b = jax.random.normal(ks[8], (16,), dtype=jnp.float32) * 0.01
    proj_w = jax.random.normal(ks[9], (D_MODEL, 112), dtype=jnp.float32) * (1.0 / np.sqrt(112))
    proj_b = jax.random.normal(ks[10], (D_MODEL,), dtype=jnp.float32) * 0.01
    return {"f0": f0, "f1": f1, "f2": f2, "f3": f3, "emb0": emb0, "emb1": emb1, "emb2": emb2, "lin_w": lin_w, "lin_b": lin_b, "proj_w": proj_w, "proj_b": proj_b}

def reference(f0, f1, f2, f3, emb0, emb1, emb2, lin_w, lin_b, proj_w, proj_b):
    x0 = jnp.take(emb0, f0, axis=0)
    x1 = jnp.take(emb1, f1, axis=0)
    x2 = jnp.take(emb2, f2, axis=0)
    x3 = f3 @ lin_w.T + lin_b
    x = jnp.concatenate([x0, x1, x2, x3], axis=-1)
    out = x @ proj_w.T + proj_b
    return out * np.sqrt(float(D_MODEL)).astype(np.float32)

if __name__ == "__main__":
    import jax
    _d = setup_inputs()
    print(jax.jit(kernel)(*tuple(_d.values())))

</pallas_src>

<mosaic_0001>
#map = affine_map<(d0, d1) -> (0, 0, 0)>
#map1 = affine_map<(d0, d1) -> (0, 0)>
module attributes {stable_mosaic.version = 14 : i64} {
  func.func @gather_kernel(%arg0: i32, %arg1: i32, %arg2: memref<32x4x128xi32, #tpu.memory_space<hbm>>, %arg3: memref<32x4x128xi32, #tpu.memory_space<hbm>>, %arg4: memref<100000x32xf32, #tpu.memory_space<hbm>>, %arg5: memref<100000x32xf32, #tpu.memory_space<hbm>>, %arg6: memref<16384x32xf32, #tpu.memory_space<hbm>>, %arg7: memref<16384x32xf32, #tpu.memory_space<hbm>>, %arg8: memref<4x128xi32, #tpu.memory_space<vmem>>, %arg9: memref<4x128xi32, #tpu.memory_space<vmem>>, %arg10: memref<512x32xf32, #tpu.memory_space<vmem>>, %arg11: memref<512x32xf32, #tpu.memory_space<vmem>>, %arg12: memref<!tpu.dma_semaphore, #tpu.memory_space<semaphore_mem>>) attributes {dimension_semantics = [#tpu.dimension_semantics<core_parallel>, #tpu.dimension_semantics<subcore_parallel>], iteration_bounds = array<i64: 2, 16>, scalar_prefetch = 0 : i64, scratch_operands = 5 : i64, tpu.core_type = #tpu.core_type<sc_vector_subcore>, window_params = [{transform_indices = #map}, {transform_indices = #map}, {transform_indices = #map1}, {transform_indices = #map1}, {transform_indices = #map1}, {transform_indices = #map1}]} {
    %mul3A = arith.constant 2 : i32
    %mul3A_0 = arith.muli %arg1, %mul3A : i32
    %add3A = arith.addi %mul3A_0, %arg0 : i32
    %mul3A_1 = arith.constant 512 : i32
    %mul3A_2 = arith.muli %add3A, %mul3A_1 : i32
    "tpu.region"() ({
      %run_scoped3A = tpu.sem_alloc : memref<!tpu.dma_semaphore, #tpu.memory_space<semaphore_mem>>
      %dma_start3A_161 = arith.constant 0 : i32
      %dma_start3A_162 = arith.constant 0 : i32
      %dma_start3A_163 = tpu.memref_slice %arg2[%add3A, %dma_start3A_161, %dma_start3A_162] : memref<32x4x128xi32, #tpu.memory_space<hbm>> -> memref<1x4x128xi32, #tpu.memory_space<hbm>>
      %dma_start3A_164 = tpu.memref_squeeze %dma_start3A_163 : memref<1x4x128xi32, #tpu.memory_space<hbm>> -> memref<4x128xi32, #tpu.memory_space<hbm>>
      %dma_start3A_165 = arith.constant 0 : i32
      %dma_start3A_166 = arith.constant 0 : i32
      %dma_start3A_167 = tpu.memref_slice %arg2[%add3A, %dma_start3A_165, %dma_start3A_166] : memref<32x4x128xi32, #tpu.memory_space<hbm>> -> memref<1x4x128xi32, #tpu.memory_space<hbm>>
      %dma_start3A_168 = tpu.memref_squeeze %dma_start3A_167 : memref<1x4x128xi32, #tpu.memory_space<hbm>> -> memref<4x128xi32, #tpu.memory_space<hbm>>
      tpu.enqueue_dma source(%dma_start3A_168 : memref<4x128xi32, #tpu.memory_space<hbm>>) target(%arg8 : memref<4x128xi32, #tpu.memory_space<vmem>>) target_semaphore(%run_scoped3A : memref<!tpu.dma_semaphore, #tpu.memory_space<semaphore_mem>>)
      %dma_wait3A_169 = arith.constant 0 : i32
      %dma_wait3A_170 = arith.constant 0 : i32
      %dma_wait3A_171 = tpu.memref_slice %arg2[%add3A, %dma_wait3A_169, %dma_wait3A_170] : memref<32x4x128xi32, #tpu.memory_space<hbm>> -> memref<1x4x128xi32, #tpu.memory_space<hbm>>
      %dma_wait3A_172 = tpu.memref_squeeze %dma_wait3A_171 : memref<1x4x128xi32, #tpu.memory_space<hbm>> -> memref<4x128xi32, #tpu.memory_space<hbm>>
      %dma_wait3A_173 = arith.constant 0 : i32
      %dma_wait3A_174 = arith.constant 0 : i32
      %dma_wait3A_175 = tpu.memref_slice %arg2[%add3A, %dma_wait3A_173, %dma_wait3A_174] : memref<32x4x128xi32, #tpu.memory_space<hbm>> -> memref<1x4x128xi32, #tpu.memory_space<hbm>>
      %dma_wait3A_176 = tpu.memref_squeeze %dma_wait3A_175 : memref<1x4x128xi32, #tpu.memory_space<hbm>> -> memref<4x128xi32, #tpu.memory_space<hbm>>
      tpu.wait_dma2 semaphore(%run_scoped3A : memref<!tpu.dma_semaphore, #tpu.memory_space<semaphore_mem>>) src(%dma_wait3A_176 : memref<4x128xi32, #tpu.memory_space<hbm>>) dst(%arg8 : memref<4x128xi32, #tpu.memory_space<vmem>>)
      tpu.yield
    }) : () -> ()
    "tpu.region"() ({
      %run_scoped3A = tpu.sem_alloc : memref<!tpu.dma_semaphore, #tpu.memory_space<semaphore_mem>>
      %dma_start3A_161 = arith.constant 0 : i32
      %dma_start3A_162 = arith.constant 0 : i32
      %dma_start3A_163 = tpu.memref_slice %arg3[%add3A, %dma_start3A_161, %dma_start3A_162] : memref<32x4x128xi32, #tpu.memory_space<hbm>> -> memref<1x4x128xi32, #tpu.memory_space<hbm>>
      %dma_start3A_164 = tpu.memref_squeeze %dma_start3A_163 : memref<1x4x128xi32, #tpu.memory_space<hbm>> -> memref<4x128xi32, #tpu.memory_space<hbm>>
      %dma_start3A_165 = arith.constant 0 : i32
      %dma_start3A_166 = arith.constant 0 : i32
      %dma_start3A_167 = tpu.memref_slice %arg3[%add3A, %dma_start3A_165, %dma_start3A_166] : memref<32x4x128xi32, #tpu.memory_space<hbm>> -> memref<1x4x128xi32, #tpu.memory_space<hbm>>
      %dma_start3A_168 = tpu.memref_squeeze %dma_start3A_167 : memref<1x4x128xi32, #tpu.memory_space<hbm>> -> memref<4x128xi32, #tpu.memory_space<hbm>>
      tpu.enqueue_dma source(%dma_start3A_168 : memref<4x128xi32, #tpu.memory_space<hbm>>) target(%arg9 : memref<4x128xi32, #tpu.memory_space<vmem>>) target_semaphore(%run_scoped3A : memref<!tpu.dma_semaphore, #tpu.memory_space<semaphore_mem>>)
      %dma_wait3A_169 = arith.constant 0 : i32
      %dma_wait3A_170 = arith.constant 0 : i32
      %dma_wait3A_171 = tpu.memref_slice %arg3[%add3A, %dma_wait3A_169, %dma_wait3A_170] : memref<32x4x128xi32, #tpu.memory_space<hbm>> -> memref<1x4x128xi32, #tpu.memory_space<hbm>>
      %dma_wait3A_172 = tpu.memref_squeeze %dma_wait3A_171 : memref<1x4x128xi32, #tpu.memory_space<hbm>> -> memref<4x128xi32, #tpu.memory_space<hbm>>
      %dma_wait3A_173 = arith.constant 0 : i32
      %dma_wait3A_174 = arith.constant 0 : i32
      %dma_wait3A_175 = tpu.memref_slice %arg3[%add3A, %dma_wait3A_173, %dma_wait3A_174] : memref<32x4x128xi32, #tpu.memory_space<hbm>> -> memref<1x4x128xi32, #tpu.memory_space<hbm>>
      %dma_wait3A_176 = tpu.memref_squeeze %dma_wait3A_175 : memref<1x4x128xi32, #tpu.memory_space<hbm>> -> memref<4x128xi32, #tpu.memory_space<hbm>>
      tpu.wait_dma2 semaphore(%run_scoped3A : memref<!tpu.dma_semaphore, #tpu.memory_space<semaphore_mem>>) src(%dma_wait3A_176 : memref<4x128xi32, #tpu.memory_space<hbm>>) dst(%arg9 : memref<4x128xi32, #tpu.memory_space<vmem>>)
      tpu.yield
    }) : () -> ()
    %dma_start3A = arith.constant 0 : i32
    %dma_start3A_3 = arith.constant 0 : i32
    %dma_start3A_4 = arith.constant 0 : i32
    %dma_start3A_5 = tpu.memref_slice %arg10[%dma_start3A_3, %dma_start3A_4] : memref<512x32xf32, #tpu.memory_space<vmem>> -> memref<128x32xf32, #tpu.memory_space<vmem>>
    %dma_start3A_6 = arith.constant 0 : i32
    %dma_start3A_7 = tpu.memref_slice %arg8[%dma_start3A, %dma_start3A_6] : memref<4x128xi32, #tpu.memory_space<vmem>> -> memref<1x128xi32, #tpu.memory_space<vmem>>
    %dma_start3A_8 = tpu.memref_squeeze %dma_start3A_7 : memref<1x128xi32, #tpu.memory_space<vmem>> -> memref<128xi32, #tpu.memory_space<vmem>>
    %dma_start3A_9 = arith.constant 0 : i32
    %dma_start3A_10 = arith.constant 0 : i32
    %dma_start3A_11 = tpu.memref_slice %arg4[%dma_start3A_9, %dma_start3A_10] : memref<100000x32xf32, #tpu.memory_space<hbm>> -> memref<100000x32xf32, #tpu.memory_space<hbm>>
    tpu.enqueue_indirect_dma source(%dma_start3A_11 : memref<100000x32xf32, #tpu.memory_space<hbm>>) target(%dma_start3A_5 : memref<128x32xf32, #tpu.memory_space<vmem>>) offsets(%dma_start3A_8 : memref<128xi32, #tpu.memory_space<vmem>>) semaphore(%arg12 : memref<!tpu.dma_semaphore, #tpu.memory_space<semaphore_mem>>)
    %dma_start3A_12 = arith.constant 1 : i32
    %dma_start3A_13 = arith.constant 128 : i32
    %dma_start3A_14 = arith.constant 0 : i32
    %dma_start3A_15 = tpu.memref_slice %arg10[%dma_start3A_13, %dma_start3A_14] : memref<512x32xf32, #tpu.memory_space<vmem>> -> memref<128x32xf32, #tpu.memory_space<vmem>>
    %dma_start3A_16 = arith.constant 0 : i32
    %dma_start3A_17 = tpu.memref_slice %arg8[%dma_start3A_12, %dma_start3A_16] : memref<4x128xi32, #tpu.memory_space<vmem>> -> memref<1x128xi32, #tpu.memory_space<vmem>>
    %dma_start3A_18 = tpu.memref_squeeze %dma_start3A_17 : memref<1x128xi32, #tpu.memory_space<vmem>> -> memref<128xi32, #tpu.memory_space<vmem>>
    %dma_start3A_19 = arith.constant 0 : i32
    %dma_start3A_20 = arith.constant 0 : i32
    %dma_start3A_21 = tpu.memref_slice %arg4[%dma_start3A_19, %dma_start3A_20] : memref<100000x32xf32, #tpu.memory_space<hbm>> -> memref<100000x32xf32, #tpu.memory_space<hbm>>
    tpu.enqueue_indirect_dma source(%dma_start3A_21 : memref<100000x32xf32, #tpu.memory_space<hbm>>) target(%dma_start3A_15 : memref<128x32xf32, #tpu.memory_space<vmem>>) offsets(%dma_start3A_18 : memref<128xi32, #tpu.memory_space<vmem>>) semaphore(%arg12 : memref<!tpu.dma_semaphore, #tpu.memory_space<semaphore_mem>>)
    %dma_start3A_22 = arith.constant 2 : i32
    %dma_start3A_23 = arith.constant 256 : i32
    %dma_start3A_24 = arith.constant 0 : i32
    %dma_start3A_25 = tpu.memref_slice %arg10[%dma_start3A_23, %dma_start3A_24] : memref<512x32xf32, #tpu.memory_space<vmem>> -> memref<128x32xf32, #tpu.memory_space<vmem>>
    %dma_start3A_26 = arith.constant 0 : i32
    %dma_start3A_27 = tpu.memref_slice %arg8[%dma_start3A_22, %dma_start3A_26] : memref<4x128xi32, #tpu.memory_space<vmem>> -> memref<1x128xi32, #tpu.memory_space<vmem>>
    %dma_start3A_28 = tpu.memref_squeeze %dma_start3A_27 : memref<1x128xi32, #tpu.memory_space<vmem>> -> memref<128xi32, #tpu.memory_space<vmem>>
    %dma_start3A_29 = arith.constant 0 : i32
    %dma_start3A_30 = arith.constant 0 : i32
    %dma_start3A_31 = tpu.memref_slice %arg4[%dma_start3A_29, %dma_start3A_30] : memref<100000x32xf32, #tpu.memory_space<hbm>> -> memref<100000x32xf32, #tpu.memory_space<hbm>>
    tpu.enqueue_indirect_dma source(%dma_start3A_31 : memref<100000x32xf32, #tpu.memory_space<hbm>>) target(%dma_start3A_25 : memref<128x32xf32, #tpu.memory_space<vmem>>) offsets(%dma_start3A_28 : memref<128xi32, #tpu.memory_space<vmem>>) semaphore(%arg12 : memref<!tpu.dma_semaphore, #tpu.memory_space<semaphore_mem>>)
    %dma_start3A_32 = arith.constant 3 : i32
    %dma_start3A_33 = arith.constant 384 : i32
    %dma_start3A_34 = arith.constant 0 : i32
    %dma_start3A_35 = tpu.memref_slice %arg10[%dma_start3A_33, %dma_start3A_34] : memref<512x32xf32, #tpu.memory_space<vmem>> -> memref<128x32xf32, #tpu.memory_space<vmem>>
    %dma_start3A_36 = arith.constant 0 : i32
    %dma_start3A_37 = tpu.memref_slice %arg8[%dma_start3A_32, %dma_start3A_36] : memref<4x128xi32, #tpu.memory_space<vmem>> -> memref<1x128xi32, #tpu.memory_space<vmem>>
    %dma_start3A_38 = tpu.memref_squeeze %dma_start3A_37 : memref<1x128xi32, #tpu.memory_space<vmem>> -> memref<128xi32, #tpu.memory_space<vmem>>
    %dma_start3A_39 = arith.constant 0 : i32
    %dma_start3A_40 = arith.constant 0 : i32
    %dma_start3A_41 = tpu.memref_slice %arg4[%dma_start3A_39, %dma_start3A_40] : memref<100000x32xf32, #tpu.memory_space<hbm>> -> memref<100000x32xf32, #tpu.memory_space<hbm>>
    tpu.enqueue_indirect_dma source(%dma_start3A_41 : memref<100000x32xf32, #tpu.memory_space<hbm>>) target(%dma_start3A_35 : memref<128x32xf32, #tpu.memory_space<vmem>>) offsets(%dma_start3A_38 : memref<128xi32, #tpu.memory_space<vmem>>) semaphore(%arg12 : memref<!tpu.dma_semaphore, #tpu.memory_space<semaphore_mem>>)
    %dma_start3A_42 = arith.constant 0 : i32
    %dma_start3A_43 = arith.constant 0 : i32
    %dma_start3A_44 = arith.constant 0 : i32
    %dma_start3A_45 = tpu.memref_slice %arg11[%dma_start3A_43, %dma_start3A_44] : memref<512x32xf32, #tpu.memory_space<vmem>> -> memref<128x32xf32, #tpu.memory_space<vmem>>
    %dma_start3A_46 = arith.constant 0 : i32
    %dma_start3A_47 = tpu.memref_slice %arg9[%dma_start3A_42, %dma_start3A_46] : memref<4x128xi32, #tpu.memory_space<vmem>> -> memref<1x128xi32, #tpu.memory_space<vmem>>
    %dma_start3A_48 = tpu.memref_squeeze %dma_start3A_47 : memref<1x128xi32, #tpu.memory_space<vmem>> -> memref<128xi32, #tpu.memory_space<vmem>>
    %dma_start3A_49 = arith.constant 0 : i32
    %dma_start3A_50 = arith.constant 0 : i32
    %dma_start3A_51 = tpu.memref_slice %arg5[%dma_start3A_49, %dma_start3A_50] : memref<100000x32xf32, #tpu.memory_space<hbm>> -> memref<100000x32xf32, #tpu.memory_space<hbm>>
    tpu.enqueue_indirect_dma source(%dma_start3A_51 : memref<100000x32xf32, #tpu.memory_space<hbm>>) target(%dma_start3A_45 : memref<128x32xf32, #tpu.memory_space<vmem>>) offsets(%dma_start3A_48 : memref<128xi32, #tpu.memory_space<vmem>>) semaphore(%arg12 : memref<!tpu.dma_semaphore, #tpu.memory_space<semaphore_mem>>)
    %dma_start3A_52 = arith.constant 1 : i32
    %dma_start3A_53 = arith.constant 128 : i32
    %dma_start3A_54 = arith.constant 0 : i32
    %dma_start3A_55 = tpu.memref_slice %arg11[%dma_start3A_53, %dma_start3A_54] : memref<512x32xf32, #tpu.memory_space<vmem>> -> memref<128x32xf32, #tpu.memory_space<vmem>>
    %dma_start3A_56 = arith.constant 0 : i32
    %dma_start3A_57 = tpu.memref_slice %arg9[%dma_start3A_52, %dma_start3A_56] : memref<4x128xi32, #tpu.memory_space<vmem>> -> memref<1x128xi32, #tpu.memory_space<vmem>>
    %dma_start3A_58 = tpu.memref_squeeze %dma_start3A_57 : memref<1x128xi32, #tpu.memory_space<vmem>> -> memref<128xi32, #tpu.memory_space<vmem>>
    %dma_start3A_59 = arith.constant 0 : i32
    %dma_start3A_60 = arith.constant 0 : i32
    %dma_start3A_61 = tpu.memref_slice %arg5[%dma_start3A_59, %dma_start3A_60] : memref<100000x32xf32, #tpu.memory_space<hbm>> -> memref<100000x32xf32, #tpu.memory_space<hbm>>
    tpu.enqueue_indirect_dma source(%dma_start3A_61 : memref<100000x32xf32, #tpu.memory_space<hbm>>) target(%dma_start3A_55 : memref<128x32xf32, #tpu.memory_space<vmem>>) offsets(%dma_start3A_58 : memref<128xi32, #tpu.memory_space<vmem>>) semaphore(%arg12 : memref<!tpu.dma_semaphore, #tpu.memory_space<semaphore_mem>>)
    %dma_start3A_62 = arith.constant 2 : i32
    %dma_start3A_63 = arith.constant 256 : i32
    %dma_start3A_64 = arith.constant 0 : i32
    %dma_start3A_65 = tpu.memref_slice %arg11[%dma_start3A_63, %dma_start3A_64] : memref<512x32xf32, #tpu.memory_space<vmem>> -> memref<128x32xf32, #tpu.memory_space<vmem>>
    %dma_start3A_66 = arith.constant 0 : i32
    %dma_start3A_67 = tpu.memref_slice %arg9[%dma_start3A_62, %dma_start3A_66] : memref<4x128xi32, #tpu.memory_space<vmem>> -> memref<1x128xi32, #tpu.memory_space<vmem>>
    %dma_start3A_68 = tpu.memref_squeeze %dma_start3A_67 : memref<1x128xi32, #tpu.memory_space<vmem>> -> memref<128xi32, #tpu.memory_space<vmem>>
    %dma_start3A_69 = arith.constant 0 : i32
    %dma_start3A_70 = arith.constant 0 : i32
    %dma_start3A_71 = tpu.memref_slice %arg5[%dma_start3A_69, %dma_start3A_70] : memref<100000x32xf32, #tpu.memory_space<hbm>> -> memref<100000x32xf32, #tpu.memory_space<hbm>>
    tpu.enqueue_indirect_dma source(%dma_start3A_71 : memref<100000x32xf32, #tpu.memory_space<hbm>>) target(%dma_start3A_65 : memref<128x32xf32, #tpu.memory_space<vmem>>) offsets(%dma_start3A_68 : memref<128xi32, #tpu.memory_space<vmem>>) semaphore(%arg12 : memref<!tpu.dma_semaphore, #tpu.memory_space<semaphore_mem>>)
    %dma_start3A_72 = arith.constant 3 : i32
    %dma_start3A_73 = arith.constant 384 : i32
    %dma_start3A_74 = arith.constant 0 : i32
    %dma_start3A_75 = tpu.memref_slice %arg11[%dma_start3A_73, %dma_start3A_74] : memref<512x32xf32, #tpu.memory_space<vmem>> -> memref<128x32xf32, #tpu.memory_space<vmem>>
    %dma_start3A_76 = arith.constant 0 : i32
    %dma_start3A_77 = tpu.memref_slice %arg9[%dma_start3A_72, %dma_start3A_76] : memref<4x128xi32, #tpu.memory_space<vmem>> -> memref<1x128xi32, #tpu.memory_space<vmem>>
    %dma_start3A_78 = tpu.memref_squeeze %dma_start3A_77 : memref<1x128xi32, #tpu.memory_space<vmem>> -> memref<128xi32, #tpu.memory_space<vmem>>
    %dma_start3A_79 = arith.constant 0 : i32
    %dma_start3A_80 = arith.constant 0 : i32
    %dma_start3A_81 = tpu.memref_slice %arg5[%dma_start3A_79, %dma_start3A_80] : memref<100000x32xf32, #tpu.memory_space<hbm>> -> memref<100000x32xf32, #tpu.memory_space<hbm>>
    tpu.enqueue_indirect_dma source(%dma_start3A_81 : memref<100000x32xf32, #tpu.memory_space<hbm>>) target(%dma_start3A_75 : memref<128x32xf32, #tpu.memory_space<vmem>>) offsets(%dma_start3A_78 : memref<128xi32, #tpu.memory_space<vmem>>) semaphore(%arg12 : memref<!tpu.dma_semaphore, #tpu.memory_space<semaphore_mem>>)
    %dma_wait3A = arith.constant 0 : i32
    %dma_wait3A_82 = arith.constant 0 : i32
    %dma_wait3A_83 = arith.constant 0 : i32
    %dma_wait3A_84 = tpu.memref_slice %arg10[%dma_wait3A_82, %dma_wait3A_83] : memref<512x32xf32, #tpu.memory_space<vmem>> -> memref<128x32xf32, #tpu.memory_space<vmem>>
    %dma_wait3A_85 = arith.constant 0 : i32
    %dma_wait3A_86 = tpu.memref_slice %arg8[%dma_wait3A, %dma_wait3A_85] : memref<4x128xi32, #tpu.memory_space<vmem>> -> memref<1x128xi32, #tpu.memory_space<vmem>>
    %dma_wait3A_87 = tpu.memref_squeeze %dma_wait3A_86 : memref<1x128xi32, #tpu.memory_space<vmem>> -> memref<128xi32, #tpu.memory_space<vmem>>
    %dma_wait3A_88 = arith.constant 0 : i32
    %dma_wait3A_89 = arith.constant 0 : i32
    %dma_wait3A_90 = tpu.memref_slice %arg4[%dma_wait3A_88, %dma_wait3A_89] : memref<100000x32xf32, #tpu.memory_space<hbm>> -> memref<100000x32xf32, #tpu.memory_space<hbm>>
    tpu.wait_indirect_dma semaphore(%arg12 : memref<!tpu.dma_semaphore, #tpu.memory_space<semaphore_mem>>) src(%dma_wait3A_90 : memref<100000x32xf32, #tpu.memory_space<hbm>>) dst(%dma_wait3A_84 : memref<128x32xf32, #tpu.memory_space<vmem>>)
    %dma_wait3A_91 = arith.constant 1 : i32
    %dma_wait3A_92 = arith.constant 128 : i32
    %dma_wait3A_93 = arith.constant 0 : i32
    %dma_wait3A_94 = tpu.memref_slice %arg10[%dma_wait3A_92, %dma_wait3A_93] : memref<512x32xf32, #tpu.memory_space<vmem>> -> memref<128x32xf32, #tpu.memory_space<vmem>>
    %dma_wait3A_95 = arith.constant 0 : i32
    %dma_wait3A_96 = tpu.memref_slice %arg8[%dma_wait3A_91, %dma_wait3A_95] : memref<4x128xi32, #tpu.memory_space<vmem>> -> memref<1x128xi32, #tpu.memory_space<vmem>>
    %dma_wait3A_97 = tpu.memref_squeeze %dma_wait3A_96 : memref<1x128xi32, #tpu.memory_space<vmem>> -> memref<128xi32, #tpu.memory_space<vmem>>
    %dma_wait3A_98 = arith.constant 0 : i32
    %dma_wait3A_99 = arith.constant 0 : i32
    %dma_wait3A_100 = tpu.memref_slice %arg4[%dma_wait3A_98, %dma_wait3A_99] : memref<100000x32xf32, #tpu.memory_space<hbm>> -> memref<100000x32xf32, #tpu.memory_space<hbm>>
    tpu.wait_indirect_dma semaphore(%arg12 : memref<!tpu.dma_semaphore, #tpu.memory_space<semaphore_mem>>) src(%dma_wait3A_100 : memref<100000x32xf32, #tpu.memory_space<hbm>>) dst(%dma_wait3A_94 : memref<128x32xf32, #tpu.memory_space<vmem>>)
    %dma_wait3A_101 = arith.constant 2 : i32
    %dma_wait3A_102 = arith.constant 256 : i32
    %dma_wait3A_103 = arith.constant 0 : i32
    %dma_wait3A_104 = tpu.memref_slice %arg10[%dma_wait3A_102, %dma_wait3A_103] : memref<512x32xf32, #tpu.memory_space<vmem>> -> memref<128x32xf32, #tpu.memory_space<vmem>>
    %dma_wait3A_105 = arith.constant 0 : i32
    %dma_wait3A_106 = tpu.memref_slice %arg8[%dma_wait3A_101, %dma_wait3A_105] : memref<4x128xi32, #tpu.memory_space<vmem>> -> memref<1x128xi32, #tpu.memory_space<vmem>>
    %dma_wait3A_107 = tpu.memref_squeeze %dma_wait3A_106 : memref<1x128xi32, #tpu.memory_space<vmem>> -> memref<128xi32, #tpu.memory_space<vmem>>
    %dma_wait3A_108 = arith.constant 0 : i32
    %dma_wait3A_109 = arith.constant 0 : i32
    %dma_wait3A_110 = tpu.memref_slice %arg4[%dma_wait3A_108, %dma_wait3A_109] : memref<100000x32xf32, #tpu.memory_space<hbm>> -> memref<100000x32xf32, #tpu.memory_space<hbm>>
    tpu.wait_indirect_dma semaphore(%arg12 : memref<!tpu.dma_semaphore, #tpu.memory_space<semaphore_mem>>) src(%dma_wait3A_110 : memref<100000x32xf32, #tpu.memory_space<hbm>>) dst(%dma_wait3A_104 : memref<128x32xf32, #tpu.memory_space<vmem>>)
    %dma_wait3A_111 = arith.constant 3 : i32
    %dma_wait3A_112 = arith.constant 384 : i32
    %dma_wait3A_113 = arith.constant 0 : i32
    %dma_wait3A_114 = tpu.memref_slice %arg10[%dma_wait3A_112, %dma_wait3A_113] : memref<512x32xf32, #tpu.memory_space<vmem>> -> memref<128x32xf32, #tpu.memory_space<vmem>>
    %dma_wait3A_115 = arith.constant 0 : i32
    %dma_wait3A_116 = tpu.memref_slice %arg8[%dma_wait3A_111, %dma_wait3A_115] : memref<4x128xi32, #tpu.memory_space<vmem>> -> memref<1x128xi32, #tpu.memory_space<vmem>>
    %dma_wait3A_117 = tpu.memref_squeeze %dma_wait3A_116 : memref<1x128xi32, #tpu.memory_space<vmem>> -> memref<128xi32, #tpu.memory_space<vmem>>
    %dma_wait3A_118 = arith.constant 0 : i32
    %dma_wait3A_119 = arith.constant 0 : i32
    %dma_wait3A_120 = tpu.memref_slice %arg4[%dma_wait3A_118, %dma_wait3A_119] : memref<100000x32xf32, #tpu.memory_space<hbm>> -> memref<100000x32xf32, #tpu.memory_space<hbm>>
    tpu.wait_indirect_dma semaphore(%arg12 : memref<!tpu.dma_semaphore, #tpu.memory_space<semaphore_mem>>) src(%dma_wait3A_120 : memref<100000x32xf32, #tpu.memory_space<hbm>>) dst(%dma_wait3A_114 : memref<128x32xf32, #tpu.memory_space<vmem>>)
    %dma_wait3A_121 = arith.constant 0 : i32
    %dma_wait3A_122 = arith.constant 0 : i32
    %dma_wait3A_123 = arith.constant 0 : i32
    %dma_wait3A_124 = tpu.memref_slice %arg11[%dma_wait3A_122, %dma_wait3A_123] : memref<512x32xf32, #tpu.memory_space<vmem>> -> memref<128x32xf32, #tpu.memory_space<vmem>>
    %dma_wait3A_125 = arith.constant 0 : i32
    %dma_wait3A_126 = tpu.memref_slice %arg9[%dma_wait3A_121, %dma_wait3A_125] : memref<4x128xi32, #tpu.memory_space<vmem>> -> memref<1x128xi32, #tpu.memory_space<vmem>>
    %dma_wait3A_127 = tpu.memref_squeeze %dma_wait3A_126 : memref<1x128xi32, #tpu.memory_space<vmem>> -> memref<128xi32, #tpu.memory_space<vmem>>
    %dma_wait3A_128 = arith.constant 0 : i32
    %dma_wait3A_129 = arith.constant 0 : i32
    %dma_wait3A_130 = tpu.memref_slice %arg5[%dma_wait3A_128, %dma_wait3A_129] : memref<100000x32xf32, #tpu.memory_space<hbm>> -> memref<100000x32xf32, #tpu.memory_space<hbm>>
    tpu.wait_indirect_dma semaphore(%arg12 : memref<!tpu.dma_semaphore, #tpu.memory_space<semaphore_mem>>) src(%dma_wait3A_130 : memref<100000x32xf32, #tpu.memory_space<hbm>>) dst(%dma_wait3A_124 : memref<128x32xf32, #tpu.memory_space<vmem>>)
    %dma_wait3A_131 = arith.constant 1 : i32
    %dma_wait3A_132 = arith.constant 128 : i32
    %dma_wait3A_133 = arith.constant 0 : i32
    %dma_wait3A_134 = tpu.memref_slice %arg11[%dma_wait3A_132, %dma_wait3A_133] : memref<512x32xf32, #tpu.memory_space<vmem>> -> memref<128x32xf32, #tpu.memory_space<vmem>>
    %dma_wait3A_135 = arith.constant 0 : i32
    %dma_wait3A_136 = tpu.memref_slice %arg9[%dma_wait3A_131, %dma_wait3A_135] : memref<4x128xi32, #tpu.memory_space<vmem>> -> memref<1x128xi32, #tpu.memory_space<vmem>>
    %dma_wait3A_137 = tpu.memref_squeeze %dma_wait3A_136 : memref<1x128xi32, #tpu.memory_space<vmem>> -> memref<128xi32, #tpu.memory_space<vmem>>
    %dma_wait3A_138 = arith.constant 0 : i32
    %dma_wait3A_139 = arith.constant 0 : i32
    %dma_wait3A_140 = tpu.memref_slice %arg5[%dma_wait3A_138, %dma_wait3A_139] : memref<100000x32xf32, #tpu.memory_space<hbm>> -> memref<100000x32xf32, #tpu.memory_space<hbm>>
    tpu.wait_indirect_dma semaphore(%arg12 : memref<!tpu.dma_semaphore, #tpu.memory_space<semaphore_mem>>) src(%dma_wait3A_140 : memref<100000x32xf32, #tpu.memory_space<hbm>>) dst(%dma_wait3A_134 : memref<128x32xf32, #tpu.memory_space<vmem>>)
    %dma_wait3A_141 = arith.constant 2 : i32
    %dma_wait3A_142 = arith.constant 256 : i32
    %dma_wait3A_143 = arith.constant 0 : i32
    %dma_wait3A_144 = tpu.memref_slice %arg11[%dma_wait3A_142, %dma_wait3A_143] : memref<512x32xf32, #tpu.memory_space<vmem>> -> memref<128x32xf32, #tpu.memory_space<vmem>>
    %dma_wait3A_145 = arith.constant 0 : i32
    %dma_wait3A_146 = tpu.memref_slice %arg9[%dma_wait3A_141, %dma_wait3A_145] : memref<4x128xi32, #tpu.memory_space<vmem>> -> memref<1x128xi32, #tpu.memory_space<vmem>>
    %dma_wait3A_147 = tpu.memref_squeeze %dma_wait3A_146 : memref<1x128xi32, #tpu.memory_space<vmem>> -> memref<128xi32, #tpu.memory_space<vmem>>
    %dma_wait3A_148 = arith.constant 0 : i32
    %dma_wait3A_149 = arith.constant 0 : i32
    %dma_wait3A_150 = tpu.memref_slice %arg5[%dma_wait3A_148, %dma_wait3A_149] : memref<100000x32xf32, #tpu.memory_space<hbm>> -> memref<100000x32xf32, #tpu.memory_space<hbm>>
    tpu.wait_indirect_dma semaphore(%arg12 : memref<!tpu.dma_semaphore, #tpu.memory_space<semaphore_mem>>) src(%dma_wait3A_150 : memref<100000x32xf32, #tpu.memory_space<hbm>>) dst(%dma_wait3A_144 : memref<128x32xf32, #tpu.memory_space<vmem>>)
    %dma_wait3A_151 = arith.constant 3 : i32
    %dma_wait3A_152 = arith.constant 384 : i32
    %dma_wait3A_153 = arith.constant 0 : i32
    %dma_wait3A_154 = tpu.memref_slice %arg11[%dma_wait3A_152, %dma_wait3A_153] : memref<512x32xf32, #tpu.memory_space<vmem>> -> memref<128x32xf32, #tpu.memory_space<vmem>>
    %dma_wait3A_155 = arith.constant 0 : i32
    %dma_wait3A_156 = tpu.memref_slice %arg9[%dma_wait3A_151, %dma_wait3A_155] : memref<4x128xi32, #tpu.memory_space<vmem>> -> memref<1x128xi32, #tpu.memory_space<vmem>>
    %dma_wait3A_157 = tpu.memref_squeeze %dma_wait3A_156 : memref<1x128xi32, #tpu.memory_space<vmem>> -> memref<128xi32, #tpu.memory_space<vmem>>
    %dma_wait3A_158 = arith.constant 0 : i32
    %dma_wait3A_159 = arith.constant 0 : i32
    %dma_wait3A_160 = tpu.memref_slice %arg5[%dma_wait3A_158, %dma_wait3A_159] : memref<100000x32xf32, #tpu.memory_space<hbm>> -> memref<100000x32xf32, #tpu.memory_space<hbm>>
    tpu.wait_indirect_dma semaphore(%arg12 : memref<!tpu.dma_semaphore, #tpu.memory_space<semaphore_mem>>) src(%dma_wait3A_160 : memref<100000x32xf32, #tpu.memory_space<hbm>>) dst(%dma_wait3A_154 : memref<128x32xf32, #tpu.memory_space<vmem>>)
    "tpu.region"() ({
      %run_scoped3A = tpu.sem_alloc : memref<!tpu.dma_semaphore, #tpu.memory_space<semaphore_mem>>
      %dma_start3A_161 = arith.constant 0 : i32
      %dma_start3A_162 = tpu.memref_slice %arg6[%mul3A_2, %dma_start3A_161] : memref<16384x32xf32, #tpu.memory_space<hbm>> -> memref<512x32xf32, #tpu.memory_space<hbm>>
      %dma_start3A_163 = arith.constant 0 : i32
      %dma_start3A_164 = tpu.memref_slice %arg6[%mul3A_2, %dma_start3A_163] : memref<16384x32xf32, #tpu.memory_space<hbm>> -> memref<512x32xf32, #tpu.memory_space<hbm>>
      tpu.enqueue_dma source(%arg10 : memref<512x32xf32, #tpu.memory_space<vmem>>) target(%dma_start3A_164 : memref<512x32xf32, #tpu.memory_space<hbm>>) target_semaphore(%run_scoped3A : memref<!tpu.dma_semaphore, #tpu.memory_space<semaphore_mem>>)
      %dma_wait3A_165 = arith.constant 0 : i32
      %dma_wait3A_166 = tpu.memref_slice %arg6[%mul3A_2, %dma_wait3A_165] : memref<16384x32xf32, #tpu.memory_space<hbm>> -> memref<512x32xf32, #tpu.memory_space<hbm>>
      %dma_wait3A_167 = arith.constant 0 : i32
      %dma_wait3A_168 = tpu.memref_slice %arg6[%mul3A_2, %dma_wait3A_167] : memref<16384x32xf32, #tpu.memory_space<hbm>> -> memref<512x32xf32, #tpu.memory_space<hbm>>
      tpu.wait_dma2 semaphore(%run_scoped3A : memref<!tpu.dma_semaphore, #tpu.memory_space<semaphore_mem>>) src(%arg10 : memref<512x32xf32, #tpu.memory_space<vmem>>) dst(%dma_wait3A_168 : memref<512x32xf32, #tpu.memory_space<hbm>>)
      tpu.yield
    }) : () -> ()
    "tpu.region"() ({
      %run_scoped3A = tpu.sem_alloc : memref<!tpu.dma_semaphore, #tpu.memory_space<semaphore_mem>>
      %dma_start3A_161 = arith.constant 0 : i32
      %dma_start3A_162 = tpu.memref_slice %arg7[%mul3A_2, %dma_start3A_161] : memref<16384x32xf32, #tpu.memory_space<hbm>> -> memref<512x32xf32, #tpu.memory_space<hbm>>
      %dma_start3A_163 = arith.constant 0 : i32
      %dma_start3A_164 = tpu.memref_slice %arg7[%mul3A_2, %dma_start3A_163] : memref<16384x32xf32, #tpu.memory_space<hbm>> -> memref<512x32xf32, #tpu.memory_space<hbm>>
      tpu.enqueue_dma source(%arg11 : memref<512x32xf32, #tpu.memory_space<vmem>>) target(%dma_start3A_164 : memref<512x32xf32, #tpu.memory_space<hbm>>) target_semaphore(%run_scoped3A : memref<!tpu.dma_semaphore, #tpu.memory_space<semaphore_mem>>)
      %dma_wait3A_165 = arith.constant 0 : i32
      %dma_wait3A_166 = tpu.memref_slice %arg7[%mul3A_2, %dma_wait3A_165] : memref<16384x32xf32, #tpu.memory_space<hbm>> -> memref<512x32xf32, #tpu.memory_space<hbm>>
      %dma_wait3A_167 = arith.constant 0 : i32
      %dma_wait3A_168 = tpu.memref_slice %arg7[%mul3A_2, %dma_wait3A_167] : memref<16384x32xf32, #tpu.memory_space<hbm>> -> memref<512x32xf32, #tpu.memory_space<hbm>>
      tpu.wait_dma2 semaphore(%run_scoped3A : memref<!tpu.dma_semaphore, #tpu.memory_space<semaphore_mem>>) src(%arg11 : memref<512x32xf32, #tpu.memory_space<vmem>>) dst(%dma_wait3A_168 : memref<512x32xf32, #tpu.memory_space<hbm>>)
      tpu.yield
    }) : () -> ()
    return
  }
}

#map = affine_map<(d0, d1) -> (0, 0)>
module attributes {stable_mosaic.version = 14 : i64} {
  func.func @gather_kernel(%arg0: i32, %arg1: i32, %arg2: memref<32x512xi32, #tpu.memory_space<hbm>>, %arg3: memref<32x1000000xf32, #tpu.memory_space<hbm>>, %arg4: memref<16384x32xf32, #tpu.memory_space<hbm>>, %arg5: memref<512xi32, #tpu.memory_space<vmem>>, %arg6: memref<2x4x32x128xf32, #tpu.memory_space<vmem>>, %arg7: memref<512x32xf32, #tpu.memory_space<vmem>>, %arg8: memref<!tpu.dma_semaphore, #tpu.memory_space<semaphore_mem>>, %arg9: memref<!tpu.dma_semaphore, #tpu.memory_space<semaphore_mem>>) attributes {dimension_semantics = [#tpu.dimension_semantics<core_parallel>, #tpu.dimension_semantics<subcore_parallel>], iteration_bounds = array<i64: 2, 16>, scalar_prefetch = 0 : i64, scratch_operands = 5 : i64, tpu.core_type = #tpu.core_type<sc_vector_subcore>, window_params = [{transform_indices = #map}, {transform_indices = #map}, {transform_indices = #map}]} {
    %mul3A = arith.constant 2 : i32
    %mul3A_0 = arith.muli %arg1, %mul3A : i32
    %add3A = arith.addi %mul3A_0, %arg0 : i32
    %mul3A_1 = arith.constant 512 : i32
    %mul3A_2 = arith.muli %add3A, %mul3A_1 : i32
    %iota3A = tpu.iota {dimensions = array<i32: 0>} : vector<16xi32>
    "tpu.region"() ({
      %run_scoped3A = tpu.sem_alloc : memref<!tpu.dma_semaphore, #tpu.memory_space<semaphore_mem>>
      %dma_start3A_76 = arith.constant 0 : i32
      %dma_start3A_77 = tpu.memref_slice %arg2[%add3A, %dma_start3A_76] : memref<32x512xi32, #tpu.memory_space<hbm>> -> memref<1x512xi32, #tpu.memory_space<hbm>>
      %dma_start3A_78 = tpu.memref_squeeze %dma_start3A_77 : memref<1x512xi32, #tpu.memory_space<hbm>> -> memref<512xi32, #tpu.memory_space<hbm>>
      %dma_start3A_79 = arith.constant 0 : i32
      %dma_start3A_80 = tpu.memref_slice %arg2[%add3A, %dma_start3A_79] : memref<32x512xi32, #tpu.memory_space<hbm>> -> memref<1x512xi32, #tpu.memory_space<hbm>>
      %dma_start3A_81 = tpu.memref_squeeze %dma_start3A_80 : memref<1x512xi32, #tpu.memory_space<hbm>> -> memref<512xi32, #tpu.memory_space<hbm>>
      tpu.enqueue_dma source(%dma_start3A_81 : memref<512xi32, #tpu.memory_space<hbm>>) target(%arg5 : memref<512xi32, #tpu.memory_space<vmem>>) target_semaphore(%run_scoped3A : memref<!tpu.dma_semaphore, #tpu.memory_space<semaphore_mem>>)
      %dma_wait3A = arith.constant 0 : i32
      %dma_wait3A_82 = tpu.memref_slice %arg2[%add3A, %dma_wait3A] : memref<32x512xi32, #tpu.memory_space<hbm>> -> memref<1x512xi32, #tpu.memory_space<hbm>>
      %dma_wait3A_83 = tpu.memref_squeeze %dma_wait3A_82 : memref<1x512xi32, #tpu.memory_space<hbm>> -> memref<512xi32, #tpu.memory_space<hbm>>
      %dma_wait3A_84 = arith.constant 0 : i32
      %dma_wait3A_85 = tpu.memref_slice %arg2[%add3A, %dma_wait3A_84] : memref<32x512xi32, #tpu.memory_space<hbm>> -> memref<1x512xi32, #tpu.memory_space<hbm>>
      %dma_wait3A_86 = tpu.memref_squeeze %dma_wait3A_85 : memref<1x512xi32, #tpu.memory_space<hbm>> -> memref<512xi32, #tpu.memory_space<hbm>>
      tpu.wait_dma2 semaphore(%run_scoped3A : memref<!tpu.dma_semaphore, #tpu.memory_space<semaphore_mem>>) src(%dma_wait3A_86 : memref<512xi32, #tpu.memory_space<hbm>>) dst(%arg5 : memref<512xi32, #tpu.memory_space<vmem>>)
      tpu.yield
    }) : () -> ()
    %get3A = arith.constant 0 : index
    %get3A_3 = tpu.vector_load %arg5[%get3A] {strides = array<i32>} : memref<512xi32, #tpu.memory_space<vmem>>, vector<16xi32>,
    %and3A = arith.constant -128 : i32
    %and3A_4 = vector.broadcast %and3A : i32 to vector<16xi32>
    %and3A_5 = arith.andi %get3A_3, %and3A_4 : vector<16xi32>
    %slice3A = vector.extract_strided_slice %and3A_5 {offsets = [0], sizes = [1], strides = [1]} : vector<16xi32> to vector<1xi32>
    %squeeze3A = vector.extract %slice3A[0] : i32 from vector<1xi32>
    %multiple_of3A = tpu.assume_multiple %squeeze3A, 128 : i32
    %dma_start3A = arith.constant 0 : i32
    %dma_start3A_6 = arith.constant 0 : i32
    %dma_start3A_7 = arith.constant 0 : i32
    %dma_start3A_8 = arith.constant 0 : i32
    %dma_start3A_9 = tpu.memref_slice %arg6[%dma_start3A, %dma_start3A_6, %dma_start3A_7, %dma_start3A_8] : memref<2x4x32x128xf32, #tpu.memory_space<vmem>> -> memref<1x1x32x128xf32, #tpu.memory_space<vmem>>
    %dma_start3A_10 = tpu.memref_squeeze %dma_start3A_9 : memref<1x1x32x128xf32, #tpu.memory_space<vmem>> -> memref<32x128xf32, #tpu.memory_space<vmem>>
    %dma_start3A_11 = arith.constant 0 : i32
    %dma_start3A_12 = tpu.memref_slice %arg3[%dma_start3A_11, %multiple_of3A] : memref<32x1000000xf32, #tpu.memory_space<hbm>> -> memref<32x128xf32, #tpu.memory_space<hbm>>
    %dma_start3A_13 = arith.constant 0 : i32
    %dma_start3A_14 = arith.constant 0 : i32
    %dma_start3A_15 = tpu.memref_slice %arg6[%dma_start3A, %dma_start3A_6, %dma_start3A_13, %dma_start3A_14] : memref<2x4x32x128xf32, #tpu.memory_space<vmem>> -> memref<1x1x32x128xf32, #tpu.memory_space<vmem>>
    %dma_start3A_16 = tpu.memref_squeeze %dma_start3A_15 : memref<1x1x32x128xf32, #tpu.memory_space<vmem>> -> memref<32x128xf32, #tpu.memory_space<vmem>>
    %dma_start3A_17 = arith.constant 0 : i32
    %dma_start3A_18 = tpu.memref_slice %arg3[%dma_start3A_17, %multiple_of3A] : memref<32x1000000xf32, #tpu.memory_space<hbm>> -> memref<32x128xf32, #tpu.memory_space<hbm>>
    tpu.enqueue_dma source(%dma_start3A_18 : memref<32x128xf32, #tpu.memory_space<hbm>>) target(%dma_start3A_16 : memref<32x128xf32, #tpu.memory_space<vmem>>) target_semaphore(%arg8 : memref<!tpu.dma_semaphore, #tpu.memory_space<semaphore_mem>>)
    %slice3A_19 = vector.extract_strided_slice %and3A_5 {offsets = [1], sizes = [1], strides = [1]} : vector<16xi32> to vector<1xi32>
    %squeeze3A_20 = vector.extract %slice3A_19[0] : i32 from vector<1xi32>
    %multiple_of3A_21 = tpu.assume_multiple %squeeze3A_20, 128 : i32
    %dma_start3A_22 = arith.constant 0 : i32
    %dma_start3A_23 = arith.constant 1 : i32
    %dma_start3A_24 = arith.constant 0 : i32
    %dma_start3A_25 = arith.constant 0 : i32
    %dma_start3A_26 = tpu.memref_slice %arg6[%dma_start3A_22, %dma_start3A_23, %dma_start3A_24, %dma_start3A_25] : memref<2x4x32x128xf32, #tpu.memory_space<vmem>> -> memref<1x1x32x128xf32, #tpu.memory_space<vmem>>
    %dma_start3A_27 = tpu.memref_squeeze %dma_start3A_26 : memref<1x1x32x128xf32, #tpu.memory_space<vmem>> -> memref<32x128xf32, #tpu.memory_space<vmem>>
    %dma_start3A_28 = arith.constant 0 : i32
    %dma_start3A_29 = tpu.memref_slice %arg3[%dma_start3A_28, %multiple_of3A_21] : memref<32x1000000xf32, #tpu.memory_space<hbm>> -> memref<32x128xf32, #tpu.memory_space<hbm>>
    %dma_start3A_30 = arith.constant 0 : i32
    %dma_start3A_31 = arith.constant 0 : i32
    %dma_start3A_32 = tpu.memref_slice %arg6[%dma_start3A_22, %dma_start3A_23, %dma_start3A_30, %dma_start3A_31] : memref<2x4x32x128xf32, #tpu.memory_space<vmem>> -> memref<1x1x32x128xf32, #tpu.memory_space<vmem>>
    %dma_start3A_33 = tpu.memref_squeeze %dma_start3A_32 : memref<1x1x32x128xf32, #tpu.memory_space<vmem>> -> memref<32x128xf32, #tpu.memory_space<vmem>>
    %dma_start3A_34 = arith.constant 0 : i32
    %dma_start3A_35 = tpu.memref_slice %arg3[%dma_start3A_34, %multiple_of3A_21] : memref<32x1000000xf32, #tpu.memory_space<hbm>> -> memref<32x128xf32, #tpu.memory_space<hbm>>
    tpu.enqueue_dma source(%dma_start3A_35 : memref<32x128xf32, #tpu.memory_space<hbm>>) target(%dma_start3A_33 : memref<32x128xf32, #tpu.memory_space<vmem>>) target_semaphore(%arg8 : memref<!tpu.dma_semaphore, #tpu.memory_space<semaphore_mem>>)
    %slice3A_36 = vector.extract_strided_slice %and3A_5 {offsets = [2], sizes = [1], strides = [1]} : vector<16xi32> to vector<1xi32>
    %squeeze3A_37 = vector.extract %slice3A_36[0] : i32 from vector<1xi32>
    %multiple_of3A_38 = tpu.assume_multiple %squeeze3A_37, 128 : i32
    %dma_start3A_39 = arith.constant 0 : i32
    %dma_start3A_40 = arith.constant 2 : i32
    %dma_start3A_41 = arith.constant 0 : i32
    %dma_start3A_42 = arith.constant 0 : i32
    %dma_start3A_43 = tpu.memref_slice %arg6[%dma_start3A_39, %dma_start3A_40, %dma_start3A_41, %dma_start3A_42] : memref<2x4x32x128xf32, #tpu.memory_space<vmem>> -> memref<1x1x32x128xf32, #tpu.memory_space<vmem>>
    %dma_start3A_44 = tpu.memref_squeeze %dma_start3A_43 : memref<1x1x32x128xf32, #tpu.memory_space<vmem>> -> memref<32x128xf32, #tpu.memory_space<vmem>>
    %dma_start3A_45 = arith.constant 0 : i32
    %dma_start3A_46 = tpu.memref_slice %arg3[%dma_start3A_45, %multiple_of3A_38] : memref<32x1000000xf32, #tpu.memory_space<hbm>> -> memref<32x128xf32, #tpu.memory_space<hbm>>
    %dma_start3A_47 = arith.constant 0 : i32
    %dma_start3A_48 = arith.constant 0 : i32
    %dma_start3A_49 = tpu.memref_slice %arg6[%dma_start3A_39, %dma_start3A_40, %dma_start3A_47, %dma_start3A_48] : memref<2x4x32x128xf32, #tpu.memory_space<vmem>> -> memref<1x1x32x128xf32, #tpu.memory_space<vmem>>
    %dma_start3A_50 = tpu.memref_squeeze %dma_start3A_49 : memref<1x1x32x128xf32, #tpu.memory_space<vmem>> -> memref<32x128xf32, #tpu.memory_space<vmem>>
    %dma_start3A_51 = arith.constant 0 : i32
    %dma_start3A_52 = tpu.memref_slice %arg3[%dma_start3A_51, %multiple_of3A_38] : memref<32x1000000xf32, #tpu.memory_space<hbm>> -> memref<32x128xf32, #tpu.memory_space<hbm>>
    tpu.enqueue_dma source(%dma_start3A_52 : memref<32x128xf32, #tpu.memory_space<hbm>>) target(%dma_start3A_50 : memref<32x128xf32, #tpu.memory_space<vmem>>) target_semaphore(%arg8 : memref<!tpu.dma_semaphore, #tpu.memory_space<semaphore_mem>>)
    %slice3A_53 = vector.extract_strided_slice %and3A_5 {offsets = [3], sizes = [1], strides = [1]} : vector<16xi32> to vector<1xi32>
    %squeeze3A_54 = vector.extract %slice3A_53[0] : i32 from vector<1xi32>
    %multiple_of3A_55 = tpu.assume_multiple %squeeze3A_54, 128 : i32
    %dma_start3A_56 = arith.constant 0 : i32
    %dma_start3A_57 = arith.constant 3 : i32
    %dma_start3A_58 = arith.constant 0 : i32
    %dma_start3A_59 = arith.constant 0 : i32
    %dma_start3A_60 = tpu.memref_slice %arg6[%dma_start3A_56, %dma_start3A_57, %dma_start3A_58, %dma_start3A_59] : memref<2x4x32x128xf32, #tpu.memory_space<vmem>> -> memref<1x1x32x128xf32, #tpu.memory_space<vmem>>
    %dma_start3A_61 = tpu.memref_squeeze %dma_start3A_60 : memref<1x1x32x128xf32, #tpu.memory_space<vmem>> -> memref<32x128xf32, #tpu.memory_space<vmem>>
    %dma_start3A_62 = arith.constant 0 : i32
    %dma_start3A_63 = tpu.memref_slice %arg3[%dma_start3A_62, %multiple_of3A_55] : memref<32x1000000xf32, #tpu.memory_space<hbm>> -> memref<32x128xf32, #tpu.memory_space<hbm>>
    %dma_start3A_64 = arith.constant 0 : i32
    %dma_start3A_65 = arith.constant 0 : i32
    %dma_start3A_66 = tpu.memref_slice %arg6[%dma_start3A_56, %dma_start3A_57, %dma_start3A_64, %dma_start3A_65] : memref<2x4x32x128xf32, #tpu.memory_space<vmem>> -> memref<1x1x32x128xf32, #tpu.memory_space<vmem>>
    %dma_start3A_67 = tpu.memref_squeeze %dma_start3A_66 : memref<1x1x32x128xf32, #tpu.memory_space<vmem>> -> memref<32x128xf32, #tpu.memory_space<vmem>>
    %dma_start3A_68 = arith.constant 0 : i32
    %dma_start3A_69 = tpu.memref_slice %arg3[%dma_start3A_68, %multiple_of3A_55] : memref<32x1000000xf32, #tpu.memory_space<hbm>> -> memref<32x128xf32, #tpu.memory_space<hbm>>
    tpu.enqueue_dma source(%dma_start3A_69 : memref<32x128xf32, #tpu.memory_space<hbm>>) target(%dma_start3A_67 : memref<32x128xf32, #tpu.memory_space<vmem>>) target_semaphore(%arg8 : memref<!tpu.dma_semaphore, #tpu.memory_space<semaphore_mem>>)
    %scan3A = arith.constant 0 : i32
    %scan3A_70 = arith.constant 0 : i32
    %scan3A_71 = arith.constant 32 : i32
    %scan3A_72 = arith.addi %scan3A_70, %scan3A_71 : i32
    %scan3A_73 = arith.constant 1 : i32
    %scan3A_74 = scf.for %scan3A_76 = %scan3A_70 to %scan3A_72 step %scan3A_73 iter_args(%scan3A_77 = %scan3A) -> (i32)  : i32 {
      %mul3A_78 = arith.constant 16 : i32
      %mul3A_79 = arith.muli %scan3A_76, %mul3A_78 : i32
      %get3A_80 = arith.index_cast %mul3A_79 : i32 to index
      %get3A_81 = tpu.vector_load %arg5[%get3A_80] {strides = array<i32>} : memref<512xi32, #tpu.memory_space<vmem>>, vector<16xi32>,
      %mul3A_82 = arith.constant 16 : i32
      %mul3A_83 = arith.muli %scan3A_76, %mul3A_82 : i32
      %and3A_84 = arith.constant -128 : i32
      %and3A_85 = vector.broadcast %and3A_84 : i32 to vector<16xi32>
      %and3A_86 = arith.andi %get3A_81, %and3A_85 : vector<16xi32>
      %slice3A_87 = vector.extract_strided_slice %and3A_86 {offsets = [4], sizes = [1], strides = [1]} : vector<16xi32> to vector<1xi32>
      %squeeze3A_88 = vector.extract %slice3A_87[0] : i32 from vector<1xi32>
      %multiple_of3A_89 = tpu.assume_multiple %squeeze3A_88, 128 : i32
      %dma_start3A_90 = arith.constant 1 : i32
      %dma_start3A_91 = arith.constant 0 : i32
      %dma_start3A_92 = arith.constant 0 : i32
      %dma_start3A_93 = arith.constant 0 : i32
      %dma_start3A_94 = tpu.memref_slice %arg6[%dma_start3A_90, %dma_start3A_91, %dma_start3A_92, %dma_start3A_93] : memref<2x4x32x128xf32, #tpu.memory_space<vmem>> -> memref<1x1x32x128xf32, #tpu.memory_space<vmem>>
      %dma_start3A_95 = tpu.memref_squeeze %dma_start3A_94 : memref<1x1x32x128xf32, #tpu.memory_space<vmem>> -> memref<32x128xf32, #tpu.memory_space<vmem>>
      %dma_start3A_96 = arith.constant 0 : i32
      %dma_start3A_97 = tpu.memref_slice %arg3[%dma_start3A_96, %multiple_of3A_89] : memref<32x1000000xf32, #tpu.memory_space<hbm>> -> memref<32x128xf32, #tpu.memory_space<hbm>>
      %dma_start3A_98 = arith.constant 0 : i32
      %dma_start3A_99 = arith.constant 0 : i32
      %dma_start3A_100 = tpu.memref_slice %arg6[%dma_start3A_90, %dma_start3A_91, %dma_start3A_98, %dma_start3A_99] : memref<2x4x32x128xf32, #tpu.memory_space<vmem>> -> memref<1x1x32x128xf32, #tpu.memory_space<vmem>>
      %dma_start3A_101 = tpu.memref_squeeze %dma_start3A_100 : memref<1x1x32x128xf32, #tpu.memory_space<vmem>> -> memref<32x128xf32, #tpu.memory_space<vmem>>
      %dma_start3A_102 = arith.constant 0 : i32
      %dma_start3A_103 = tpu.memref_slice %arg3[%dma_start3A_102, %multiple_of3A_89] : memref<32x1000000xf32, #tpu.memory_space<hbm>> -> memref<32x128xf32, #tpu.memory_space<hbm>>
      tpu.enqueue_dma source(%dma_start3A_103 : memref<32x128xf32, #tpu.memory_space<hbm>>) target(%dma_start3A_101 : memref<32x128xf32, #tpu.memory_space<vmem>>) target_semaphore(%arg9 : memref<!tpu.dma_semaphore, #tpu.memory_space<semaphore_mem>>)
      %slice3A_104 = vector.extract_strided_slice %and3A_86 {offsets = [5], sizes = [1], strides = [1]} : vector<16xi32> to vector<1xi32>
      %squeeze3A_105 = vector.extract %slice3A_104[0] : i32 from vector<1xi32>
      %multiple_of3A_106 = tpu.assume_multiple %squeeze3A_105, 128 : i32
      %dma_start3A_107 = arith.constant 1 : i32
      %dma_start3A_108 = arith.constant 1 : i32
      %dma_start3A_109 = arith.constant 0 : i32
      %dma_start3A_110 = arith.constant 0 : i32
      %dma_start3A_111 = tpu.memref_slice %arg6[%dma_start3A_107, %dma_start3A_108, %dma_start3A_109, %dma_start3A_110] : memref<2x4x32x128xf32, #tpu.memory_space<vmem>> -> memref<1x1x32x128xf32, #tpu.memory_space<vmem>>
      %dma_start3A_112 = tpu.memref_squeeze %dma_start3A_111 : memref<1x1x32x128xf32, #tpu.memory_space<vmem>> -> memref<32x128xf32, #tpu.memory_space<vmem>>
      %dma_start3A_113 = arith.constant 0 : i32
      %dma_start3A_114 = tpu.memref_slice %arg3[%dma_start3A_113, %multiple_of3A_106] : memref<32x1000000xf32, #tpu.memory_space<hbm>> -> memref<32x128xf32, #tpu.memory_space<hbm>>
      %dma_start3A_115 = arith.constant 0 : i32
      %dma_start3A_116 = arith.constant 0 : i32
      %dma_start3A_117 = tpu.memref_slice %arg6[%dma_start3A_107, %dma_start3A_108, %dma_start3A_115, %dma_start3A_116] : memref<2x4x32x128xf32, #tpu.memory_space<vmem>> -> memref<1x1x32x128xf32, #tpu.memory_space<vmem>>
      %dma_start3A_118 = tpu.memref_squeeze %dma_start3A_117 : memref<1x1x32x128xf32, #tpu.memory_space<vmem>> -> memref<32x128xf32, #tpu.memory_space<vmem>>
      %dma_start3A_119 = arith.constant 0 : i32
      %dma_start3A_120 = tpu.memref_slice %arg3[%dma_start3A_119, %multiple_of3A_106] : memref<32x1000000xf32, #tpu.memory_space<hbm>> -> memref<32x128xf32, #tpu.memory_space<hbm>>
      tpu.enqueue_dma source(%dma_start3A_120 : memref<32x128xf32, #tpu.memory_space<hbm>>) target(%dma_start3A_118 : memref<32x128xf32, #tpu.memory_space<vmem>>) target_semaphore(%arg9 : memref<!tpu.dma_semaphore, #tpu.memory_space<semaphore_mem>>)
      %slice3A_121 = vector.extract_strided_slice %and3A_86 {offsets = [6], sizes = [1], strides = [1]} : vector<16xi32> to vector<1xi32>
      %squeeze3A_122 = vector.extract %slice3A_121[0] : i32 from vector<1xi32>
      %multiple_of3A_123 = tpu.assume_multiple %squeeze3A_122, 128 : i32
      %dma_start3A_124 = arith.constant 1 : i32
      %dma_start3A_125 = arith.constant 2 : i32
      %dma_start3A_126 = arith.constant 0 : i32
      %dma_start3A_127 = arith.constant 0 : i32
      %dma_start3A_128 = tpu.memref_slice %arg6[%dma_start3A_124, %dma_start3A_125, %dma_start3A_126, %dma_start3A_127] : memref<2x4x32x128xf32, #tpu.memory_space<vmem>> -> memref<1x1x32x128xf32, #tpu.memory_space<vmem>>
      %dma_start3A_129 = tpu.memref_squeeze %dma_start3A_128 : memref<1x1x32x128xf32, #tpu.memory_space<vmem>> -> memref<32x128xf32, #tpu.memory_space<vmem>>
      %dma_start3A_130 = arith.constant 0 : i32
      %dma_start3A_131 = tpu.memref_slice %arg3[%dma_start3A_130, %multiple_of3A_123] : memref<32x1000000xf32, #tpu.memory_space<hbm>> -> memref<32x128xf32, #tpu.memory_space<hbm>>
      %dma_start3A_132 = arith.constant 0 : i32
      %dma_start3A_133 = arith.constant 0 : i32
      %dma_start3A_134 = tpu.memref_slice %arg6[%dma_start3A_124, %dma_start3A_125, %dma_start3A_132, %dma_start3A_133] : memref<2x4x32x128xf32, #tpu.memory_space<vmem>> -> memref<1x1x32x128xf32, #tpu.memory_space<vmem>>
      %dma_start3A_135 = tpu.memref_squeeze %dma_start3A_134 : memref<1x1x32x128xf32, #tpu.memory_space<vmem>> -> memref<32x128xf32, #tpu.memory_space<vmem>>
      %dma_start3A_136 = arith.constant 0 : i32
      %dma_start3A_137 = tpu.memref_slice %arg3[%dma_start3A_136, %multiple_of3A_123] : memref<32x1000000xf32, #tpu.memory_space<hbm>> -> memref<32x128xf32, #tpu.memory_space<hbm>>
      tpu.enqueue_dma source(%dma_start3A_137 : memref<32x128xf32, #tpu.memory_space<hbm>>) target(%dma_start3A_135 : memref<32x128xf32, #tpu.memory_space<vmem>>) target_semaphore(%arg9 : memref<!tpu.dma_semaphore, #tpu.memory_space<semaphore_mem>>)
      %slice3A_138 = vector.extract_strided_slice %and3A_86 {offsets = [7], sizes = [1], strides = [1]} : vector<16xi32> to vector<1xi32>
      %squeeze3A_139 = vector.extract %slice3A_138[0] : i32 from vector<1xi32>
      %multiple_of3A_140 = tpu.assume_multiple %squeeze3A_139, 128 : i32
      %dma_start3A_141 = arith.constant 1 : i32
      %dma_start3A_142 = arith.constant 3 : i32
      %dma_start3A_143 = arith.constant 0 : i32
      %dma_start3A_144 = arith.constant 0 : i32
      %dma_start3A_145 = tpu.memref_slice %arg6[%dma_start3A_141, %dma_start3A_142, %dma_start3A_143, %dma_start3A_144] : memref<2x4x32x128xf32, #tpu.memory_space<vmem>> -> memref<1x1x32x128xf32, #tpu.memory_space<vmem>>
      %dma_start3A_146 = tpu.memref_squeeze %dma_start3A_145 : memref<1x1x32x128xf32, #tpu.memory_space<vmem>> -> memref<32x128xf32, #tpu.memory_space<vmem>>
      %dma_start3A_147 = arith.constant 0 : i32
      %dma_start3A_148 = tpu.memref_slice %arg3[%dma_start3A_147, %multiple_of3A_140] : memref<32x1000000xf32, #tpu.memory_space<hbm>> -> memref<32x128xf32, #tpu.memory_space<hbm>>
      %dma_start3A_149 = arith.constant 0 : i32
      %dma_start3A_150 = arith.constant 0 : i32
      %dma_start3A_151 = tpu.memref_slice %arg6[%dma_start3A_141, %dma_start3A_142, %dma_start3A_149, %dma_start3A_150] : memref<2x4x32x128xf32, #tpu.memory_space<vmem>> -> memref<1x1x32x128xf32, #tpu.memory_space<vmem>>
      %dma_start3A_152 = tpu.memref_squeeze %dma_start3A_151 : memref<1x1x32x128xf32, #tpu.memory_space<vmem>> -> memref<32x128xf32, #tpu.memory_space<vmem>>
      %dma_start3A_153 = arith.constant 0 : i32
      %dma_start3A_154 = tpu.memref_slice %arg3[%dma_start3A_153, %multiple_of3A_140] : memref<32x1000000xf32, #tpu.memory_space<hbm>> -> memref<32x128xf32, #tpu.memory_space<hbm>>
      tpu.enqueue_dma source(%dma_start3A_154 : memref<32x128xf32, #tpu.memory_space<hbm>>) target(%dma_start3A_152 : memref<32x128xf32, #tpu.memory_space<vmem>>) target_semaphore(%arg9 : memref<!tpu.dma_semaphore, #tpu.memory_space<semaphore_mem>>)
      %and3A_155 = arith.constant 127 : i32
      %and3A_156 = vector.broadcast %and3A_155 : i32 to vector<16xi32>
      %and3A_157 = arith.andi %get3A_81, %and3A_156 : vector<16xi32>
      %dma_wait3A = arith.constant 0 : i32
      %dma_wait3A_158 = arith.constant 0 : i32
      %dma_wait3A_159 = arith.constant 0 : i32
      %dma_wait3A_160 = arith.constant 0 : i32
      %dma_wait3A_161 = tpu.memref_slice %arg6[%dma_wait3A, %dma_wait3A_158, %dma_wait3A_159, %dma_wait3A_160] : memref<2x4x32x128xf32, #tpu.memory_space<vmem>> -> memref<1x1x32x128xf32, #tpu.memory_space<vmem>>
      %dma_wait3A_162 = tpu.memref_squeeze %dma_wait3A_161 : memref<1x1x32x128xf32, #tpu.memory_space<vmem>> -> memref<32x128xf32, #tpu.memory_space<vmem>>
      %dma_wait3A_163 = arith.constant 0 : i32
      %dma_wait3A_164 = arith.constant 0 : i32
      %dma_wait3A_165 = tpu.memref_slice %arg3[%dma_wait3A_163, %dma_wait3A_164] : memref<32x1000000xf32, #tpu.memory_space<hbm>> -> memref<32x128xf32, #tpu.memory_space<hbm>>
      %dma_wait3A_166 = arith.constant 0 : i32
      %dma_wait3A_167 = arith.constant 0 : i32
      %dma_wait3A_168 = tpu.memref_slice %arg6[%dma_wait3A, %dma_wait3A_158, %dma_wait3A_166, %dma_wait3A_167] : memref<2x4x32x128xf32, #tpu.memory_space<vmem>> -> memref<1x1x32x128xf32, #tpu.memory_space<vmem>>
      %dma_wait3A_169 = tpu.memref_squeeze %dma_wait3A_168 : memref<1x1x32x128xf32, #tpu.memory_space<vmem>> -> memref<32x128xf32, #tpu.memory_space<vmem>>
      %dma_wait3A_170 = arith.constant 0 : i32
      %dma_wait3A_171 = arith.constant 0 : i32
      %dma_wait3A_172 = tpu.memref_slice %arg3[%dma_wait3A_170, %dma_wait3A_171] : memref<32x1000000xf32, #tpu.memory_space<hbm>> -> memref<32x128xf32, #tpu.memory_space<hbm>>
      tpu.wait_dma2 semaphore(%arg8 : memref<!tpu.dma_semaphore, #tpu.memory_space<semaphore_mem>>) src(%dma_wait3A_172 : memref<32x128xf32, #tpu.memory_space<hbm>>) dst(%dma_wait3A_169 : memref<32x128xf32, #tpu.memory_space<vmem>>)
      %dma_wait3A_173 = arith.constant 0 : i32
      %dma_wait3A_174 = arith.constant 1 : i32
      %dma_wait3A_175 = arith.constant 0 : i32
      %dma_wait3A_176 = arith.constant 0 : i32
      %dma_wait3A_177 = tpu.memref_slice %arg6[%dma_wait3A_173, %dma_wait3A_174, %dma_wait3A_175, %dma_wait3A_176] : memref<2x4x32x128xf32, #tpu.memory_space<vmem>> -> memref<1x1x32x128xf32, #tpu.memory_space<vmem>>
      %dma_wait3A_178 = tpu.memref_squeeze %dma_wait3A_177 : memref<1x1x32x128xf32, #tpu.memory_space<vmem>> -> memref<32x128xf32, #tpu.memory_space<vmem>>
      %dma_wait3A_179 = arith.constant 0 : i32
      %dma_wait3A_180 = arith.constant 0 : i32
      %dma_wait3A_181 = tpu.memref_slice %arg3[%dma_wait3A_179, %dma_wait3A_180] : memref<32x1000000xf32, #tpu.memory_space<hbm>> -> memref<32x128xf32, #tpu.memory_space<hbm>>
      %dma_wait3A_182 = arith.constant 0 : i32
      %dma_wait3A_183 = arith.constant 0 : i32
      %dma_wait3A_184 = tpu.memref_slice %arg6[%dma_wait3A_173, %dma_wait3A_174, %dma_wait3A_182, %dma_wait3A_183] : memref<2x4x32x128xf32, #tpu.memory_space<vmem>> -> memref<1x1x32x128xf32, #tpu.memory_space<vmem>>
      %dma_wait3A_185 = tpu.memref_squeeze %dma_wait3A_184 : memref<1x1x32x128xf32, #tpu.memory_space<vmem>> -> memref<32x128xf32, #tpu.memory_space<vmem>>
      %dma_wait3A_186 = arith.constant 0 : i32
      %dma_wait3A_187 = arith.constant 0 : i32
      %dma_wait3A_188 = tpu.memref_slice %arg3[%dma_wait3A_186, %dma_wait3A_187] : memref<32x1000000xf32, #tpu.memory_space<hbm>> -> memref<32x128xf32, #tpu.memory_space<hbm>>
      tpu.wait_dma2 semaphore(%arg8 : memref<!tpu.dma_semaphore, #tpu.memory_space<semaphore_mem>>) src(%dma_wait3A_188 : memref<32x128xf32, #tpu.memory_space<hbm>>) dst(%dma_wait3A_185 : memref<32x128xf32, #tpu.memory_space<vmem>>)
      %dma_wait3A_189 = arith.constant 0 : i32
      %dma_wait3A_190 = arith.constant 2 : i32
      %dma_wait3A_191 = arith.constant 0 : i32
      %dma_wait3A_192 = arith.constant 0 : i32
      %dma_wait3A_193 = tpu.memref_slice %arg6[%dma_wait3A_189, %dma_wait3A_190, %dma_wait3A_191, %dma_wait3A_192] : memref<2x4x32x128xf32, #tpu.memory_space<vmem>> -> memref<1x1x32x128xf32, #tpu.memory_space<vmem>>
      %dma_wait3A_194 = tpu.memref_squeeze %dma_wait3A_193 : memref<1x1x32x128xf32, #tpu.memory_space<vmem>> -> memref<32x128xf32, #tpu.memory_space<vmem>>
      %dma_wait3A_195 = arith.constant 0 : i32
      %dma_wait3A_196 = arith.constant 0 : i32
      %dma_wait3A_197 = tpu.memref_slice %arg3[%dma_wait3A_195, %dma_wait3A_196] : memref<32x1000000xf32, #tpu.memory_space<hbm>> -> memref<32x128xf32, #tpu.memory_space<hbm>>
      %dma_wait3A_198 = arith.constant 0 : i32
      %dma_wait3A_199 = arith.constant 0 : i32
      %dma_wait3A_200 = tpu.memref_slice %arg6[%dma_wait3A_189, %dma_wait3A_190, %dma_wait3A_198, %dma_wait3A_199] : memref<2x4x32x128xf32, #tpu.memory_space<vmem>> -> memref<1x1x32x128xf32, #tpu.memory_space<vmem>>
      %dma_wait3A_201 = tpu.memref_squeeze %dma_wait3A_200 : memref<1x1x32x128xf32, #tpu.memory_space<vmem>> -> memref<32x128xf32, #tpu.memory_space<vmem>>
      %dma_wait3A_202 = arith.constant 0 : i32
      %dma_wait3A_203 = arith.constant 0 : i32
      %dma_wait3A_204 = tpu.memref_slice %arg3[%dma_wait3A_202, %dma_wait3A_203] : memref<32x1000000xf32, #tpu.memory_space<hbm>> -> memref<32x128xf32, #tpu.memory_space<hbm>>
      tpu.wait_dma2 semaphore(%arg8 : memref<!tpu.dma_semaphore, #tpu.memory_space<semaphore_mem>>) src(%dma_wait3A_204 : memref<32x128xf32, #tpu.memory_space<hbm>>) dst(%dma_wait3A_201 : memref<32x128xf32, #tpu.memory_space<vmem>>)
      %dma_wait3A_205 = arith.constant 0 : i32
      %dma_wait3A_206 = arith.constant 3 : i32
      %dma_wait3A_207 = arith.constant 0 : i32
      %dma_wait3A_208 = arith.constant 0 : i32
      %dma_wait3A_209 = tpu.memref_slice %arg6[%dma_wait3A_205, %dma_wait3A_206, %dma_wait3A_207, %dma_wait3A_208] : memref<2x4x32x128xf32, #tpu.memory_space<vmem>> -> memref<1x1x32x128xf32, #tpu.memory_space<vmem>>
      %dma_wait3A_210 = tpu.memref_squeeze %dma_wait3A_209 : memref<1x1x32x128xf32, #tpu.memory_space<vmem>> -> memref<32x128xf32, #tpu.memory_space<vmem>>
      %dma_wait3A_211 = arith.constant 0 : i32
      %dma_wait3A_212 = arith.constant 0 : i32
      %dma_wait3A_213 = tpu.memref_slice %arg3[%dma_wait3A_211, %dma_wait3A_212] : memref<32x1000000xf32, #tpu.memory_space<hbm>> -> memref<32x128xf32, #tpu.memory_space<hbm>>
      %dma_wait3A_214 = arith.constant 0 : i32
      %dma_wait3A_215 = arith.constant 0 : i32
      %dma_wait3A_216 = tpu.memref_slice %arg6[%dma_wait3A_205, %dma_wait3A_206, %dma_wait3A_214, %dma_wait3A_215] : memref<2x4x32x128xf32, #tpu.memory_space<vmem>> -> memref<1x1x32x128xf32, #tpu.memory_space<vmem>>
      %dma_wait3A_217 = tpu.memref_squeeze %dma_wait3A_216 : memref<1x1x32x128xf32, #tpu.memory_space<vmem>> -> memref<32x128xf32, #tpu.memory_space<vmem>>
      %dma_wait3A_218 = arith.constant 0 : i32
      %dma_wait3A_219 = arith.constant 0 : i32
      %dma_wait3A_220 = tpu.memref_slice %arg3[%dma_wait3A_218, %dma_wait3A_219] : memref<32x1000000xf32, #tpu.memory_space<hbm>> -> memref<32x128xf32, #tpu.memory_space<hbm>>
      tpu.wait_dma2 semaphore(%arg8 : memref<!tpu.dma_semaphore, #tpu.memory_space<semaphore_mem>>) src(%dma_wait3A_220 : memref<32x128xf32, #tpu.memory_space<hbm>>) dst(%dma_wait3A_217 : memref<32x128xf32, #tpu.memory_space<vmem>>)
      %broadcast_in_dim3A = arith.constant 0 : i32
      %broadcast_in_dim3A_221 = vector.broadcast %broadcast_in_dim3A : i32 to vector<16xi32>
      %slice3A_222 = vector.extract_strided_slice %and3A_157 {offsets = [0], sizes = [1], strides = [1]} : vector<16xi32> to vector<1xi32>
      %squeeze3A_223 = vector.extract %slice3A_222[0] : i32 from vector<1xi32>
      %broadcast_in_dim3A_224 = vector.broadcast %squeeze3A_223 : i32 to vector<16xi32>
      %gather3A = arith.constant 0 : i32
      %gather3A_225 = arith.constant 0 : i32
      %gather3A_226 = arith.constant 0 : i32
      %gather3A_227 = arith.constant 0 : i32
      %gather3A_228 = tpu.memref_slice %arg6[%gather3A, %gather3A_225, %gather3A_226, %gather3A_227] : memref<2x4x32x128xf32, #tpu.memory_space<vmem>> -> memref<1x4x32x128xf32, #tpu.memory_space<vmem>>
      %gather3A_229 = tpu.memref_squeeze %gather3A_228 : memref<1x4x32x128xf32, #tpu.memory_space<vmem>> -> memref<4x32x128xf32, #tpu.memory_space<vmem>>
      %gather3A_230 = tpu.vector_load_idx %gather3A_229[%broadcast_in_dim3A_221, %iota3A, %broadcast_in_dim3A_224] : memref<4x32x128xf32, #tpu.memory_space<vmem>>[vector<16xi32>, vector<16xi32>, vector<16xi32>], vector<16xf32>,
      %add3A_231 = arith.constant 16 : i32
      %add3A_232 = vector.broadcast %add3A_231 : i32 to vector<16xi32>
      %add3A_233 = arith.addi %iota3A, %add3A_232 : vector<16xi32>
      %gather3A_234 = arith.constant 0 : i32
      %gather3A_235 = arith.constant 0 : i32
      %gather3A_236 = arith.constant 0 : i32
      %gather3A_237 = arith.constant 0 : i32
      %gather3A_238 = tpu.memref_slice %arg6[%gather3A_234, %gather3A_235, %gather3A_236, %gather3A_237] : memref<2x4x32x128xf32, #tpu.memory_space<vmem>> -> memref<1x4x32x128xf32, #tpu.memory_space<vmem>>
      %gather3A_239 = tpu.memref_squeeze %gather3A_238 : memref<1x4x32x128xf32, #tpu.memory_space<vmem>> -> memref<4x32x128xf32, #tpu.memory_space<vmem>>
      %gather3A_240 = tpu.vector_load_idx %gather3A_239[%broadcast_in_dim3A_221, %add3A_233, %broadcast_in_dim3A_224] : memref<4x32x128xf32, #tpu.memory_space<vmem>>[vector<16xi32>, vector<16xi32>, vector<16xi32>], vector<16xf32>,
      %add3A_241 = arith.constant 0 : i32
      %add3A_242 = arith.addi %mul3A_83, %add3A_241 : i32
      %add3A_243 = arith.constant 0 : i32
      %add3A_244 = arith.addi %add3A_242, %add3A_243 : i32
      %swap3A = arith.index_cast %add3A_244 : i32 to index
      %swap3A_245 = arith.constant 0 : index
      %swap3A_246 = tpu.vector_load %arg7[%swap3A, %swap3A_245] {strides = array<i32>} : memref<512x32xf32, #tpu.memory_space<vmem>>, vector<16xf32>,
      tpu.vector_store %arg7[%swap3A, %swap3A_245], %gather3A_230 {strides = array<i32>} : memref<512x32xf32, #tpu.memory_space<vmem>>, vector<16xf32>,
      %add3A_247 = arith.constant 0 : i32
      %add3A_248 = arith.addi %mul3A_83, %add3A_247 : i32
      %add3A_249 = arith.constant 0 : i32
      %add3A_250 = arith.addi %add3A_248, %add3A_249 : i32
      %swap3A_251 = arith.index_cast %add3A_250 : i32 to index
      %swap3A_252 = arith.constant 16 : index
      %swap3A_253 = tpu.vector_load %arg7[%swap3A_251, %swap3A_252] {strides = array<i32>} : memref<512x32xf32, #tpu.memory_space<vmem>>, vector<16xf32>,
      tpu.vector_store %arg7[%swap3A_251, %swap3A_252], %gather3A_240 {strides = array<i32>} : memref<512x32xf32, #tpu.memory_space<vmem>>, vector<16xf32>,
      %broadcast_in_dim3A_254 = arith.constant 1 : i32
      %broadcast_in_dim3A_255 = vector.broadcast %broadcast_in_dim3A_254 : i32 to vector<16xi32>
      %slice3A_256 = vector.extract_strided_slice %and3A_157 {offsets = [1], sizes = [1], strides = [1]} : vector<16xi32> to vector<1xi32>
      %squeeze3A_257 = vector.extract %slice3A_256[0] : i32 from vector<1xi32>
      %broadcast_in_dim3A_258 = vector.broadcast %squeeze3A_257 : i32 to vector<16xi32>
      %gather3A_259 = arith.constant 0 : i32
      %gather3A_260 = arith.constant 0 : i32
      %gather3A_261 = arith.constant 0 : i32
      %gather3A_262 = arith.constant 0 : i32
      %gather3A_263 = tpu.memref_slice %arg6[%gather3A_259, %gather3A_260, %gather3A_261, %gather3A_262] : memref<2x4x32x128xf32, #tpu.memory_space<vmem>> -> memref<1x4x32x128xf32, #tpu.memory_space<vmem>>
      %gather3A_264 = tpu.memref_squeeze %gather3A_263 : memref<1x4x32x128xf32, #tpu.memory_space<vmem>> -> memref<4x32x128xf32, #tpu.memory_space<vmem>>
      %gather3A_265 = tpu.vector_load_idx %gather3A_264[%broadcast_in_dim3A_255, %iota3A, %broadcast_in_dim3A_258] : memref<4x32x128xf32, #tpu.memory_space<vmem>>[vector<16xi32>, vector<16xi32>, vector<16xi32>], vector<16xf32>,
      %add3A_266 = arith.constant 16 : i32
      %add3A_267 = vector.broadcast %add3A_266 : i32 to vector<16xi32>
      %add3A_268 = arith.addi %iota3A, %add3A_267 : vector<16xi32>
      %gather3A_269 = arith.constant 0 : i32
      %gather3A_270 = arith.constant 0 : i32
      %gather3A_271 = arith.constant 0 : i32
      %gather3A_272 = arith.constant 0 : i32
      %gather3A_273 = tpu.memref_slice %arg6[%gather3A_269, %gather3A_270, %gather3A_271, %gather3A_272] : memref<2x4x32x128xf32, #tpu.memory_space<vmem>> -> memref<1x4x32x128xf32, #tpu.memory_space<vmem>>
      %gather3A_274 = tpu.memref_squeeze %gather3A_273 : memref<1x4x32x128xf32, #tpu.memory_space<vmem>> -> memref<4x32x128xf32, #tpu.memory_space<vmem>>
      %gather3A_275 = tpu.vector_load_idx %gather3A_274[%broadcast_in_dim3A_255, %add3A_268, %broadcast_in_dim3A_258] : memref<4x32x128xf32, #tpu.memory_space<vmem>>[vector<16xi32>, vector<16xi32>, vector<16xi32>], vector<16xf32>,
      %add3A_276 = arith.constant 0 : i32
      %add3A_277 = arith.addi %mul3A_83, %add3A_276 : i32
      %add3A_278 = arith.constant 1 : i32
      %add3A_279 = arith.addi %add3A_277, %add3A_278 : i32
      %swap3A_280 = arith.index_cast %add3A_279 : i32 to index
      %swap3A_281 = arith.constant 0 : index
      %swap3A_282 = tpu.vector_load %arg7[%swap3A_280, %swap3A_281] {strides = array<i32>} : memref<512x32xf32, #tpu.memory_space<vmem>>, vector<16xf32>,
      tpu.vector_store %arg7[%swap3A_280, %swap3A_281], %gather3A_265 {strides = array<i32>} : memref<512x32xf32, #tpu.memory_space<vmem>>, vector<16xf32>,
      %add3A_283 = arith.constant 0 : i32
      %add3A_284 = arith.addi %mul3A_83, %add3A_283 : i32
      %add3A_285 = arith.constant 1 : i32
      %add3A_286 = arith.addi %add3A_284, %add3A_285 : i32
      %swap3A_287 = arith.index_cast %add3A_286 : i32 to index
      %swap3A_288 = arith.constant 16 : index
      %swap3A_289 = tpu.vector_load %arg7[%swap3A_287, %swap3A_288] {strides = array<i32>} : memref<512x32xf32, #tpu.memory_space<vmem>>, vector<16xf32>,
      tpu.vector_store %arg7[%swap3A_287, %swap3A_288], %gather3A_275 {strides = array<i32>} : memref<512x32xf32, #tpu.memory_space<vmem>>, vector<16xf32>,
      %broadcast_in_dim3A_290 = arith.constant 2 : i32
      %broadcast_in_dim3A_291 = vector.broadcast %broadcast_in_dim3A_290 : i32 to vector<16xi32>
      %slice3A_292 = vector.extract_strided_slice %and3A_157 {offsets = [2], sizes = [1], strides = [1]} : vector<16xi32> to vector<1xi32>
      %squeeze3A_293 = vector.extract %slice3A_292[0] : i32 from vector<1xi32>
      %broadcast_in_dim3A_294 = vector.broadcast %squeeze3A_293 : i32 to vector<16xi32>
      %gather3A_295 = arith.constant 0 : i32
      %gather3A_296 = arith.constant 0 : i32
      %gather3A_297 = arith.constant 0 : i32
      %gather3A_298 = arith.constant 0 : i32
      %gather3A_299 = tpu.memref_slice %arg6[%gather3A_295, %gather3A_296, %gather3A_297, %gather3A_298] : memref<2x4x32x128xf32, #tpu.memory_space<vmem>> -> memref<1x4x32x128xf32, #tpu.memory_space<vmem>>
      %gather3A_300 = tpu.memref_squeeze %gather3A_299 : memref<1x4x32x128xf32, #tpu.memory_space<vmem>> -> memref<4x32x128xf32, #tpu.memory_space<vmem>>
      %gather3A_301 = tpu.vector_load_idx %gather3A_300[%broadcast_in_dim3A_291, %iota3A, %broadcast_in_dim3A_294] : memref<4x32x128xf32, #tpu.memory_space<vmem>>[vector<16xi32>, vector<16xi32>, vector<16xi32>], vector<16xf32>,
      %add3A_302 = arith.constant 16 : i32
      %add3A_303 = vector.broadcast %add3A_302 : i32 to vector<16xi32>
      %add3A_304 = arith.addi %iota3A, %add3A_303 : vector<16xi32>
      %gather3A_305 = arith.constant 0 : i32
      %gather3A_306 = arith.constant 0 : i32
      %gather3A_307 = arith.constant 0 : i32
      %gather3A_308 = arith.constant 0 : i32
      %gather3A_309 = tpu.memref_slice %arg6[%gather3A_305, %gather3A_306, %gather3A_307, %gather3A_308] : memref<2x4x32x128xf32, #tpu.memory_space<vmem>> -> memref<1x4x32x128xf32, #tpu.memory_space<vmem>>
      %gather3A_310 = tpu.memref_squeeze %gather3A_309 : memref<1x4x32x128xf32, #tpu.memory_space<vmem>> -> memref<4x32x128xf32, #tpu.memory_space<vmem>>
      %gather3A_311 = tpu.vector_load_idx %gather3A_310[%broadcast_in_dim3A_291, %add3A_304, %broadcast_in_dim3A_294] : memref<4x32x128xf32, #tpu.memory_space<vmem>>[vector<16xi32>, vector<16xi32>, vector<16xi32>], vector<16xf32>,
      %add3A_312 = arith.constant 0 : i32
      %add3A_313 = arith.addi %mul3A_83, %add3A_312 : i32
      %add3A_314 = arith.constant 2 : i32
      %add3A_315 = arith.addi %add3A_313, %add3A_314 : i32
      %swap3A_316 = arith.index_cast %add3A_315 : i32 to index
      %swap3A_317 = arith.constant 0 : index
      %swap3A_318 = tpu.vector_load %arg7[%swap3A_316, %swap3A_317] {strides = array<i32>} : memref<512x32xf32, #tpu.memory_space<vmem>>, vector<16xf32>,
      tpu.vector_store %arg7[%swap3A_316, %swap3A_317], %gather3A_301 {strides = array<i32>} : memref<512x32xf32, #tpu.memory_space<vmem>>, vector<16xf32>,
      %add3A_319 = arith.constant 0 : i32
      %add3A_320 = arith.addi %mul3A_83, %add3A_319 : i32
      %add3A_321 = arith.constant 2 : i32
      %add3A_322 = arith.addi %add3A_320, %add3A_321 : i32
      %swap3A_323 = arith.index_cast %add3A_322 : i32 to index
      %swap3A_324 = arith.constant 16 : index
      %swap3A_325 = tpu.vector_load %arg7[%swap3A_323, %swap3A_324] {strides = array<i32>} : memref<512x32xf32, #tpu.memory_space<vmem>>, vector<16xf32>,
      tpu.vector_store %arg7[%swap3A_323, %swap3A_324], %gather3A_311 {strides = array<i32>} : memref<512x32xf32, #tpu.memory_space<vmem>>, vector<16xf32>,
      %broadcast_in_dim3A_326 = arith.constant 3 : i32
      %broadcast_in_dim3A_327 = vector.broadcast %broadcast_in_dim3A_326 : i32 to vector<16xi32>
      %slice3A_328 = vector.extract_strided_slice %and3A_157 {offsets = [3], sizes = [1], strides = [1]} : vector<16xi32> to vector<1xi32>
      %squeeze3A_329 = vector.extract %slice3A_328[0] : i32 from vector<1xi32>
      %broadcast_in_dim3A_330 = vector.broadcast %squeeze3A_329 : i32 to vector<16xi32>
      %gather3A_331 = arith.constant 0 : i32
      %gather3A_332 = arith.constant 0 : i32
      %gather3A_333 = arith.constant 0 : i32
      %gather3A_334 = arith.constant 0 : i32
      %gather3A_335 = tpu.memref_slice %arg6[%gather3A_331, %gather3A_332, %gather3A_333, %gather3A_334] : memref<2x4x32x128xf32, #tpu.memory_space<vmem>> -> memref<1x4x32x128xf32, #tpu.memory_space<vmem>>
      %gather3A_336 = tpu.memref_squeeze %gather3A_335 : memref<1x4x32x128xf32, #tpu.memory_space<vmem>> -> memref<4x32x128xf32, #tpu.memory_space<vmem>>
      %gather3A_337 = tpu.vector_load_idx %gather3A_336[%broadcast_in_dim3A_327, %iota3A, %broadcast_in_dim3A_330] : memref<4x32x128xf32, #tpu.memory_space<vmem>>[vector<16xi32>, vector<16xi32>, vector<16xi32>], vector<16xf32>,
      %add3A_338 = arith.constant 16 : i32
      %add3A_339 = vector.broadcast %add3A_338 : i32 to vector<16xi32>
      %add3A_340 = arith.addi %iota3A, %add3A_339 : vector<16xi32>
      %gather3A_341 = arith.constant 0 : i32
      %gather3A_342 = arith.constant 0 : i32
      %gather3A_343 = arith.constant 0 : i32
      %gather3A_344 = arith.constant 0 : i32
      %gather3A_345 = tpu.memref_slice %arg6[%gather3A_341, %gather3A_342, %gather3A_343, %gather3A_344] : memref<2x4x32x128xf32, #tpu.memory_space<vmem>> -> memref<1x4x32x128xf32, #tpu.memory_space<vmem>>
      %gather3A_346 = tpu.memref_squeeze %gather3A_345 : memref<1x4x32x128xf32, #tpu.memory_space<vmem>> -> memref<4x32x128xf32, #tpu.memory_space<vmem>>
      %gather3A_347 = tpu.vector_load_idx %gather3A_346[%broadcast_in_dim3A_327, %add3A_340, %broadcast_in_dim3A_330] : memref<4x32x128xf32, #tpu.memory_space<vmem>>[vector<16xi32>, vector<16xi32>, vector<16xi32>], vector<16xf32>,
      %add3A_348 = arith.constant 0 : i32
      %add3A_349 = arith.addi %mul3A_83, %add3A_348 : i32
      %add3A_350 = arith.constant 3 : i32
      %add3A_351 = arith.addi %add3A_349, %add3A_350 : i32
      %swap3A_352 = arith.index_cast %add3A_351 : i32 to index
      %swap3A_353 = arith.constant 0 : index
      %swap3A_354 = tpu.vector_load %arg7[%swap3A_352, %swap3A_353] {strides = array<i32>} : memref<512x32xf32, #tpu.memory_space<vmem>>, vector<16xf32>,
      tpu.vector_store %arg7[%swap3A_352, %swap3A_353], %gather3A_337 {strides = array<i32>} : memref<512x32xf32, #tpu.memory_space<vmem>>, vector<16xf32>,
      %add3A_355 = arith.constant 0 : i32
      %add3A_356 = arith.addi %mul3A_83, %add3A_355 : i32
      %add3A_357 = arith.constant 3 : i32
      %add3A_358 = arith.addi %add3A_356, %add3A_357 : i32
      %swap3A_359 = arith.index_cast %add3A_358 : i32 to index
      %swap3A_360 = arith.constant 16 : index
      %swap3A_361 = tpu.vector_load %arg7[%swap3A_359, %swap3A_360] {strides = array<i32>} : memref<512x32xf32, #tpu.memory_space<vmem>>, vector<16xf32>,
      tpu.vector_store %arg7[%swap3A_359, %swap3A_360], %gather3A_347 {strides = array<i32>} : memref<512x32xf32, #tpu.memory_space<vmem>>, vector<16xf32>,
      %and3A_362 = arith.constant -128 : i32
      %and3A_363 = vector.broadcast %and3A_362 : i32 to vector<16xi32>
      %and3A_364 = arith.andi %get3A_81, %and3A_363 : vector<16xi32>
      %slice3A_365 = vector.extract_strided_slice %and3A_364 {offsets = [8], sizes = [1], strides = [1]} : vector<16xi32> to vector<1xi32>
      %squeeze3A_366 = vector.extract %slice3A_365[0] : i32 from vector<1xi32>
      %multiple_of3A_367 = tpu.assume_multiple %squeeze3A_366, 128 : i32
      %dma_start3A_368 = arith.constant 0 : i32
      %dma_start3A_369 = arith.constant 0 : i32
      %dma_start3A_370 = arith.constant 0 : i32
      %dma_start3A_371 = arith.constant 0 : i32
      %dma_start3A_372 = tpu.memref_slice %arg6[%dma_start3A_368, %dma_start3A_369, %dma_start3A_370, %dma_start3A_371] : memref<2x4x32x128xf32, #tpu.memory_space<vmem>> -> memref<1x1x32x128xf32, #tpu.memory_space<vmem>>
      %dma_start3A_373 = tpu.memref_squeeze %dma_start3A_372 : memref<1x1x32x128xf32, #tpu.memory_space<vmem>> -> memref<32x128xf32, #tpu.memory_space<vmem>>
      %dma_start3A_374 = arith.constant 0 : i32
      %dma_start3A_375 = tpu.memref_slice %arg3[%dma_start3A_374, %multiple_of3A_367] : memref<32x1000000xf32, #tpu.memory_space<hbm>> -> memref<32x128xf32, #tpu.memory_space<hbm>>
      %dma_start3A_376 = arith.constant 0 : i32
      %dma_start3A_377 = arith.constant 0 : i32
      %dma_start3A_378 = tpu.memref_slice %arg6[%dma_start3A_368, %dma_start3A_369, %dma_start3A_376, %dma_start3A_377] : memref<2x4x32x128xf32, #tpu.memory_space<vmem>> -> memref<1x1x32x128xf32, #tpu.memory_space<vmem>>
      %dma_start3A_379 = tpu.memref_squeeze %dma_start3A_378 : memref<1x1x32x128xf32, #tpu.memory_space<vmem>> -> memref<32x128xf32, #tpu.memory_space<vmem>>
      %dma_start3A_380 = arith.constant 0 : i32
      %dma_start3A_381 = tpu.memref_slice %arg3[%dma_start3A_380, %multiple_of3A_367] : memref<32x1000000xf32, #tpu.memory_space<hbm>> -> memref<32x128xf32, #tpu.memory_space<hbm>>
      tpu.enqueue_dma source(%dma_start3A_381 : memref<32x128xf32, #tpu.memory_space<hbm>>) target(%dma_start3A_379 : memref<32x128xf32, #tpu.memory_space<vmem>>) target_semaphore(%arg8 : memref<!tpu.dma_semaphore, #tpu.memory_space<semaphore_mem>>)
      %slice3A_382 = vector.extract_strided_slice %and3A_364 {offsets = [9], sizes = [1], strides = [1]} : vector<16xi32> to vector<1xi32>
      %squeeze3A_383 = vector.extract %slice3A_382[0] : i32 from vector<1xi32>
      %multiple_of3A_384 = tpu.assume_multiple %squeeze3A_383, 128 : i32
      %dma_start3A_385 = arith.constant 0 : i32
      %dma_start3A_386 = arith.constant 1 : i32
      %dma_start3A_387 = arith.constant 0 : i32
      %dma_start3A_388 = arith.constant 0 : i32
      %dma_start3A_389 = tpu.memref_slice %arg6[%dma_start3A_385, %dma_start3A_386, %dma_start3A_387, %dma_start3A_388] : memref<2x4x32x128xf32, #tpu.memory_space<vmem>> -> memref<1x1x32x128xf32, #tpu.memory_space<vmem>>
      %dma_start3A_390 = tpu.memref_squeeze %dma_start3A_389 : memref<1x1x32x128xf32, #tpu.memory_space<vmem>> -> memref<32x128xf32, #tpu.memory_space<vmem>>
      %dma_start3A_391 = arith.constant 0 : i32
      %dma_start3A_392 = tpu.memref_slice %arg3[%dma_start3A_391, %multiple_of3A_384] : memref<32x1000000xf32, #tpu.memory_space<hbm>> -> memref<32x128xf32, #tpu.memory_space<hbm>>
      %dma_start3A_393 = arith.constant 0 : i32
      %dma_start3A_394 = arith.constant 0 : i32
      %dma_start3A_395 = tpu.memref_slice %arg6[%dma_start3A_385, %dma_start3A_386, %dma_start3A_393, %dma_start3A_394] : memref<2x4x32x128xf32, #tpu.memory_space<vmem>> -> memref<1x1x32x128xf32, #tpu.memory_space<vmem>>
      %dma_start3A_396 = tpu.memref_squeeze %dma_start3A_395 : memref<1x1x32x128xf32, #tpu.memory_space<vmem>> -> memref<32x128xf32, #tpu.memory_space<vmem>>
      %dma_start3A_397 = arith.constant 0 : i32
      %dma_start3A_398 = tpu.memref_slice %arg3[%dma_start3A_397, %multiple_of3A_384] : memref<32x1000000xf32, #tpu.memory_space<hbm>> -> memref<32x128xf32, #tpu.memory_space<hbm>>
      tpu.enqueue_dma source(%dma_start3A_398 : memref<32x128xf32, #tpu.memory_space<hbm>>) target(%dma_start3A_396 : memref<32x128xf32, #tpu.memory_space<vmem>>) target_semaphore(%arg8 : memref<!tpu.dma_semaphore, #tpu.memory_space<semaphore_mem>>)
      %slice3A_399 = vector.extract_strided_slice %and3A_364 {offsets = [10], sizes = [1], strides = [1]} : vector<16xi32> to vector<1xi32>
      %squeeze3A_400 = vector.extract %slice3A_399[0] : i32 from vector<1xi32>
      %multiple_of3A_401 = tpu.assume_multiple %squeeze3A_400, 128 : i32
      %dma_start3A_402 = arith.constant 0 : i32
      %dma_start3A_403 = arith.constant 2 : i32
      %dma_start3A_404 = arith.constant 0 : i32
      %dma_start3A_405 = arith.constant 0 : i32
      %dma_start3A_406 = tpu.memref_slice %arg6[%dma_start3A_402, %dma_start3A_403, %dma_start3A_404, %dma_start3A_405] : memref<2x4x32x128xf32, #tpu.memory_space<vmem>> -> memref<1x1x32x128xf32, #tpu.memory_space<vmem>>
      %dma_start3A_407 = tpu.memref_squeeze %dma_start3A_406 : memref<1x1x32x128xf32, #tpu.memory_space<vmem>> -> memref<32x128xf32, #tpu.memory_space<vmem>>
      %dma_start3A_408 = arith.constant 0 : i32
      %dma_start3A_409 = tpu.memref_slice %arg3[%dma_start3A_408, %multiple_of3A_401] : memref<32x1000000xf32, #tpu.memory_space<hbm>> -> memref<32x128xf32, #tpu.memory_space<hbm>>
      %dma_start3A_410 = arith.constant 0 : i32
      %dma_start3A_411 = arith.constant 0 : i32
      %dma_start3A_412 = tpu.memref_slice %arg6[%dma_start3A_402, %dma_start3A_403, %dma_start3A_410, %dma_start3A_411] : memref<2x4x32x128xf32, #tpu.memory_space<vmem>> -> memref<1x1x32x128xf32, #tpu.memory_space<vmem>>
      %dma_start3A_413 = tpu.memref_squeeze %dma_start3A_412 : memref<1x1x32x128xf32, #tpu.memory_space<vmem>> -> memref<32x128xf32, #tpu.memory_space<vmem>>
      %dma_start3A_414 = arith.constant 0 : i32
      %dma_start3A_415 = tpu.memref_slice %arg3[%dma_start3A_414, %multiple_of3A_401] : memref<32x1000000xf32, #tpu.memory_space<hbm>> -> memref<32x128xf32, #tpu.memory_space<hbm>>
      tpu.enqueue_dma source(%dma_start3A_415 : memref<32x128xf32, #tpu.memory_space<hbm>>) target(%dma_start3A_413 : memref<32x128xf32, #tpu.memory_space<vmem>>) target_semaphore(%arg8 : memref<!tpu.dma_semaphore, #tpu.memory_space<semaphore_mem>>)
      %slice3A_416 = vector.extract_strided_slice %and3A_364 {offsets = [11], sizes = [1], strides = [1]} : vector<16xi32> to vector<1xi32>
      %squeeze3A_417 = vector.extract %slice3A_416[0] : i32 from vector<1xi32>
      %multiple_of3A_418 = tpu.assume_multiple %squeeze3A_417, 128 : i32
      %dma_start3A_419 = arith.constant 0 : i32
      %dma_start3A_420 = arith.constant 3 : i32
      %dma_start3A_421 = arith.constant 0 : i32
      %dma_start3A_422 = arith.constant 0 : i32
      %dma_start3A_423 = tpu.memref_slice %arg6[%dma_start3A_419, %dma_start3A_420, %dma_start3A_421, %dma_start3A_422] : memref<2x4x32x128xf32, #tpu.memory_space<vmem>> -> memref<1x1x32x128xf32, #tpu.memory_space<vmem>>
      %dma_start3A_424 = tpu.memref_squeeze %dma_start3A_423 : memref<1x1x32x128xf32, #tpu.memory_space<vmem>> -> memref<32x128xf32, #tpu.memory_space<vmem>>
      %dma_start3A_425 = arith.constant 0 : i32
      %dma_start3A_426 = tpu.memref_slice %arg3[%dma_start3A_425, %multiple_of3A_418] : memref<32x1000000xf32, #tpu.memory_space<hbm>> -> memref<32x128xf32, #tpu.memory_space<hbm>>
      %dma_start3A_427 = arith.constant 0 : i32
      %dma_start3A_428 = arith.constant 0 : i32
      %dma_start3A_429 = tpu.memref_slice %arg6[%dma_start3A_419, %dma_start3A_420, %dma_start3A_427, %dma_start3A_428] : memref<2x4x32x128xf32, #tpu.memory_space<vmem>> -> memref<1x1x32x128xf32, #tpu.memory_space<vmem>>
      %dma_start3A_430 = tpu.memref_squeeze %dma_start3A_429 : memref<1x1x32x128xf32, #tpu.memory_space<vmem>> -> memref<32x128xf32, #tpu.memory_space<vmem>>
      %dma_start3A_431 = arith.constant 0 : i32
      %dma_start3A_432 = tpu.memref_slice %arg3[%dma_start3A_431, %multiple_of3A_418] : memref<32x1000000xf32, #tpu.memory_space<hbm>> -> memref<32x128xf32, #tpu.memory_space<hbm>>
      tpu.enqueue_dma source(%dma_start3A_432 : memref<32x128xf32, #tpu.memory_space<hbm>>) target(%dma_start3A_430 : memref<32x128xf32, #tpu.memory_space<vmem>>) target_semaphore(%arg8 : memref<!tpu.dma_semaphore, #tpu.memory_space<semaphore_mem>>)
      %and3A_433 = arith.constant 127 : i32
      %and3A_434 = vector.broadcast %and3A_433 : i32 to vector<16xi32>
      %and3A_435 = arith.andi %get3A_81, %and3A_434 : vector<16xi32>
      %dma_wait3A_436 = arith.constant 1 : i32
      %dma_wait3A_437 = arith.constant 0 : i32
      %dma_wait3A_438 = arith.constant 0 : i32
      %dma_wait3A_439 = arith.constant 0 : i32
      %dma_wait3A_440 = tpu.memref_slice %arg6[%dma_wait3A_436, %dma_wait3A_437, %dma_wait3A_438, %dma_wait3A_439] : memref<2x4x32x128xf32, #tpu.memory_space<vmem>> -> memref<1x1x32x128xf32, #tpu.memory_space<vmem>>
      %dma_wait3A_441 = tpu.memref_squeeze %dma_wait3A_440 : memref<1x1x32x128xf32, #tpu.memory_space<vmem>> -> memref<32x128xf32, #tpu.memory_space<vmem>>
      %dma_wait3A_442 = arith.constant 0 : i32
      %dma_wait3A_443 = arith.constant 0 : i32
      %dma_wait3A_444 = tpu.memref_slice %arg3[%dma_wait3A_442, %dma_wait3A_443] : memref<32x1000000xf32, #tpu.memory_space<hbm>> -> memref<32x128xf32, #tpu.memory_space<hbm>>
      %dma_wait3A_445 = arith.constant 0 : i32
      %dma_wait3A_446 = arith.constant 0 : i32
      %dma_wait3A_447 = tpu.memref_slice %arg6[%dma_wait3A_436, %dma_wait3A_437, %dma_wait3A_445, %dma_wait3A_446] : memref<2x4x32x128xf32, #tpu.memory_space<vmem>> -> memref<1x1x32x128xf32, #tpu.memory_space<vmem>>
      %dma_wait3A_448 = tpu.memref_squeeze %dma_wait3A_447 : memref<1x1x32x128xf32, #tpu.memory_space<vmem>> -> memref<32x128xf32, #tpu.memory_space<vmem>>
      %dma_wait3A_449 = arith.constant 0 : i32
      %dma_wait3A_450 = arith.constant 0 : i32
      %dma_wait3A_451 = tpu.memref_slice %arg3[%dma_wait3A_449, %dma_wait3A_450] : memref<32x1000000xf32, #tpu.memory_space<hbm>> -> memref<32x128xf32, #tpu.memory_space<hbm>>
      tpu.wait_dma2 semaphore(%arg9 : memref<!tpu.dma_semaphore, #tpu.memory_space<semaphore_mem>>) src(%dma_wait3A_451 : memref<32x128xf32, #tpu.memory_space<hbm>>) dst(%dma_wait3A_448 : memref<32x128xf32, #tpu.memory_space<vmem>>)
      %dma_wait3A_452 = arith.constant 1 : i32
      %dma_wait3A_453 = arith.constant 1 : i32
      %dma_wait3A_454 = arith.constant 0 : i32
      %dma_wait3A_455 = arith.constant 0 : i32
      %dma_wait3A_456 = tpu.memref_slice %arg6[%dma_wait3A_452, %dma_wait3A_453, %dma_wait3A_454, %dma_wait3A_455] : memref<2x4x32x128xf32, #tpu.memory_space<vmem>> -> memref<1x1x32x128xf32, #tpu.memory_space<vmem>>
      %dma_wait3A_457 = tpu.memref_squeeze %dma_wait3A_456 : memref<1x1x32x128xf32, #tpu.memory_space<vmem>> -> memref<32x128xf32, #tpu.memory_space<vmem>>
      %dma_wait3A_458 = arith.constant 0 : i32
      %dma_wait3A_459 = arith.constant 0 : i32
      %dma_wait3A_460 = tpu.memref_slice %arg3[%dma_wait3A_458, %dma_wait3A_459] : memref<32x1000000xf32, #tpu.memory_space<hbm>> -> memref<32x128xf32, #tpu.memory_space<hbm>>
      %dma_wait3A_461 = arith.constant 0 : i32
      %dma_wait3A_462 = arith.constant 0 : i32
      %dma_wait3A_463 = tpu.memref_slice %arg6[%dma_wait3A_452, %dma_wait3A_453, %dma_wait3A_461, %dma_wait3A_462] : memref<2x4x32x128xf32, #tpu.memory_space<vmem>> -> memref<1x1x32x128xf32, #tpu.memory_space<vmem>>
      %dma_wait3A_464 = tpu.memref_squeeze %dma_wait3A_463 : memref<1x1x32x128xf32, #tpu.memory_space<vmem>> -> memref<32x128xf32, #tpu.memory_space<vmem>>
      %dma_wait3A_465 = arith.constant 0 : i32
      %dma_wait3A_466 = arith.constant 0 : i32
      %dma_wait3A_467 = tpu.memref_slice %arg3[%dma_wait3A_465, %dma_wait3A_466] : memref<32x1000000xf32, #tpu.memory_space<hbm>> -> memref<32x128xf32, #tpu.memory_space<hbm>>
      tpu.wait_dma2 semaphore(%arg9 : memref<!tpu.dma_semaphore, #tpu.memory_space<semaphore_mem>>) src(%dma_wait3A_467 : memref<32x128xf32, #tpu.memory_space<hbm>>) dst(%dma_wait3A_464 : memref<32x128xf32, #tpu.memory_space<vmem>>)
      %dma_wait3A_468 = arith.constant 1 : i32
      %dma_wait3A_469 = arith.constant 2 : i32
      %dma_wait3A_470 = arith.constant 0 : i32
      %dma_wait3A_471 = arith.constant 0 : i32
      %dma_wait3A_472 = tpu.memref_slice %arg6[%dma_wait3A_468, %dma_wait3A_469, %dma_wait3A_470, %dma_wait3A_471] : memref<2x4x32x128xf32, #tpu.memory_space<vmem>> -> memref<1x1x32x128xf32, #tpu.memory_space<vmem>>
      %dma_wait3A_473 = tpu.memref_squeeze %dma_wait3A_472 : memref<1x1x32x128xf32, #tpu.memory_space<vmem>> -> memref<32x128xf32, #tpu.memory_space<vmem>>
      %dma_wait3A_474 = arith.constant 0 : i32
      %dma_wait3A_475 = arith.constant 0 : i32
      %dma_wait3A_476 = tpu.memref_slice %arg3[%dma_wait3A_474, %dma_wait3A_475] : memref<32x1000000xf32, #tpu.memory_space<hbm>> -> memref<32x128xf32, #tpu.memory_space<hbm>>
      %dma_wait3A_477 = arith.constant 0 : i32
      %dma_wait3A_478 = arith.constant 0 : i32
      %dma_wait3A_479 = tpu.memref_slice %arg6[%dma_wait3A_468, %dma_wait3A_469, %dma_wait3A_477, %dma_wait3A_478] : memref<2x4x32x128xf32, #tpu.memory_space<vmem>> -> memref<1x1x32x128xf32, #tpu.memory_space<vmem>>
      %dma_wait3A_480 = tpu.memref_squeeze %dma_wait3A_479 : memref<1x1x32x128xf32, #tpu.memory_space<vmem>> -> memref<32x128xf32, #tpu.memory_space<vmem>>
      %dma_wait3A_481 = arith.constant 0 : i32
      %dma_wait3A_482 = arith.constant 0 : i32
      %dma_wait3A_483 = tpu.memref_slice %arg3[%dma_wait3A_481, %dma_wait3A_482] : memref<32x1000000xf32, #tpu.memory_space<hbm>> -> memref<32x128xf32, #tpu.memory_space<hbm>>
      tpu.wait_dma2 semaphore(%arg9 : memref<!tpu.dma_semaphore, #tpu.memory_space<semaphore_mem>>) src(%dma_wait3A_483 : memref<32x128xf32, #tpu.memory_space<hbm>>) dst(%dma_wait3A_480 : memref<32x128xf32, #tpu.memory_space<vmem>>)
      %dma_wait3A_484 = arith.constant 1 : i32
      %dma_wait3A_485 = arith.constant 3 : i32
      %dma_wait3A_486 = arith.constant 0 : i32
      %dma_wait3A_487 = arith.constant 0 : i32
      %dma_wait3A_488 = tpu.memref_slice %arg6[%dma_wait3A_484, %dma_wait3A_485, %dma_wait3A_486, %dma_wait3A_487] : memref<2x4x32x128xf32, #tpu.memory_space<vmem>> -> memref<1x1x32x128xf32, #tpu.memory_space<vmem>>
      %dma_wait3A_489 = tpu.memref_squeeze %dma_wait3A_488 : memref<1x1x32x128xf32, #tpu.memory_space<vmem>> -> memref<32x128xf32, #tpu.memory_space<vmem>>
      %dma_wait3A_490 = arith.constant 0 : i32
      %dma_wait3A_491 = arith.constant 0 : i32
      %dma_wait3A_492 = tpu.memref_slice %arg3[%dma_wait3A_490, %dma_wait3A_491] : memref<32x1000000xf32, #tpu.memory_space<hbm>> -> memref<32x128xf32, #tpu.memory_space<hbm>>
      %dma_wait3A_493 = arith.constant 0 : i32
      %dma_wait3A_494 = arith.constant 0 : i32
      %dma_wait3A_495 = tpu.memref_slice %arg6[%dma_wait3A_484, %dma_wait3A_485, %dma_wait3A_493, %dma_wait3A_494] : memref<2x4x32x128xf32, #tpu.memory_space<vmem>> -> memref<1x1x32x128xf32, #tpu.memory_space<vmem>>
      %dma_wait3A_496 = tpu.memref_squeeze %dma_wait3A_495 : memref<1x1x32x128xf32, #tpu.memory_space<vmem>> -> memref<32x128xf32, #tpu.memory_space<vmem>>
      %dma_wait3A_497 = arith.constant 0 : i32
      %dma_wait3A_498 = arith.constant 0 : i32
      %dma_wait3A_499 = tpu.memref_slice %arg3[%dma_wait3A_497, %dma_wait3A_498] : memref<32x1000000xf32, #tpu.memory_space<hbm>> -> memref<32x128xf32, #tpu.memory_space<hbm>>
      tpu.wait_dma2 semaphore(%arg9 : memref<!tpu.dma_semaphore, #tpu.memory_space<semaphore_mem>>) src(%dma_wait3A_499 : memref<32x128xf32, #tpu.memory_space<hbm>>) dst(%dma_wait3A_496 : memref<32x128xf32, #tpu.memory_space<vmem>>)
      %broadcast_in_dim3A_500 = arith.constant 0 : i32
      %broadcast_in_dim3A_501 = vector.broadcast %broadcast_in_dim3A_500 : i32 to vector<16xi32>
      %slice3A_502 = vector.extract_strided_slice %and3A_435 {offsets = [4], sizes = [1], strides = [1]} : vector<16xi32> to vector<1xi32>
      %squeeze3A_503 = vector.extract %slice3A_502[0] : i32 from vector<1xi32>
      %broadcast_in_dim3A_504 = vector.broadcast %squeeze3A_503 : i32 to vector<16xi32>
      %gather3A_505 = arith.constant 1 : i32
      %gather3A_506 = arith.constant 0 : i32
      %gather3A_507 = arith.constant 0 : i32
      %gather3A_508 = arith.constant 0 : i32
      %gather3A_509 = tpu.memref_slice %arg6[%gather3A_505, %gather3A_506, %gather3A_507, %gather3A_508] : memref<2x4x32x128xf32, #tpu.memory_space<vmem>> -> memref<1x4x32x128xf32, #tpu.memory_space<vmem>>
      %gather3A_510 = tpu.memref_squeeze %gather3A_509 : memref<1x4x32x128xf32, #tpu.memory_space<vmem>> -> memref<4x32x128xf32, #tpu.memory_space<vmem>>
      %gather3A_511 = tpu.vector_load_idx %gather3A_510[%broadcast_in_dim3A_501, %iota3A, %broadcast_in_dim3A_504] : memref<4x32x128xf32, #tpu.memory_space<vmem>>[vector<16xi32>, vector<16xi32>, vector<16xi32>], vector<16xf32>,
      %add3A_512 = arith.constant 16 : i32
      %add3A_513 = vector.broadcast %add3A_512 : i32 to vector<16xi32>
      %add3A_514 = arith.addi %iota3A, %add3A_513 : vector<16xi32>
      %gather3A_515 = arith.constant 1 : i32
      %gather3A_516 = arith.constant 0 : i32
      %gather3A_517 = arith.constant 0 : i32
      %gather3A_518 = arith.constant 0 : i32
      %gather3A_519 = tpu.memref_slice %arg6[%gather3A_515, %gather3A_516, %gather3A_517, %gather3A_518] : memref<2x4x32x128xf32, #tpu.memory_space<vmem>> -> memref<1x4x32x128xf32, #tpu.memory_space<vmem>>
      %gather3A_520 = tpu.memref_squeeze %gather3A_519 : memref<1x4x32x128xf32, #tpu.memory_space<vmem>> -> memref<4x32x128xf32, #tpu.memory_space<vmem>>
      %gather3A_521 = tpu.vector_load_idx %gather3A_520[%broadcast_in_dim3A_501, %add3A_514, %broadcast_in_dim3A_504] : memref<4x32x128xf32, #tpu.memory_space<vmem>>[vector<16xi32>, vector<16xi32>, vector<16xi32>], vector<16xf32>,
      %add3A_522 = arith.constant 4 : i32
      %add3A_523 = arith.addi %mul3A_83, %add3A_522 : i32
      %add3A_524 = arith.constant 0 : i32
      %add3A_525 = arith.addi %add3A_523, %add3A_524 : i32
      %swap3A_526 = arith.index_cast %add3A_525 : i32 to index
      %swap3A_527 = arith.constant 0 : index
      %swap3A_528 = tpu.vector_load %arg7[%swap3A_526, %swap3A_527] {strides = array<i32>} : memref<512x32xf32, #tpu.memory_space<vmem>>, vector<16xf32>,
      tpu.vector_store %arg7[%swap3A_526, %swap3A_527], %gather3A_511 {strides = array<i32>} : memref<512x32xf32, #tpu.memory_space<vmem>>, vector<16xf32>,
      %add3A_529 = arith.constant 4 : i32
      %add3A_530 = arith.addi %mul3A_83, %add3A_529 : i32
      %add3A_531 = arith.constant 0 : i32
      %add3A_532 = arith.addi %add3A_530, %add3A_531 : i32
      %swap3A_533 = arith.index_cast %add3A_532 : i32 to index
      %swap3A_534 = arith.constant 16 : index
      %swap3A_535 = tpu.vector_load %arg7[%swap3A_533, %swap3A_534] {strides = array<i32>} : memref<512x32xf32, #tpu.memory_space<vmem>>, vector<16xf32>,
      tpu.vector_store %arg7[%swap3A_533, %swap3A_534], %gather3A_521 {strides = array<i32>} : memref<512x32xf32, #tpu.memory_space<vmem>>, vector<16xf32>,
      %broadcast_in_dim3A_536 = arith.constant 1 : i32
      %broadcast_in_dim3A_537 = vector.broadcast %broadcast_in_dim3A_536 : i32 to vector<16xi32>
      %slice3A_538 = vector.extract_strided_slice %and3A_435 {offsets = [5], sizes = [1], strides = [1]} : vector<16xi32> to vector<1xi32>
      %squeeze3A_539 = vector.extract %slice3A_538[0] : i32 from vector<1xi32>
      %broadcast_in_dim3A_540 = vector.broadcast %squeeze3A_539 : i32 to vector<16xi32>
      %gather3A_541 = arith.constant 1 : i32
      %gather3A_542 = arith.constant 0 : i32
      %gather3A_543 = arith.constant 0 : i32
      %gather3A_544 = arith.constant 0 : i32
      %gather3A_545 = tpu.memref_slice %arg6[%gather3A_541, %gather3A_542, %gather3A_543, %gather3A_544] : memref<2x4x32x128xf32, #tpu.memory_space<vmem>> -> memref<1x4x32x128xf32, #tpu.memory_space<vmem>>
      %gather3A_546 = tpu.memref_squeeze %gather3A_545 : memref<1x4x32x128xf32, #tpu.memory_space<vmem>> -> memref<4x32x128xf32, #tpu.memory_space<vmem>>
      %gather3A_547 = tpu.vector_load_idx %gather3A_546[%broadcast_in_dim3A_537, %iota3A, %broadcast_in_dim3A_540] : memref<4x32x128xf32, #tpu.memory_space<vmem>>[vector<16xi32>, vector<16xi32>, vector<16xi32>], vector<16xf32>,
      %add3A_548 = arith.constant 16 : i32
      %add3A_549 = vector.broadcast %add3A_548 : i32 to vector<16xi32>
      %add3A_550 = arith.addi %iota3A, %add3A_549 : vector<16xi32>
      %gather3A_551 = arith.constant 1 : i32
      %gather3A_552 = arith.constant 0 : i32
      %gather3A_553 = arith.constant 0 : i32
      %gather3A_554 = arith.constant 0 : i32
      %gather3A_555 = tpu.memref_slice %arg6[%gather3A_551, %gather3A_552, %gather3A_553, %gather3A_554] : memref<2x4x32x128xf32, #tpu.memory_space<vmem>> -> memref<1x4x32x128xf32, #tpu.memory_space<vmem>>
      %gather3A_556 = tpu.memref_squeeze %gather3A_555 : memref<1x4x32x128xf32, #tpu.memory_space<vmem>> -> memref<4x32x128xf32, #tpu.memory_space<vmem>>
      %gather3A_557 = tpu.vector_load_idx %gather3A_556[%broadcast_in_dim3A_537, %add3A_550, %broadcast_in_dim3A_540] : memref<4x32x128xf32, #tpu.memory_space<vmem>>[vector<16xi32>, vector<16xi32>, vector<16xi32>], vector<16xf32>,
      %add3A_558 = arith.constant 4 : i32
      %add3A_559 = arith.addi %mul3A_83, %add3A_558 : i32
      %add3A_560 = arith.constant 1 : i32
      %add3A_561 = arith.addi %add3A_559, %add3A_560 : i32
      %swap3A_562 = arith.index_cast %add3A_561 : i32 to index
      %swap3A_563 = arith.constant 0 : index
      %swap3A_564 = tpu.vector_load %arg7[%swap3A_562, %swap3A_563] {strides = array<i32>} : memref<512x32xf32, #tpu.memory_space<vmem>>, vector<16xf32>,
      tpu.vector_store %arg7[%swap3A_562, %swap3A_563], %gather3A_547 {strides = array<i32>} : memref<512x32xf32, #tpu.memory_space<vmem>>, vector<16xf32>,
      %add3A_565 = arith.constant 4 : i32
      %add3A_566 = arith.addi %mul3A_83, %add3A_565 : i32
      %add3A_567 = arith.constant 1 : i32
      %add3A_568 = arith.addi %add3A_566, %add3A_567 : i32
      %swap3A_569 = arith.index_cast %add3A_568 : i32 to index
      %swap3A_570 = arith.constant 16 : index
      %swap3A_571 = tpu.vector_load %arg7[%swap3A_569, %swap3A_570] {strides = array<i32>} : memref<512x32xf32, #tpu.memory_space<vmem>>, vector<16xf32>,
      tpu.vector_store %arg7[%swap3A_569, %swap3A_570], %gather3A_557 {strides = array<i32>} : memref<512x32xf32, #tpu.memory_space<vmem>>, vector<16xf32>,
      %broadcast_in_dim3A_572 = arith.constant 2 : i32
      %broadcast_in_dim3A_573 = vector.broadcast %broadcast_in_dim3A_572 : i32 to vector<16xi32>
      %slice3A_574 = vector.extract_strided_slice %and3A_435 {offsets = [6], sizes = [1], strides = [1]} : vector<16xi32> to vector<1xi32>
      %squeeze3A_575 = vector.extract %slice3A_574[0] : i32 from vector<1xi32>
      %broadcast_in_dim3A_576 = vector.broadcast %squeeze3A_575 : i32 to vector<16xi32>
      %gather3A_577 = arith.constant 1 : i32
      %gather3A_578 = arith.constant 0 : i32
      %gather3A_579 = arith.constant 0 : i32
      %gather3A_580 = arith.constant 0 : i32
      %gather3A_581 = tpu.memref_slice %arg6[%gather3A_577, %gather3A_578, %gather3A_579, %gather3A_580] : memref<2x4x32x128xf32, #tpu.memory_space<vmem>> -> memref<1x4x32x128xf32, #tpu.memory_space<vmem>>
      %gather3A_582 = tpu.memref_squeeze %gather3A_581 : memref<1x4x32x128xf32, #tpu.memory_space<vmem>> -> memref<4x32x128xf32, #tpu.memory_space<vmem>>
      %gather3A_583 = tpu.vector_load_idx %gather3A_582[%broadcast_in_dim3A_573, %iota3A, %broadcast_in_dim3A_576] : memref<4x32x128xf32, #tpu.memory_space<vmem>>[vector<16xi32>, vector<16xi32>, vector<16xi32>], vector<16xf32>,
      %add3A_584 = arith.constant 16 : i32
      %add3A_585 = vector.broadcast %add3A_584 : i32 to vector<16xi32>
      %add3A_586 = arith.addi %iota3A, %add3A_585 : vector<16xi32>
      %gather3A_587 = arith.constant 1 : i32
      %gather3A_588 = arith.constant 0 : i32
      %gather3A_589 = arith.constant 0 : i32
      %gather3A_590 = arith.constant 0 : i32
      %gather3A_591 = tpu.memref_slice %arg6[%gather3A_587, %gather3A_588, %gather3A_589, %gather3A_590] : memref<2x4x32x128xf32, #tpu.memory_space<vmem>> -> memref<1x4x32x128xf32, #tpu.memory_space<vmem>>
      %gather3A_592 = tpu.memref_squeeze %gather3A_591 : memref<1x4x32x128xf32, #tpu.memory_space<vmem>> -> memref<4x32x128xf32, #tpu.memory_space<vmem>>
      %gather3A_593 = tpu.vector_load_idx %gather3A_592[%broadcast_in_dim3A_573, %add3A_586, %broadcast_in_dim3A_576] : memref<4x32x128xf32, #tpu.memory_space<vmem>>[vector<16xi32>, vector<16xi32>, vector<16xi32>], vector<16xf32>,
      %add3A_594 = arith.constant 4 : i32
      %add3A_595 = arith.addi %mul3A_83, %add3A_594 : i32
      %add3A_596 = arith.constant 2 : i32
      %add3A_597 = arith.addi %add3A_595, %add3A_596 : i32
      %swap3A_598 = arith.index_cast %add3A_597 : i32 to index
      %swap3A_599 = arith.constant 0 : index
      %swap3A_600 = tpu.vector_load %arg7[%swap3A_598, %swap3A_599] {strides = array<i32>} : memref<512x32xf32, #tpu.memory_space<vmem>>, vector<16xf32>,
      tpu.vector_store %arg7[%swap3A_598, %swap3A_599], %gather3A_583 {strides = array<i32>} : memref<512x32xf32, #tpu.memory_space<vmem>>, vector<16xf32>,
      %add3A_601 = arith.constant 4 : i32
      %add3A_602 = arith.addi %mul3A_83, %add3A_601 : i32
      %add3A_603 = arith.constant 2 : i32
      %add3A_604 = arith.addi %add3A_602, %add3A_603 : i32
      %swap3A_605 = arith.index_cast %add3A_604 : i32 to index
      %swap3A_606 = arith.constant 16 : index
      %swap3A_607 = tpu.vector_load %arg7[%swap3A_605, %swap3A_606] {strides = array<i32>} : memref<512x32xf32, #tpu.memory_space<vmem>>, vector<16xf32>,
      tpu.vector_store %arg7[%swap3A_605, %swap3A_606], %gather3A_593 {strides = array<i32>} : memref<512x32xf32, #tpu.memory_space<vmem>>, vector<16xf32>,
      %broadcast_in_dim3A_608 = arith.constant 3 : i32
      %broadcast_in_dim3A_609 = vector.broadcast %broadcast_in_dim3A_608 : i32 to vector<16xi32>
      %slice3A_610 = vector.extract_strided_slice %and3A_435 {offsets = [7], sizes = [1], strides = [1]} : vector<16xi32> to vector<1xi32>
      %squeeze3A_611 = vector.extract %slice3A_610[0] : i32 from vector<1xi32>
      %broadcast_in_dim3A_612 = vector.broadcast %squeeze3A_611 : i32 to vector<16xi32>
      %gather3A_613 = arith.constant 1 : i32
      %gather3A_614 = arith.constant 0 : i32
      %gather3A_615 = arith.constant 0 : i32
      %gather3A_616 = arith.constant 0 : i32
      %gather3A_617 = tpu.memref_slice %arg6[%gather3A_613, %gather3A_614, %gather3A_615, %gather3A_616] : memref<2x4x32x128xf32, #tpu.memory_space<vmem>> -> memref<1x4x32x128xf32, #tpu.memory_space<vmem>>
      %gather3A_618 = tpu.memref_squeeze %gather3A_617 : memref<1x4x32x128xf32, #tpu.memory_space<vmem>> -> memref<4x32x128xf32, #tpu.memory_space<vmem>>
      %gather3A_619 = tpu.vector_load_idx %gather3A_618[%broadcast_in_dim3A_609, %iota3A, %broadcast_in_dim3A_612] : memref<4x32x128xf32, #tpu.memory_space<vmem>>[vector<16xi32>, vector<16xi32>, vector<16xi32>], vector<16xf32>,
      %add3A_620 = arith.constant 16 : i32
      %add3A_621 = vector.broadcast %add3A_620 : i32 to vector<16xi32>
      %add3A_622 = arith.addi %iota3A, %add3A_621 : vector<16xi32>
      %gather3A_623 = arith.constant 1 : i32
      %gather3A_624 = arith.constant 0 : i32
      %gather3A_625 = arith.constant 0 : i32
      %gather3A_626 = arith.constant 0 : i32
      %gather3A_627 = tpu.memref_slice %arg6[%gather3A_623, %gather3A_624, %gather3A_625, %gather3A_626] : memref<2x4x32x128xf32, #tpu.memory_space<vmem>> -> memref<1x4x32x128xf32, #tpu.memory_space<vmem>>
      %gather3A_628 = tpu.memref_squeeze %gather3A_627 : memref<1x4x32x128xf32, #tpu.memory_space<vmem>> -> memref<4x32x128xf32, #tpu.memory_space<vmem>>
      %gather3A_629 = tpu.vector_load_idx %gather3A_628[%broadcast_in_dim3A_609, %add3A_622, %broadcast_in_dim3A_612] : memref<4x32x128xf32, #tpu.memory_space<vmem>>[vector<16xi32>, vector<16xi32>, vector<16xi32>], vector<16xf32>,
      %add3A_630 = arith.constant 4 : i32
      %add3A_631 = arith.addi %mul3A_83, %add3A_630 : i32
      %add3A_632 = arith.constant 3 : i32
      %add3A_633 = arith.addi %add3A_631, %add3A_632 : i32
      %swap3A_634 = arith.index_cast %add3A_633 : i32 to index
      %swap3A_635 = arith.constant 0 : index
      %swap3A_636 = tpu.vector_load %arg7[%swap3A_634, %swap3A_635] {strides = array<i32>} : memref<512x32xf32, #tpu.memory_space<vmem>>, vector<16xf32>,
      tpu.vector_store %arg7[%swap3A_634, %swap3A_635], %gather3A_619 {strides = array<i32>} : memref<512x32xf32, #tpu.memory_space<vmem>>, vector<16xf32>,
      %add3A_637 = arith.constant 4 : i32
      %add3A_638 = arith.addi %mul3A_83, %add3A_637 : i32
      %add3A_639 = arith.constant 3 : i32
      %add3A_640 = arith.addi %add3A_638, %add3A_639 : i32
      %swap3A_641 = arith.index_cast %add3A_640 : i32 to index
      %swap3A_642 = arith.constant 16 : index
      %swap3A_643 = tpu.vector_load %arg7[%swap3A_641, %swap3A_642] {strides = array<i32>} : memref<512x32xf32, #tpu.memory_space<vmem>>, vector<16xf32>,
      tpu.vector_store %arg7[%swap3A_641, %swap3A_642], %gather3A_629 {strides = array<i32>} : memref<512x32xf32, #tpu.memory_space<vmem>>, vector<16xf32>,
      %and3A_644 = arith.constant -128 : i32
      %and3A_645 = vector.broadcast %and3A_644 : i32 to vector<16xi32>
      %and3A_646 = arith.andi %get3A_81, %and3A_645 : vector<16xi32>
      %slice3A_647 = vector.extract_strided_slice %and3A_646 {offsets = [12], sizes = [1], strides = [1]} : vector<16xi32> to vector<1xi32>
      %squeeze3A_648 = vector.extract %slice3A_647[0] : i32 from vector<1xi32>
      %multiple_of3A_649 = tpu.assume_multiple %squeeze3A_648, 128 : i32
      %dma_start3A_650 = arith.constant 1 : i32
      %dma_start3A_651 = arith.constant 0 : i32
      %dma_start3A_652 = arith.constant 0 : i32
      %dma_start3A_653 = arith.constant 0 : i32
      %dma_start3A_654 = tpu.memref_slice %arg6[%dma_start3A_650, %dma_start3A_651, %dma_start3A_652, %dma_start3A_653] : memref<2x4x32x128xf32, #tpu.memory_space<vmem>> -> memref<1x1x32x128xf32, #tpu.memory_space<vmem>>
      %dma_start3A_655 = tpu.memref_squeeze %dma_start3A_654 : memref<1x1x32x128xf32, #tpu.memory_space<vmem>> -> memref<32x128xf32, #tpu.memory_space<vmem>>
      %dma_start3A_656 = arith.constant 0 : i32
      %dma_start3A_657 = tpu.memref_slice %arg3[%dma_start3A_656, %multiple_of3A_649] : memref<32x1000000xf32, #tpu.memory_space<hbm>> -> memref<32x128xf32, #tpu.memory_space<hbm>>
      %dma_start3A_658 = arith.constant 0 : i32
      %dma_start3A_659 = arith.constant 0 : i32
      %dma_start3A_660 = tpu.memref_slice %arg6[%dma_start3A_650, %dma_start3A_651, %dma_start3A_658, %dma_start3A_659] : memref<2x4x32x128xf32, #tpu.memory_space<vmem>> -> memref<1x1x32x128xf32, #tpu.memory_space<vmem>>
      %dma_start3A_661 = tpu.memref_squeeze %dma_start3A_660 : memref<1x1x32x128xf32, #tpu.memory_space<vmem>> -> memref<32x128xf32, #tpu.memory_space<vmem>>
      %dma_start3A_662 = arith.constant 0 : i32
      %dma_start3A_663 = tpu.memref_slice %arg3[%dma_start3A_662, %multiple_of3A_649] : memref<32x1000000xf32, #tpu.memory_space<hbm>> -> memref<32x128xf32, #tpu.memory_space<hbm>>
      tpu.enqueue_dma source(%dma_start3A_663 : memref<32x128xf32, #tpu.memory_space<hbm>>) target(%dma_start3A_661 : memref<32x128xf32, #tpu.memory_space<vmem>>) target_semaphore(%arg9 : memref<!tpu.dma_semaphore, #tpu.memory_space<semaphore_mem>>)
      %slice3A_664 = vector.extract_strided_slice %and3A_646 {offsets = [13], sizes = [1], strides = [1]} : vector<16xi32> to vector<1xi32>
      %squeeze3A_665 = vector.extract %slice3A_664[0] : i32 from vector<1xi32>
      %multiple_of3A_666 = tpu.assume_multiple %squeeze3A_665, 128 : i32
      %dma_start3A_667 = arith.constant 1 : i32
      %dma_start3A_668 = arith.constant 1 : i32
      %dma_start3A_669 = arith.constant 0 : i32
      %dma_start3A_670 = arith.constant 0 : i32
      %dma_start3A_671 = tpu.memref_slice %arg6[%dma_start3A_667, %dma_start3A_668, %dma_start3A_669, %dma_start3A_670] : memref<2x4x32x128xf32, #tpu.memory_space<vmem>> -> memref<1x1x32x128xf32, #tpu.memory_space<vmem>>
      %dma_start3A_672 = tpu.memref_squeeze %dma_start3A_671 : memref<1x1x32x128xf32, #tpu.memory_space<vmem>> -> memref<32x128xf32, #tpu.memory_space<vmem>>
      %dma_start3A_673 = arith.constant 0 : i32
      %dma_start3A_674 = tpu.memref_slice %arg3[%dma_start3A_673, %multiple_of3A_666] : memref<32x1000000xf32, #tpu.memory_space<hbm>> -> memref<32x128xf32, #tpu.memory_space<hbm>>
      %dma_start3A_675 = arith.constant 0 : i32
      %dma_start3A_676 = arith.constant 0 : i32
      %dma_start3A_677 = tpu.memref_slice %arg6[%dma_start3A_667, %dma_start3A_668, %dma_start3A_675, %dma_start3A_676] : memref<2x4x32x128xf32, #tpu.memory_space<vmem>> -> memref<1x1x32x128xf32, #tpu.memory_space<vmem>>
      %dma_start3A_678 = tpu.memref_squeeze %dma_start3A_677 : memref<1x1x32x128xf32, #tpu.memory_space<vmem>> -> memref<32x128xf32, #tpu.memory_space<vmem>>
      %dma_start3A_679 = arith.constant 0 : i32
      %dma_start3A_680 = tpu.memref_slice %arg3[%dma_start3A_679, %multiple_of3A_666] : memref<32x1000000xf32, #tpu.memory_space<hbm>> -> memref<32x128xf32, #tpu.memory_space<hbm>>
      tpu.enqueue_dma source(%dma_start3A_680 : memref<32x128xf32, #tpu.memory_space<hbm>>) target(%dma_start3A_678 : memref<32x128xf32, #tpu.memory_space<vmem>>) target_semaphore(%arg9 : memref<!tpu.dma_semaphore, #tpu.memory_space<semaphore_mem>>)
      %slice3A_681 = vector.extract_strided_slice %and3A_646 {offsets = [14], sizes = [1], strides = [1]} : vector<16xi32> to vector<1xi32>
      %squeeze3A_682 = vector.extract %slice3A_681[0] : i32 from vector<1xi32>
      %multiple_of3A_683 = tpu.assume_multiple %squeeze3A_682, 128 : i32
      %dma_start3A_684 = arith.constant 1 : i32
      %dma_start3A_685 = arith.constant 2 : i32
      %dma_start3A_686 = arith.constant 0 : i32
      %dma_start3A_687 = arith.constant 0 : i32
      %dma_start3A_688 = tpu.memref_slice %arg6[%dma_start3A_684, %dma_start3A_685, %dma_start3A_686, %dma_start3A_687] : memref<2x4x32x128xf32, #tpu.memory_space<vmem>> -> memref<1x1x32x128xf32, #tpu.memory_space<vmem>>
      %dma_start3A_689 = tpu.memref_squeeze %dma_start3A_688 : memref<1x1x32x128xf32, #tpu.memory_space<vmem>> -> memref<32x128xf32, #tpu.memory_space<vmem>>
      %dma_start3A_690 = arith.constant 0 : i32
      %dma_start3A_691 = tpu.memref_slice %arg3[%dma_start3A_690, %multiple_of3A_683] : memref<32x1000000xf32, #tpu.memory_space<hbm>> -> memref<32x128xf32, #tpu.memory_space<hbm>>
      %dma_start3A_692 = arith.constant 0 : i32
      %dma_start3A_693 = arith.constant 0 : i32
      %dma_start3A_694 = tpu.memref_slice %arg6[%dma_start3A_684, %dma_start3A_685, %dma_start3A_692, %dma_start3A_693] : memref<2x4x32x128xf32, #tpu.memory_space<vmem>> -> memref<1x1x32x128xf32, #tpu.memory_space<vmem>>
      %dma_start3A_695 = tpu.memref_squeeze %dma_start3A_694 : memref<1x1x32x128xf32, #tpu.memory_space<vmem>> -> memref<32x128xf32, #tpu.memory_space<vmem>>
      %dma_start3A_696 = arith.constant 0 : i32
      %dma_start3A_697 = tpu.memref_slice %arg3[%dma_start3A_696, %multiple_of3A_683] : memref<32x1000000xf32, #tpu.memory_space<hbm>> -> memref<32x128xf32, #tpu.memory_space<hbm>>
      tpu.enqueue_dma source(%dma_start3A_697 : memref<32x128xf32, #tpu.memory_space<hbm>>) target(%dma_start3A_695 : memref<32x128xf32, #tpu.memory_space<vmem>>) target_semaphore(%arg9 : memref<!tpu.dma_semaphore, #tpu.memory_space<semaphore_mem>>)
      %slice3A_698 = vector.extract_strided_slice %and3A_646 {offsets = [15], sizes = [1], strides = [1]} : vector<16xi32> to vector<1xi32>
      %squeeze3A_699 = vector.extract %slice3A_698[0] : i32 from vector<1xi32>
      %multiple_of3A_700 = tpu.assume_multiple %squeeze3A_699, 128 : i32
      %dma_start3A_701 = arith.constant 1 : i32
      %dma_start3A_702 = arith.constant 3 : i32
      %dma_start3A_703 = arith.constant 0 : i32
      %dma_start3A_704 = arith.constant 0 : i32
      %dma_start3A_705 = tpu.memref_slice %arg6[%dma_start3A_701, %dma_start3A_702, %dma_start3A_703, %dma_start3A_704] : memref<2x4x32x128xf32, #tpu.memory_space<vmem>> -> memref<1x1x32x128xf32, #tpu.memory_space<vmem>>
      %dma_start3A_706 = tpu.memref_squeeze %dma_start3A_705 : memref<1x1x32x128xf32, #tpu.memory_space<vmem>> -> memref<32x128xf32, #tpu.memory_space<vmem>>
      %dma_start3A_707 = arith.constant 0 : i32
      %dma_start3A_708 = tpu.memref_slice %arg3[%dma_start3A_707, %multiple_of3A_700] : memref<32x1000000xf32, #tpu.memory_space<hbm>> -> memref<32x128xf32, #tpu.memory_space<hbm>>
      %dma_start3A_709 = arith.constant 0 : i32
      %dma_start3A_710 = arith.constant 0 : i32
      %dma_start3A_711 = tpu.memref_slice %arg6[%dma_start3A_701, %dma_start3A_702, %dma_start3A_709, %dma_start3A_710] : memref<2x4x32x128xf32, #tpu.memory_space<vmem>> -> memref<1x1x32x128xf32, #tpu.memory_space<vmem>>
      %dma_start3A_712 = tpu.memref_squeeze %dma_start3A_711 : memref<1x1x32x128xf32, #tpu.memory_space<vmem>> -> memref<32x128xf32, #tpu.memory_space<vmem>>
      %dma_start3A_713 = arith.constant 0 : i32
      %dma_start3A_714 = tpu.memref_slice %arg3[%dma_start3A_713, %multiple_of3A_700] : memref<32x1000000xf32, #tpu.memory_space<hbm>> -> memref<32x128xf32, #tpu.memory_space<hbm>>
      tpu.enqueue_dma source(%dma_start3A_714 : memref<32x128xf32, #tpu.memory_space<hbm>>) target(%dma_start3A_712 : memref<32x128xf32, #tpu.memory_space<vmem>>) target_semaphore(%arg9 : memref<!tpu.dma_semaphore, #tpu.memory_space<semaphore_mem>>)
      %and3A_715 = arith.constant 127 : i32
      %and3A_716 = vector.broadcast %and3A_715 : i32 to vector<16xi32>
      %and3A_717 = arith.andi %get3A_81, %and3A_716 : vector<16xi32>
      %dma_wait3A_718 = arith.constant 0 : i32
      %dma_wait3A_719 = arith.constant 0 : i32
      %dma_wait3A_720 = arith.constant 0 : i32
      %dma_wait3A_721 = arith.constant 0 : i32
      %dma_wait3A_722 = tpu.memref_slice %arg6[%dma_wait3A_718, %dma_wait3A_719, %dma_wait3A_720, %dma_wait3A_721] : memref<2x4x32x128xf32, #tpu.memory_space<vmem>> -> memref<1x1x32x128xf32, #tpu.memory_space<vmem>>
      %dma_wait3A_723 = tpu.memref_squeeze %dma_wait3A_722 : memref<1x1x32x128xf32, #tpu.memory_space<vmem>> -> memref<32x128xf32, #tpu.memory_space<vmem>>
      %dma_wait3A_724 = arith.constant 0 : i32
      %dma_wait3A_725 = arith.constant 0 : i32
      %dma_wait3A_726 = tpu.memref_slice %arg3[%dma_wait3A_724, %dma_wait3A_725] : memref<32x1000000xf32, #tpu.memory_space<hbm>> -> memref<32x128xf32, #tpu.memory_space<hbm>>
      %dma_wait3A_727 = arith.constant 0 : i32
      %dma_wait3A_728 = arith.constant 0 : i32
      %dma_wait3A_729 = tpu.memref_slice %arg6[%dma_wait3A_718, %dma_wait3A_719, %dma_wait3A_727, %dma_wait3A_728] : memref<2x4x32x128xf32, #tpu.memory_space<vmem>> -> memref<1x1x32x128xf32, #tpu.memory_space<vmem>>
      %dma_wait3A_730 = tpu.memref_squeeze %dma_wait3A_729 : memref<1x1x32x128xf32, #tpu.memory_space<vmem>> -> memref<32x128xf32, #tpu.memory_space<vmem>>
      %dma_wait3A_731 = arith.constant 0 : i32
      %dma_wait3A_732 = arith.constant 0 : i32
      %dma_wait3A_733 = tpu.memref_slice %arg3[%dma_wait3A_731, %dma_wait3A_732] : memref<32x1000000xf32, #tpu.memory_space<hbm>> -> memref<32x128xf32, #tpu.memory_space<hbm>>
      tpu.wait_dma2 semaphore(%arg8 : memref<!tpu.dma_semaphore, #tpu.memory_space<semaphore_mem>>) src(%dma_wait3A_733 : memref<32x128xf32, #tpu.memory_space<hbm>>) dst(%dma_wait3A_730 : memref<32x128xf32, #tpu.memory_space<vmem>>)
      %dma_wait3A_734 = arith.constant 0 : i32
      %dma_wait3A_735 = arith.constant 1 : i32
      %dma_wait3A_736 = arith.constant 0 : i32
      %dma_wait3A_737 = arith.constant 0 : i32
      %dma_wait3A_738 = tpu.memref_slice %arg6[%dma_wait3A_734, %dma_wait3A_735, %dma_wait3A_736, %dma_wait3A_737] : memref<2x4x32x128xf32, #tpu.memory_space<vmem>> -> memref<1x1x32x128xf32, #tpu.memory_space<vmem>>
      %dma_wait3A_739 = tpu.memref_squeeze %dma_wait3A_738 : memref<1x1x32x128xf32, #tpu.memory_space<vmem>> -> memref<32x128xf32, #tpu.memory_space<vmem>>
      %dma_wait3A_740 = arith.constant 0 : i32
      %dma_wait3A_741 = arith.constant 0 : i32
      %dma_wait3A_742 = tpu.memref_slice %arg3[%dma_wait3A_740, %dma_wait3A_741] : memref<32x1000000xf32, #tpu.memory_space<hbm>> -> memref<32x128xf32, #tpu.memory_space<hbm>>
      %dma_wait3A_743 = arith.constant 0 : i32
      %dma_wait3A_744 = arith.constant 0 : i32
      %dma_wait3A_745 = tpu.memref_slice %arg6[%dma_wait3A_734, %dma_wait3A_735, %dma_wait3A_743, %dma_wait3A_744] : memref<2x4x32x128xf32, #tpu.memory_space<vmem>> -> memref<1x1x32x128xf32, #tpu.memory_space<vmem>>
      %dma_wait3A_746 = tpu.memref_squeeze %dma_wait3A_745 : memref<1x1x32x128xf32, #tpu.memory_space<vmem>> -> memref<32x128xf32, #tpu.memory_space<vmem>>
      %dma_wait3A_747 = arith.constant 0 : i32
      %dma_wait3A_748 = arith.constant 0 : i32
      %dma_wait3A_749 = tpu.memref_slice %arg3[%dma_wait3A_747, %dma_wait3A_748] : memref<32x1000000xf32, #tpu.memory_space<hbm>> -> memref<32x128xf32, #tpu.memory_space<hbm>>
      tpu.wait_dma2 semaphore(%arg8 : memref<!tpu.dma_semaphore, #tpu.memory_space<semaphore_mem>>) src(%dma_wait3A_749 : memref<32x128xf32, #tpu.memory_space<hbm>>) dst(%dma_wait3A_746 : memref<32x128xf32, #tpu.memory_space<vmem>>)
      %dma_wait3A_750 = arith.constant 0 : i32
      %dma_wait3A_751 = arith.constant 2 : i32
      %dma_wait3A_752 = arith.constant 0 : i32
      %dma_wait3A_753 = arith.constant 0 : i32
      %dma_wait3A_754 = tpu.memref_slice %arg6[%dma_wait3A_750, %dma_wait3A_751, %dma_wait3A_752, %dma_wait3A_753] : memref<2x4x32x128xf32, #tpu.memory_space<vmem>> -> memref<1x1x32x128xf32, #tpu.memory_space<vmem>>
      %dma_wait3A_755 = tpu.memref_squeeze %dma_wait3A_754 : memref<1x1x32x128xf32, #tpu.memory_space<vmem>> -> memref<32x128xf32, #tpu.memory_space<vmem>>
      %dma_wait3A_756 = arith.constant 0 : i32
      %dma_wait3A_757 = arith.constant 0 : i32
      %dma_wait3A_758 = tpu.memref_slice %arg3[%dma_wait3A_756, %dma_wait3A_757] : memref<32x1000000xf32, #tpu.memory_space<hbm>> -> memref<32x128xf32, #tpu.memory_space<hbm>>
      %dma_wait3A_759 = arith.constant 0 : i32
      %dma_wait3A_760 = arith.constant 0 : i32
      %dma_wait3A_761 = tpu.memref_slice %arg6[%dma_wait3A_750, %dma_wait3A_751, %dma_wait3A_759, %dma_wait3A_760] : memref<2x4x32x128xf32, #tpu.memory_space<vmem>> -> memref<1x1x32x128xf32, #tpu.memory_space<vmem>>
      %dma_wait3A_762 = tpu.memref_squeeze %dma_wait3A_761 : memref<1x1x32x128xf32, #tpu.memory_space<vmem>> -> memref<32x128xf32, #tpu.memory_space<vmem>>
      %dma_wait3A_763 = arith.constant 0 : i32
      %dma_wait3A_764 = arith.constant 0 : i32
      %dma_wait3A_765 = tpu.memref_slice %arg3[%dma_wait3A_763, %dma_wait3A_764] : memref<32x1000000xf32, #tpu.memory_space<hbm>> -> memref<32x128xf32, #tpu.memory_space<hbm>>
      tpu.wait_dma2 semaphore(%arg8 : memref<!tpu.dma_semaphore, #tpu.memory_space<semaphore_mem>>) src(%dma_wait3A_765 : memref<32x128xf32, #tpu.memory_space<hbm>>) dst(%dma_wait3A_762 : memref<32x128xf32, #tpu.memory_space<vmem>>)
      %dma_wait3A_766 = arith.constant 0 : i32
      %dma_wait3A_767 = arith.constant 3 : i32
      %dma_wait3A_768 = arith.constant 0 : i32
      %dma_wait3A_769 = arith.constant 0 : i32
      %dma_wait3A_770 = tpu.memref_slice %arg6[%dma_wait3A_766, %dma_wait3A_767, %dma_wait3A_768, %dma_wait3A_769] : memref<2x4x32x128xf32, #tpu.memory_space<vmem>> -> memref<1x1x32x128xf32, #tpu.memory_space<vmem>>
      %dma_wait3A_771 = tpu.memref_squeeze %dma_wait3A_770 : memref<1x1x32x128xf32, #tpu.memory_space<vmem>> -> memref<32x128xf32, #tpu.memory_space<vmem>>
      %dma_wait3A_772 = arith.constant 0 : i32
      %dma_wait3A_773 = arith.constant 0 : i32
      %dma_wait3A_774 = tpu.memref_slice %arg3[%dma_wait3A_772, %dma_wait3A_773] : memref<32x1000000xf32, #tpu.memory_space<hbm>> -> memref<32x128xf32, #tpu.memory_space<hbm>>
      %dma_wait3A_775 = arith.constant 0 : i32
      %dma_wait3A_776 = arith.constant 0 : i32
      %dma_wait3A_777 = tpu.memref_slice %arg6[%dma_wait3A_766, %dma_wait3A_767, %dma_wait3A_775, %dma_wait3A_776] : memref<2x4x32x128xf32, #tpu.memory_space<vmem>> -> memref<1x1x32x128xf32, #tpu.memory_space<vmem>>
      %dma_wait3A_778 = tpu.memref_squeeze %dma_wait3A_777 : memref<1x1x32x128xf32, #tpu.memory_space<vmem>> -> memref<32x128xf32, #tpu.memory_space<vmem>>
      %dma_wait3A_779 = arith.constant 0 : i32
      %dma_wait3A_780 = arith.constant 0 : i32
      %dma_wait3A_781 = tpu.memref_slice %arg3[%dma_wait3A_779, %dma_wait3A_780] : memref<32x1000000xf32, #tpu.memory_space<hbm>> -> memref<32x128xf32, #tpu.memory_space<hbm>>
      tpu.wait_dma2 semaphore(%arg8 : memref<!tpu.dma_semaphore, #tpu.memory_space<semaphore_mem>>) src(%dma_wait3A_781 : memref<32x128xf32, #tpu.memory_space<hbm>>) dst(%dma_wait3A_778 : memref<32x128xf32, #tpu.memory_space<vmem>>)
      %broadcast_in_dim3A_782 = arith.constant 0 : i32
      %broadcast_in_dim3A_783 = vector.broadcast %broadcast_in_dim3A_782 : i32 to vector<16xi32>
      %slice3A_784 = vector.extract_strided_slice %and3A_717 {offsets = [8], sizes = [1], strides = [1]} : vector<16xi32> to vector<1xi32>
      %squeeze3A_785 = vector.extract %slice3A_784[0] : i32 from vector<1xi32>
      %broadcast_in_dim3A_786 = vector.broadcast %squeeze3A_785 : i32 to vector<16xi32>
      %gather3A_787 = arith.constant 0 : i32
      %gather3A_788 = arith.constant 0 : i32
      %gather3A_789 = arith.constant 0 : i32
      %gather3A_790 = arith.constant 0 : i32
      %gather3A_791 = tpu.memref_slice %arg6[%gather3A_787, %gather3A_788, %gather3A_789, %gather3A_790] : memref<2x4x32x128xf32, #tpu.memory_space<vmem>> -> memref<1x4x32x128xf32, #tpu.memory_space<vmem>>
      %gather3A_792 = tpu.memref_squeeze %gather3A_791 : memref<1x4x32x128xf32, #tpu.memory_space<vmem>> -> memref<4x32x128xf32, #tpu.memory_space<vmem>>
      %gather3A_793 = tpu.vector_load_idx %gather3A_792[%broadcast_in_dim3A_783, %iota3A, %broadcast_in_dim3A_786] : memref<4x32x128xf32, #tpu.memory_space<vmem>>[vector<16xi32>, vector<16xi32>, vector<16xi32>], vector<16xf32>,
      %add3A_794 = arith.constant 16 : i32
      %add3A_795 = vector.broadcast %add3A_794 : i32 to vector<16xi32>
      %add3A_796 = arith.addi %iota3A, %add3A_795 : vector<16xi32>
      %gather3A_797 = arith.constant 0 : i32
      %gather3A_798 = arith.constant 0 : i32
      %gather3A_799 = arith.constant 0 : i32
      %gather3A_800 = arith.constant 0 : i32
      %gather3A_801 = tpu.memref_slice %arg6[%gather3A_797, %gather3A_798, %gather3A_799, %gather3A_800] : memref<2x4x32x128xf32, #tpu.memory_space<vmem>> -> memref<1x4x32x128xf32, #tpu.memory_space<vmem>>
      %gather3A_802 = tpu.memref_squeeze %gather3A_801 : memref<1x4x32x128xf32, #tpu.memory_space<vmem>> -> memref<4x32x128xf32, #tpu.memory_space<vmem>>
      %gather3A_803 = tpu.vector_load_idx %gather3A_802[%broadcast_in_dim3A_783, %add3A_796, %broadcast_in_dim3A_786] : memref<4x32x128xf32, #tpu.memory_space<vmem>>[vector<16xi32>, vector<16xi32>, vector<16xi32>], vector<16xf32>,
      %add3A_804 = arith.constant 8 : i32
      %add3A_805 = arith.addi %mul3A_83, %add3A_804 : i32
      %add3A_806 = arith.constant 0 : i32
      %add3A_807 = arith.addi %add3A_805, %add3A_806 : i32
      %swap3A_808 = arith.index_cast %add3A_807 : i32 to index
      %swap3A_809 = arith.constant 0 : index
      %swap3A_810 = tpu.vector_load %arg7[%swap3A_808, %swap3A_809] {strides = array<i32>} : memref<512x32xf32, #tpu.memory_space<vmem>>, vector<16xf32>,
      tpu.vector_store %arg7[%swap3A_808, %swap3A_809], %gather3A_793 {strides = array<i32>} : memref<512x32xf32, #tpu.memory_space<vmem>>, vector<16xf32>,
      %add3A_811 = arith.constant 8 : i32
      %add3A_812 = arith.addi %mul3A_83, %add3A_811 : i32
      %add3A_813 = arith.constant 0 : i32
      %add3A_814 = arith.addi %add3A_812, %add3A_813 : i32
      %swap3A_815 = arith.index_cast %add3A_814 : i32 to index
      %swap3A_816 = arith.constant 16 : index
      %swap3A_817 = tpu.vector_load %arg7[%swap3A_815, %swap3A_816] {strides = array<i32>} : memref<512x32xf32, #tpu.memory_space<vmem>>, vector<16xf32>,
      tpu.vector_store %arg7[%swap3A_815, %swap3A_816], %gather3A_803 {strides = array<i32>} : memref<512x32xf32, #tpu.memory_space<vmem>>, vector<16xf32>,
      %broadcast_in_dim3A_818 = arith.constant 1 : i32
      %broadcast_in_dim3A_819 = vector.broadcast %broadcast_in_dim3A_818 : i32 to vector<16xi32>
      %slice3A_820 = vector.extract_strided_slice %and3A_717 {offsets = [9], sizes = [1], strides = [1]} : vector<16xi32> to vector<1xi32>
      %squeeze3A_821 = vector.extract %slice3A_820[0] : i32 from vector<1xi32>
      %broadcast_in_dim3A_822 = vector.broadcast %squeeze3A_821 : i32 to vector<16xi32>
      %gather3A_823 = arith.constant 0 : i32
      %gather3A_824 = arith.constant 0 : i32
      %gather3A_825 = arith.constant 0 : i32
      %gather3A_826 = arith.constant 0 : i32
      %gather3A_827 = tpu.memref_slice %arg6[%gather3A_823, %gather3A_824, %gather3A_825, %gather3A_826] : memref<2x4x32x128xf32, #tpu.memory_space<vmem>> -> memref<1x4x32x128xf32, #tpu.memory_space<vmem>>
      %gather3A_828 = tpu.memref_squeeze %gather3A_827 : memref<1x4x32x128xf32, #tpu.memory_space<vmem>> -> memref<4x32x128xf32, #tpu.memory_space<vmem>>
      %gather3A_829 = tpu.vector_load_idx %gather3A_828[%broadcast_in_dim3A_819, %iota3A, %broadcast_in_dim3A_822] : memref<4x32x128xf32, #tpu.memory_space<vmem>>[vector<16xi32>, vector<16xi32>, vector<16xi32>], vector<16xf32>,
      %add3A_830 = arith.constant 16 : i32
      %add3A_831 = vector.broadcast %add3A_830 : i32 to vector<16xi32>
      %add3A_832 = arith.addi %iota3A, %add3A_831 : vector<16xi32>
      %gather3A_833 = arith.constant 0 : i32
      %gather3A_834 = arith.constant 0 : i32
      %gather3A_835 = arith.constant 0 : i32
      %gather3A_836 = arith.constant 0 : i32
      %gather3A_837 = tpu.memref_slice %arg6[%gather3A_833, %gather3A_834, %gather3A_835, %gather3A_836] : memref<2x4x32x128xf32, #tpu.memory_space<vmem>> -> memref<1x4x32x128xf32, #tpu.memory_space<vmem>>
      %gather3A_838 = tpu.memref_squeeze %gather3A_837 : memref<1x4x32x128xf32, #tpu.memory_space<vmem>> -> memref<4x32x128xf32, #tpu.memory_space<vmem>>
      %gather3A_839 = tpu.vector_load_idx %gather3A_838[%broadcast_in_dim3A_819, %add3A_832, %broadcast_in_dim3A_822] : memref<4x32x128xf32, #tpu.memory_space<vmem>>[vector<16xi32>, vector<16xi32>, vector<16xi32>], vector<16xf32>,
      %add3A_840 = arith.constant 8 : i32
      %add3A_841 = arith.addi %mul3A_83, %add3A_840 : i32
      %add3A_842 = arith.constant 1 : i32
      %add3A_843 = arith.addi %add3A_841, %add3A_842 : i32
      %swap3A_844 = arith.index_cast %add3A_843 : i32 to index
      %swap3A_845 = arith.constant 0 : index
      %swap3A_846 = tpu.vector_load %arg7[%swap3A_844, %swap3A_845] {strides = array<i32>} : memref<512x32xf32, #tpu.memory_space<vmem>>, vector<16xf32>,
      tpu.vector_store %arg7[%swap3A_844, %swap3A_845], %gather3A_829 {strides = array<i32>} : memref<512x32xf32, #tpu.memory_space<vmem>>, vector<16xf32>,
      %add3A_847 = arith.constant 8 : i32
      %add3A_848 = arith.addi %mul3A_83, %add3A_847 : i32
      %add3A_849 = arith.constant 1 : i32
      %add3A_850 = arith.addi %add3A_848, %add3A_849 : i32
      %swap3A_851 = arith.index_cast %add3A_850 : i32 to index
      %swap3A_852 = arith.constant 16 : index
      %swap3A_853 = tpu.vector_load %arg7[%swap3A_851, %swap3A_852] {strides = array<i32>} : memref<512x32xf32, #tpu.memory_space<vmem>>, vector<16xf32>,
      tpu.vector_store %arg7[%swap3A_851, %swap3A_852], %gather3A_839 {strides = array<i32>} : memref<512x32xf32, #tpu.memory_space<vmem>>, vector<16xf32>,
      %broadcast_in_dim3A_854 = arith.constant 2 : i32
      %broadcast_in_dim3A_855 = vector.broadcast %broadcast_in_dim3A_854 : i32 to vector<16xi32>
      %slice3A_856 = vector.extract_strided_slice %and3A_717 {offsets = [10], sizes = [1], strides = [1]} : vector<16xi32> to vector<1xi32>
      %squeeze3A_857 = vector.extract %slice3A_856[0] : i32 from vector<1xi32>
      %broadcast_in_dim3A_858 = vector.broadcast %squeeze3A_857 : i32 to vector<16xi32>
      %gather3A_859 = arith.constant 0 : i32
      %gather3A_860 = arith.constant 0 : i32
      %gather3A_861 = arith.constant 0 : i32
      %gather3A_862 = arith.constant 0 : i32
      %gather3A_863 = tpu.memref_slice %arg6[%gather3A_859, %gather3A_860, %gather3A_861, %gather3A_862] : memref<2x4x32x128xf32, #tpu.memory_space<vmem>> -> memref<1x4x32x128xf32, #tpu.memory_space<vmem>>
      %gather3A_864 = tpu.memref_squeeze %gather3A_863 : memref<1x4x32x128xf32, #tpu.memory_space<vmem>> -> memref<4x32x128xf32, #tpu.memory_space<vmem>>
      %gather3A_865 = tpu.vector_load_idx %gather3A_864[%broadcast_in_dim3A_855, %iota3A, %broadcast_in_dim3A_858] : memref<4x32x128xf32, #tpu.memory_space<vmem>>[vector<16xi32>, vector<16xi32>, vector<16xi32>], vector<16xf32>,
      %add3A_866 = arith.constant 16 : i32
      %add3A_867 = vector.broadcast %add3A_866 : i32 to vector<16xi32>
      %add3A_868 = arith.addi %iota3A, %add3A_867 : vector<16xi32>
      %gather3A_869 = arith.constant 0 : i32
      %gather3A_870 = arith.constant 0 : i32
      %gather3A_871 = arith.constant 0 : i32
      %gather3A_872 = arith.constant 0 : i32
      %gather3A_873 = tpu.memref_slice %arg6[%gather3A_869, %gather3A_870, %gather3A_871, %gather3A_872] : memref<2x4x32x128xf32, #tpu.memory_space<vmem>> -> memref<1x4x32x128xf32, #tpu.memory_space<vmem>>
      %gather3A_874 = tpu.memref_squeeze %gather3A_873 : memref<1x4x32x128xf32, #tpu.memory_space<vmem>> -> memref<4x32x128xf32, #tpu.memory_space<vmem>>
      %gather3A_875 = tpu.vector_load_idx %gather3A_874[%broadcast_in_dim3A_855, %add3A_868, %broadcast_in_dim3A_858] : memref<4x32x128xf32, #tpu.memory_space<vmem>>[vector<16xi32>, vector<16xi32>, vector<16xi32>], vector<16xf32>,
      %add3A_876 = arith.constant 8 : i32
      %add3A_877 = arith.addi %mul3A_83, %add3A_876 : i32
      %add3A_878 = arith.constant 2 : i32
      %add3A_879 = arith.addi %add3A_877, %add3A_878 : i32
      %swap3A_880 = arith.index_cast %add3A_879 : i32 to index
      %swap3A_881 = arith.constant 0 : index
      %swap3A_882 = tpu.vector_load %arg7[%swap3A_880, %swap3A_881] {strides = array<i32>} : memref<512x32xf32, #tpu.memory_space<vmem>>, vector<16xf32>,
      tpu.vector_store %arg7[%swap3A_880, %swap3A_881], %gather3A_865 {strides = array<i32>} : memref<512x32xf32, #tpu.memory_space<vmem>>, vector<16xf32>,
      %add3A_883 = arith.constant 8 : i32
      %add3A_884 = arith.addi %mul3A_83, %add3A_883 : i32
      %add3A_885 = arith.constant 2 : i32
      %add3A_886 = arith.addi %add3A_884, %add3A_885 : i32
      %swap3A_887 = arith.index_cast %add3A_886 : i32 to index
      %swap3A_888 = arith.constant 16 : index
      %swap3A_889 = tpu.vector_load %arg7[%swap3A_887, %swap3A_888] {strides = array<i32>} : memref<512x32xf32, #tpu.memory_space<vmem>>, vector<16xf32>,
      tpu.vector_store %arg7[%swap3A_887, %swap3A_888], %gather3A_875 {strides = array<i32>} : memref<512x32xf32, #tpu.memory_space<vmem>>, vector<16xf32>,
      %broadcast_in_dim3A_890 = arith.constant 3 : i32
      %broadcast_in_dim3A_891 = vector.broadcast %broadcast_in_dim3A_890 : i32 to vector<16xi32>
      %slice3A_892 = vector.extract_strided_slice %and3A_717 {offsets = [11], sizes = [1], strides = [1]} : vector<16xi32> to vector<1xi32>
      %squeeze3A_893 = vector.extract %slice3A_892[0] : i32 from vector<1xi32>
      %broadcast_in_dim3A_894 = vector.broadcast %squeeze3A_893 : i32 to vector<16xi32>
      %gather3A_895 = arith.constant 0 : i32
      %gather3A_896 = arith.constant 0 : i32
      %gather3A_897 = arith.constant 0 : i32
      %gather3A_898 = arith.constant 0 : i32
      %gather3A_899 = tpu.memref_slice %arg6[%gather3A_895, %gather3A_896, %gather3A_897, %gather3A_898] : memref<2x4x32x128xf32, #tpu.memory_space<vmem>> -> memref<1x4x32x128xf32, #tpu.memory_space<vmem>>
      %gather3A_900 = tpu.memref_squeeze %gather3A_899 : memref<1x4x32x128xf32, #tpu.memory_space<vmem>> -> memref<4x32x128xf32, #tpu.memory_space<vmem>>
      %gather3A_901 = tpu.vector_load_idx %gather3A_900[%broadcast_in_dim3A_891, %iota3A, %broadcast_in_dim3A_894] : memref<4x32x128xf32, #tpu.memory_space<vmem>>[vector<16xi32>, vector<16xi32>, vector<16xi32>], vector<16xf32>,
      %add3A_902 = arith.constant 16 : i32
      %add3A_903 = vector.broadcast %add3A_902 : i32 to vector<16xi32>
      %add3A_904 = arith.addi %iota3A, %add3A_903 : vector<16xi32>
      %gather3A_905 = arith.constant 0 : i32
      %gather3A_906 = arith.constant 0 : i32
      %gather3A_907 = arith.constant 0 : i32
      %gather3A_908 = arith.constant 0 : i32
      %gather3A_909 = tpu.memref_slice %arg6[%gather3A_905, %gather3A_906, %gather3A_907, %gather3A_908] : memref<2x4x32x128xf32, #tpu.memory_space<vmem>> -> memref<1x4x32x128xf32, #tpu.memory_space<vmem>>
      %gather3A_910 = tpu.memref_squeeze %gather3A_909 : memref<1x4x32x128xf32, #tpu.memory_space<vmem>> -> memref<4x32x128xf32, #tpu.memory_space<vmem>>
      %gather3A_911 = tpu.vector_load_idx %gather3A_910[%broadcast_in_dim3A_891, %add3A_904, %broadcast_in_dim3A_894] : memref<4x32x128xf32, #tpu.memory_space<vmem>>[vector<16xi32>, vector<16xi32>, vector<16xi32>], vector<16xf32>,
      %add3A_912 = arith.constant 8 : i32
      %add3A_913 = arith.addi %mul3A_83, %add3A_912 : i32
      %add3A_914 = arith.constant 3 : i32
      %add3A_915 = arith.addi %add3A_913, %add3A_914 : i32
      %swap3A_916 = arith.index_cast %add3A_915 : i32 to index
      %swap3A_917 = arith.constant 0 : index
      %swap3A_918 = tpu.vector_load %arg7[%swap3A_916, %swap3A_917] {strides = array<i32>} : memref<512x32xf32, #tpu.memory_space<vmem>>, vector<16xf32>,
      tpu.vector_store %arg7[%swap3A_916, %swap3A_917], %gather3A_901 {strides = array<i32>} : memref<512x32xf32, #tpu.memory_space<vmem>>, vector<16xf32>,
      %add3A_919 = arith.constant 8 : i32
      %add3A_920 = arith.addi %mul3A_83, %add3A_919 : i32
      %add3A_921 = arith.constant 3 : i32
      %add3A_922 = arith.addi %add3A_920, %add3A_921 : i32
      %swap3A_923 = arith.index_cast %add3A_922 : i32 to index
      %swap3A_924 = arith.constant 16 : index
      %swap3A_925 = tpu.vector_load %arg7[%swap3A_923, %swap3A_924] {strides = array<i32>} : memref<512x32xf32, #tpu.memory_space<vmem>>, vector<16xf32>,
      tpu.vector_store %arg7[%swap3A_923, %swap3A_924], %gather3A_911 {strides = array<i32>} : memref<512x32xf32, #tpu.memory_space<vmem>>, vector<16xf32>,
      %add3A_926 = arith.constant 1 : i32
      %add3A_927 = arith.addi %scan3A_76, %add3A_926 : i32
      %lt3A = arith.constant 32 : i32
      %lt3A_928 = arith.cmpi slt, %add3A_927, %lt3A : i32
      %convert_element_type3A = arith.extui %lt3A_928 : i1 to i32
      %cond3A = arith.constant 0 : i32
      %cond3A_929 = arith.cmpi ne, %convert_element_type3A, %cond3A : i32
      scf.if %cond3A_929 {
        %add3A_1142 = arith.constant 1 : i32
        %add3A_1143 = arith.addi %scan3A_76, %add3A_1142 : i32
        %mul3A_1144 = arith.constant 16 : i32
        %mul3A_1145 = arith.muli %add3A_1143, %mul3A_1144 : i32
        %get3A_1146 = arith.index_cast %mul3A_1145 : i32 to index
        %get3A_1147 = tpu.vector_load %arg5[%get3A_1146] {strides = array<i32>} : memref<512xi32, #tpu.memory_space<vmem>>, vector<16xi32>,
        %and3A_1148 = arith.constant -128 : i32
        %and3A_1149 = vector.broadcast %and3A_1148 : i32 to vector<16xi32>
        %and3A_1150 = arith.andi %get3A_1147, %and3A_1149 : vector<16xi32>
        %slice3A_1151 = vector.extract_strided_slice %and3A_1150 {offsets = [0], sizes = [1], strides = [1]} : vector<16xi32> to vector<1xi32>
        %squeeze3A_1152 = vector.extract %slice3A_1151[0] : i32 from vector<1xi32>
        %multiple_of3A_1153 = tpu.assume_multiple %squeeze3A_1152, 128 : i32
        %dma_start3A_1154 = arith.constant 0 : i32
        %dma_start3A_1155 = arith.constant 0 : i32
        %dma_start3A_1156 = arith.constant 0 : i32
        %dma_start3A_1157 = arith.constant 0 : i32
        %dma_start3A_1158 = tpu.memref_slice %arg6[%dma_start3A_1154, %dma_start3A_1155, %dma_start3A_1156, %dma_start3A_1157] : memref<2x4x32x128xf32, #tpu.memory_space<vmem>> -> memref<1x1x32x128xf32, #tpu.memory_space<vmem>>
        %dma_start3A_1159 = tpu.memref_squeeze %dma_start3A_1158 : memref<1x1x32x128xf32, #tpu.memory_space<vmem>> -> memref<32x128xf32, #tpu.memory_space<vmem>>
        %dma_start3A_1160 = arith.constant 0 : i32
        %dma_start3A_1161 = tpu.memref_slice %arg3[%dma_start3A_1160, %multiple_of3A_1153] : memref<32x1000000xf32, #tpu.memory_space<hbm>> -> memref<32x128xf32, #tpu.memory_space<hbm>>
        %dma_start3A_1162 = arith.constant 0 : i32
        %dma_start3A_1163 = arith.constant 0 : i32
        %dma_start3A_1164 = tpu.memref_slice %arg6[%dma_start3A_1154, %dma_start3A_1155, %dma_start3A_1162, %dma_start3A_1163] : memref<2x4x32x128xf32, #tpu.memory_space<vmem>> -> memref<1x1x32x128xf32, #tpu.memory_space<vmem>>
        %dma_start3A_1165 = tpu.memref_squeeze %dma_start3A_1164 : memref<1x1x32x128xf32, #tpu.memory_space<vmem>> -> memref<32x128xf32, #tpu.memory_space<vmem>>
        %dma_start3A_1166 = arith.constant 0 : i32
        %dma_start3A_1167 = tpu.memref_slice %arg3[%dma_start3A_1166, %multiple_of3A_1153] : memref<32x1000000xf32, #tpu.memory_space<hbm>> -> memref<32x128xf32, #tpu.memory_space<hbm>>
        tpu.enqueue_dma source(%dma_start3A_1167 : memref<32x128xf32, #tpu.memory_space<hbm>>) target(%dma_start3A_1165 : memref<32x128xf32, #tpu.memory_space<vmem>>) target_semaphore(%arg8 : memref<!tpu.dma_semaphore, #tpu.memory_space<semaphore_mem>>)
        %slice3A_1168 = vector.extract_strided_slice %and3A_1150 {offsets = [1], sizes = [1], strides = [1]} : vector<16xi32> to vector<1xi32>
        %squeeze3A_1169 = vector.extract %slice3A_1168[0] : i32 from vector<1xi32>
        %multiple_of3A_1170 = tpu.assume_multiple %squeeze3A_1169, 128 : i32
        %dma_start3A_1171 = arith.constant 0 : i32
        %dma_start3A_1172 = arith.constant 1 : i32
        %dma_start3A_1173 = arith.constant 0 : i32
        %dma_start3A_1174 = arith.constant 0 : i32
        %dma_start3A_1175 = tpu.memref_slice %arg6[%dma_start3A_1171, %dma_start3A_1172, %dma_start3A_1173, %dma_start3A_1174] : memref<2x4x32x128xf32, #tpu.memory_space<vmem>> -> memref<1x1x32x128xf32, #tpu.memory_space<vmem>>
        %dma_start3A_1176 = tpu.memref_squeeze %dma_start3A_1175 : memref<1x1x32x128xf32, #tpu.memory_space<vmem>> -> memref<32x128xf32, #tpu.memory_space<vmem>>
        %dma_start3A_1177 = arith.constant 0 : i32
        %dma_start3A_1178 = tpu.memref_slice %arg3[%dma_start3A_1177, %multiple_of3A_1170] : memref<32x1000000xf32, #tpu.memory_space<hbm>> -> memref<32x128xf32, #tpu.memory_space<hbm>>
        %dma_start3A_1179 = arith.constant 0 : i32
        %dma_start3A_1180 = arith.constant 0 : i32
        %dma_start3A_1181 = tpu.memref_slice %arg6[%dma_start3A_1171, %dma_start3A_1172, %dma_start3A_1179, %dma_start3A_1180] : memref<2x4x32x128xf32, #tpu.memory_space<vmem>> -> memref<1x1x32x128xf32, #tpu.memory_space<vmem>>
        %dma_start3A_1182 = tpu.memref_squeeze %dma_start3A_1181 : memref<1x1x32x128xf32, #tpu.memory_space<vmem>> -> memref<32x128xf32, #tpu.memory_space<vmem>>
        %dma_start3A_1183 = arith.constant 0 : i32
        %dma_start3A_1184 = tpu.memref_slice %arg3[%dma_start3A_1183, %multiple_of3A_1170] : memref<32x1000000xf32, #tpu.memory_space<hbm>> -> memref<32x128xf32, #tpu.memory_space<hbm>>
        tpu.enqueue_dma source(%dma_start3A_1184 : memref<32x128xf32, #tpu.memory_space<hbm>>) target(%dma_start3A_1182 : memref<32x128xf32, #tpu.memory_space<vmem>>) target_semaphore(%arg8 : memref<!tpu.dma_semaphore, #tpu.memory_space<semaphore_mem>>)
        %slice3A_1185 = vector.extract_strided_slice %and3A_1150 {offsets = [2], sizes = [1], strides = [1]} : vector<16xi32> to vector<1xi32>
        %squeeze3A_1186 = vector.extract %slice3A_1185[0] : i32 from vector<1xi32>
        %multiple_of3A_1187 = tpu.assume_multiple %squeeze3A_1186, 128 : i32
        %dma_start3A_1188 = arith.constant 0 : i32
        %dma_start3A_1189 = arith.constant 2 : i32
        %dma_start3A_1190 = arith.constant 0 : i32
        %dma_start3A_1191 = arith.constant 0 : i32
        %dma_start3A_1192 = tpu.memref_slice %arg6[%dma_start3A_1188, %dma_start3A_1189, %dma_start3A_1190, %dma_start3A_1191] : memref<2x4x32x128xf32, #tpu.memory_space<vmem>> -> memref<1x1x32x128xf32, #tpu.memory_space<vmem>>
        %dma_start3A_1193 = tpu.memref_squeeze %dma_start3A_1192 : memref<1x1x32x128xf32, #tpu.memory_space<vmem>> -> memref<32x128xf32, #tpu.memory_space<vmem>>
        %dma_start3A_1194 = arith.constant 0 : i32
        %dma_start3A_1195 = tpu.memref_slice %arg3[%dma_start3A_1194, %multiple_of3A_1187] : memref<32x1000000xf32, #tpu.memory_space<hbm>> -> memref<32x128xf32, #tpu.memory_space<hbm>>
        %dma_start3A_1196 = arith.constant 0 : i32
        %dma_start3A_1197 = arith.constant 0 : i32
        %dma_start3A_1198 = tpu.memref_slice %arg6[%dma_start3A_1188, %dma_start3A_1189, %dma_start3A_1196, %dma_start3A_1197] : memref<2x4x32x128xf32, #tpu.memory_space<vmem>> -> memref<1x1x32x128xf32, #tpu.memory_space<vmem>>
        %dma_start3A_1199 = tpu.memref_squeeze %dma_start3A_1198 : memref<1x1x32x128xf32, #tpu.memory_space<vmem>> -> memref<32x128xf32, #tpu.memory_space<vmem>>
        %dma_start3A_1200 = arith.constant 0 : i32
        %dma_start3A_1201 = tpu.memref_slice %arg3[%dma_start3A_1200, %multiple_of3A_1187] : memref<32x1000000xf32, #tpu.memory_space<hbm>> -> memref<32x128xf32, #tpu.memory_space<hbm>>
        tpu.enqueue_dma source(%dma_start3A_1201 : memref<32x128xf32, #tpu.memory_space<hbm>>) target(%dma_start3A_1199 : memref<32x128xf32, #tpu.memory_space<vmem>>) target_semaphore(%arg8 : memref<!tpu.dma_semaphore, #tpu.memory_space<semaphore_mem>>)
        %slice3A_1202 = vector.extract_strided_slice %and3A_1150 {offsets = [3], sizes = [1], strides = [1]} : vector<16xi32> to vector<1xi32>
        %squeeze3A_1203 = vector.extract %slice3A_1202[0] : i32 from vector<1xi32>
        %multiple_of3A_1204 = tpu.assume_multiple %squeeze3A_1203, 128 : i32
        %dma_start3A_1205 = arith.constant 0 : i32
        %dma_start3A_1206 = arith.constant 3 : i32
        %dma_start3A_1207 = arith.constant 0 : i32
        %dma_start3A_1208 = arith.constant 0 : i32
        %dma_start3A_1209 = tpu.memref_slice %arg6[%dma_start3A_1205, %dma_start3A_1206, %dma_start3A_1207, %dma_start3A_1208] : memref<2x4x32x128xf32, #tpu.memory_space<vmem>> -> memref<1x1x32x128xf32, #tpu.memory_space<vmem>>
        %dma_start3A_1210 = tpu.memref_squeeze %dma_start3A_1209 : memref<1x1x32x128xf32, #tpu.memory_space<vmem>> -> memref<32x128xf32, #tpu.memory_space<vmem>>
        %dma_start3A_1211 = arith.constant 0 : i32
        %dma_start3A_1212 = tpu.memref_slice %arg3[%dma_start3A_1211, %multiple_of3A_1204] : memref<32x1000000xf32, #tpu.memory_space<hbm>> -> memref<32x128xf32, #tpu.memory_space<hbm>>
        %dma_start3A_1213 = arith.constant 0 : i32
        %dma_start3A_1214 = arith.constant 0 : i32
        %dma_start3A_1215 = tpu.memref_slice %arg6[%dma_start3A_1205, %dma_start3A_1206, %dma_start3A_1213, %dma_start3A_1214] : memref<2x4x32x128xf32, #tpu.memory_space<vmem>> -> memref<1x1x32x128xf32, #tpu.memory_space<vmem>>
        %dma_start3A_1216 = tpu.memref_squeeze %dma_start3A_1215 : memref<1x1x32x128xf32, #tpu.memory_space<vmem>> -> memref<32x128xf32, #tpu.memory_space<vmem>>
        %dma_start3A_1217 = arith.constant 0 : i32
        %dma_start3A_1218 = tpu.memref_slice %arg3[%dma_start3A_1217, %multiple_of3A_1204] : memref<32x1000000xf32, #tpu.memory_space<hbm>> -> memref<32x128xf32, #tpu.memory_space<hbm>>
        tpu.enqueue_dma source(%dma_start3A_1218 : memref<32x128xf32, #tpu.memory_space<hbm>>) target(%dma_start3A_1216 : memref<32x128xf32, #tpu.memory_space<vmem>>) target_semaphore(%arg8 : memref<!tpu.dma_semaphore, #tpu.memory_space<semaphore_mem>>)
      } else {
      }
      %and3A_930 = arith.constant 127 : i32
      %and3A_931 = vector.broadcast %and3A_930 : i32 to vector<16xi32>
      %and3A_932 = arith.andi %get3A_81, %and3A_931 : vector<16xi32>
      %dma_wait3A_933 = arith.constant 1 : i32
      %dma_wait3A_934 = arith.constant 0 : i32
      %dma_wait3A_935 = arith.constant 0 : i32
      %dma_wait3A_936 = arith.constant 0 : i32
      %dma_wait3A_937 = tpu.memref_slice %arg6[%dma_wait3A_933, %dma_wait3A_934, %dma_wait3A_935, %dma_wait3A_936] : memref<2x4x32x128xf32, #tpu.memory_space<vmem>> -> memref<1x1x32x128xf32, #tpu.memory_space<vmem>>
      %dma_wait3A_938 = tpu.memref_squeeze %dma_wait3A_937 : memref<1x1x32x128xf32, #tpu.memory_space<vmem>> -> memref<32x128xf32, #tpu.memory_space<vmem>>
      %dma_wait3A_939 = arith.constant 0 : i32
      %dma_wait3A_940 = arith.constant 0 : i32
      %dma_wait3A_941 = tpu.memref_slice %arg3[%dma_wait3A_939, %dma_wait3A_940] : memref<32x1000000xf32, #tpu.memory_space<hbm>> -> memref<32x128xf32, #tpu.memory_space<hbm>>
      %dma_wait3A_942 = arith.constant 0 : i32
      %dma_wait3A_943 = arith.constant 0 : i32
      %dma_wait3A_944 = tpu.memref_slice %arg6[%dma_wait3A_933, %dma_wait3A_934, %dma_wait3A_942, %dma_wait3A_943] : memref<2x4x32x128xf32, #tpu.memory_space<vmem>> -> memref<1x1x32x128xf32, #tpu.memory_space<vmem>>
      %dma_wait3A_945 = tpu.memref_squeeze %dma_wait3A_944 : memref<1x1x32x128xf32, #tpu.memory_space<vmem>> -> memref<32x128xf32, #tpu.memory_space<vmem>>
      %dma_wait3A_946 = arith.constant 0 : i32
      %dma_wait3A_947 = arith.constant 0 : i32
      %dma_wait3A_948 = tpu.memref_slice %arg3[%dma_wait3A_946, %dma_wait3A_947] : memref<32x1000000xf32, #tpu.memory_space<hbm>> -> memref<32x128xf32, #tpu.memory_space<hbm>>
      tpu.wait_dma2 semaphore(%arg9 : memref<!tpu.dma_semaphore, #tpu.memory_space<semaphore_mem>>) src(%dma_wait3A_948 : memref<32x128xf32, #tpu.memory_space<hbm>>) dst(%dma_wait3A_945 : memref<32x128xf32, #tpu.memory_space<vmem>>)
      %dma_wait3A_949 = arith.constant 1 : i32
      %dma_wait3A_950 = arith.constant 1 : i32
      %dma_wait3A_951 = arith.constant 0 : i32
      %dma_wait3A_952 = arith.constant 0 : i32
      %dma_wait3A_953 = tpu.memref_slice %arg6[%dma_wait3A_949, %dma_wait3A_950, %dma_wait3A_951, %dma_wait3A_952] : memref<2x4x32x128xf32, #tpu.memory_space<vmem>> -> memref<1x1x32x128xf32, #tpu.memory_space<vmem>>
      %dma_wait3A_954 = tpu.memref_squeeze %dma_wait3A_953 : memref<1x1x32x128xf32, #tpu.memory_space<vmem>> -> memref<32x128xf32, #tpu.memory_space<vmem>>
      %dma_wait3A_955 = arith.constant 0 : i32
      %dma_wait3A_956 = arith.constant 0 : i32
      %dma_wait3A_957 = tpu.memref_slice %arg3[%dma_wait3A_955, %dma_wait3A_956] : memref<32x1000000xf32, #tpu.memory_space<hbm>> -> memref<32x128xf32, #tpu.memory_space<hbm>>
      %dma_wait3A_958 = arith.constant 0 : i32
      %dma_wait3A_959 = arith.constant 0 : i32
      %dma_wait3A_960 = tpu.memref_slice %arg6[%dma_wait3A_949, %dma_wait3A_950, %dma_wait3A_958, %dma_wait3A_959] : memref<2x4x32x128xf32, #tpu.memory_space<vmem>> -> memref<1x1x32x128xf32, #tpu.memory_space<vmem>>
      %dma_wait3A_961 = tpu.memref_squeeze %dma_wait3A_960 : memref<1x1x32x128xf32, #tpu.memory_space<vmem>> -> memref<32x128xf32, #tpu.memory_space<vmem>>
      %dma_wait3A_962 = arith.constant 0 : i32
      %dma_wait3A_963 = arith.constant 0 : i32
      %dma_wait3A_964 = tpu.memref_slice %arg3[%dma_wait3A_962, %dma_wait3A_963] : memref<32x1000000xf32, #tpu.memory_space<hbm>> -> memref<32x128xf32, #tpu.memory_space<hbm>>
      tpu.wait_dma2 semaphore(%arg9 : memref<!tpu.dma_semaphore, #tpu.memory_space<semaphore_mem>>) src(%dma_wait3A_964 : memref<32x128xf32, #tpu.memory_space<hbm>>) dst(%dma_wait3A_961 : memref<32x128xf32, #tpu.memory_space<vmem>>)
      %dma_wait3A_965 = arith.constant 1 : i32
      %dma_wait3A_966 = arith.constant 2 : i32
      %dma_wait3A_967 = arith.constant 0 : i32
      %dma_wait3A_968 = arith.constant 0 : i32
      %dma_wait3A_969 = tpu.memref_slice %arg6[%dma_wait3A_965, %dma_wait3A_966, %dma_wait3A_967, %dma_wait3A_968] : memref<2x4x32x128xf32, #tpu.memory_space<vmem>> -> memref<1x1x32x128xf32, #tpu.memory_space<vmem>>
      %dma_wait3A_970 = tpu.memref_squeeze %dma_wait3A_969 : memref<1x1x32x128xf32, #tpu.memory_space<vmem>> -> memref<32x128xf32, #tpu.memory_space<vmem>>
      %dma_wait3A_971 = arith.constant 0 : i32
      %dma_wait3A_972 = arith.constant 0 : i32
      %dma_wait3A_973 = tpu.memref_slice %arg3[%dma_wait3A_971, %dma_wait3A_972] : memref<32x1000000xf32, #tpu.memory_space<hbm>> -> memref<32x128xf32, #tpu.memory_space<hbm>>
      %dma_wait3A_974 = arith.constant 0 : i32
      %dma_wait3A_975 = arith.constant 0 : i32
      %dma_wait3A_976 = tpu.memref_slice %arg6[%dma_wait3A_965, %dma_wait3A_966, %dma_wait3A_974, %dma_wait3A_975] : memref<2x4x32x128xf32, #tpu.memory_space<vmem>> -> memref<1x1x32x128xf32, #tpu.memory_space<vmem>>
      %dma_wait3A_977 = tpu.memref_squeeze %dma_wait3A_976 : memref<1x1x32x128xf32, #tpu.memory_space<vmem>> -> memref<32x128xf32, #tpu.memory_space<vmem>>
      %dma_wait3A_978 = arith.constant 0 : i32
      %dma_wait3A_979 = arith.constant 0 : i32
      %dma_wait3A_980 = tpu.memref_slice %arg3[%dma_wait3A_978, %dma_wait3A_979] : memref<32x1000000xf32, #tpu.memory_space<hbm>> -> memref<32x128xf32, #tpu.memory_space<hbm>>
      tpu.wait_dma2 semaphore(%arg9 : memref<!tpu.dma_semaphore, #tpu.memory_space<semaphore_mem>>) src(%dma_wait3A_980 : memref<32x128xf32, #tpu.memory_space<hbm>>) dst(%dma_wait3A_977 : memref<32x128xf32, #tpu.memory_space<vmem>>)
      %dma_wait3A_981 = arith.constant 1 : i32
      %dma_wait3A_982 = arith.constant 3 : i32
      %dma_wait3A_983 = arith.constant 0 : i32
      %dma_wait3A_984 = arith.constant 0 : i32
      %dma_wait3A_985 = tpu.memref_slice %arg6[%dma_wait3A_981, %dma_wait3A_982, %dma_wait3A_983, %dma_wait3A_984] : memref<2x4x32x128xf32, #tpu.memory_space<vmem>> -> memref<1x1x32x128xf32, #tpu.memory_space<vmem>>
      %dma_wait3A_986 = tpu.memref_squeeze %dma_wait3A_985 : memref<1x1x32x128xf32, #tpu.memory_space<vmem>> -> memref<32x128xf32, #tpu.memory_space<vmem>>
      %dma_wait3A_987 = arith.constant 0 : i32
      %dma_wait3A_988 = arith.constant 0 : i32
      %dma_wait3A_989 = tpu.memref_slice %arg3[%dma_wait3A_987, %dma_wait3A_988] : memref<32x1000000xf32, #tpu.memory_space<hbm>> -> memref<32x128xf32, #tpu.memory_space<hbm>>
      %dma_wait3A_990 = arith.constant 0 : i32
      %dma_wait3A_991 = arith.constant 0 : i32
      %dma_wait3A_992 = tpu.memref_slice %arg6[%dma_wait3A_981, %dma_wait3A_982, %dma_wait3A_990, %dma_wait3A_991] : memref<2x4x32x128xf32, #tpu.memory_space<vmem>> -> memref<1x1x32x128xf32, #tpu.memory_space<vmem>>
      %dma_wait3A_993 = tpu.memref_squeeze %dma_wait3A_992 : memref<1x1x32x128xf32, #tpu.memory_space<vmem>> -> memref<32x128xf32, #tpu.memory_space<vmem>>
      %dma_wait3A_994 = arith.constant 0 : i32
      %dma_wait3A_995 = arith.constant 0 : i32
      %dma_wait3A_996 = tpu.memref_slice %arg3[%dma_wait3A_994, %dma_wait3A_995] : memref<32x1000000xf32, #tpu.memory_space<hbm>> -> memref<32x128xf32, #tpu.memory_space<hbm>>
      tpu.wait_dma2 semaphore(%arg9 : memref<!tpu.dma_semaphore, #tpu.memory_space<semaphore_mem>>) src(%dma_wait3A_996 : memref<32x128xf32, #tpu.memory_space<hbm>>) dst(%dma_wait3A_993 : memref<32x128xf32, #tpu.memory_space<vmem>>)
      %broadcast_in_dim3A_997 = arith.constant 0 : i32
      %broadcast_in_dim3A_998 = vector.broadcast %broadcast_in_dim3A_997 : i32 to vector<16xi32>
      %slice3A_999 = vector.extract_strided_slice %and3A_932 {offsets = [12], sizes = [1], strides = [1]} : vector<16xi32> to vector<1xi32>
      %squeeze3A_1000 = vector.extract %slice3A_999[0] : i32 from vector<1xi32>
      %broadcast_in_dim3A_1001 = vector.broadcast %squeeze3A_1000 : i32 to vector<16xi32>
      %gather3A_1002 = arith.constant 1 : i32
      %gather3A_1003 = arith.constant 0 : i32
      %gather3A_1004 = arith.constant 0 : i32
      %gather3A_1005 = arith.constant 0 : i32
      %gather3A_1006 = tpu.memref_slice %arg6[%gather3A_1002, %gather3A_1003, %gather3A_1004, %gather3A_1005] : memref<2x4x32x128xf32, #tpu.memory_space<vmem>> -> memref<1x4x32x128xf32, #tpu.memory_space<vmem>>
      %gather3A_1007 = tpu.memref_squeeze %gather3A_1006 : memref<1x4x32x128xf32, #tpu.memory_space<vmem>> -> memref<4x32x128xf32, #tpu.memory_space<vmem>>
      %gather3A_1008 = tpu.vector_load_idx %gather3A_1007[%broadcast_in_dim3A_998, %iota3A, %broadcast_in_dim3A_1001] : memref<4x32x128xf32, #tpu.memory_space<vmem>>[vector<16xi32>, vector<16xi32>, vector<16xi32>], vector<16xf32>,
      %add3A_1009 = arith.constant 16 : i32
      %add3A_1010 = vector.broadcast %add3A_1009 : i32 to vector<16xi32>
      %add3A_1011 = arith.addi %iota3A, %add3A_1010 : vector<16xi32>
      %gather3A_1012 = arith.constant 1 : i32
      %gather3A_1013 = arith.constant 0 : i32
      %gather3A_1014 = arith.constant 0 : i32
      %gather3A_1015 = arith.constant 0 : i32
      %gather3A_1016 = tpu.memref_slice %arg6[%gather3A_1012, %gather3A_1013, %gather3A_1014, %gather3A_1015] : memref<2x4x32x128xf32, #tpu.memory_space<vmem>> -> memref<1x4x32x128xf32, #tpu.memory_space<vmem>>
      %gather3A_1017 = tpu.memref_squeeze %gather3A_1016 : memref<1x4x32x128xf32, #tpu.memory_space<vmem>> -> memref<4x32x128xf32, #tpu.memory_space<vmem>>
      %gather3A_1018 = tpu.vector_load_idx %gather3A_1017[%broadcast_in_dim3A_998, %add3A_1011, %broadcast_in_dim3A_1001] : memref<4x32x128xf32, #tpu.memory_space<vmem>>[vector<16xi32>, vector<16xi32>, vector<16xi32>], vector<16xf32>,
      %add3A_1019 = arith.constant 12 : i32
      %add3A_1020 = arith.addi %mul3A_83, %add3A_1019 : i32
      %add3A_1021 = arith.constant 0 : i32
      %add3A_1022 = arith.addi %add3A_1020, %add3A_1021 : i32
      %swap3A_1023 = arith.index_cast %add3A_1022 : i32 to index
      %swap3A_1024 = arith.constant 0 : index
      %swap3A_1025 = tpu.vector_load %arg7[%swap3A_1023, %swap3A_1024] {strides = array<i32>} : memref<512x32xf32, #tpu.memory_space<vmem>>, vector<16xf32>,
      tpu.vector_store %arg7[%swap3A_1023, %swap3A_1024], %gather3A_1008 {strides = array<i32>} : memref<512x32xf32, #tpu.memory_space<vmem>>, vector<16xf32>,
      %add3A_1026 = arith.constant 12 : i32
      %add3A_1027 = arith.addi %mul3A_83, %add3A_1026 : i32
      %add3A_1028 = arith.constant 0 : i32
      %add3A_1029 = arith.addi %add3A_1027, %add3A_1028 : i32
      %swap3A_1030 = arith.index_cast %add3A_1029 : i32 to index
      %swap3A_1031 = arith.constant 16 : index
      %swap3A_1032 = tpu.vector_load %arg7[%swap3A_1030, %swap3A_1031] {strides = array<i32>} : memref<512x32xf32, #tpu.memory_space<vmem>>, vector<16xf32>,
      tpu.vector_store %arg7[%swap3A_1030, %swap3A_1031], %gather3A_1018 {strides = array<i32>} : memref<512x32xf32, #tpu.memory_space<vmem>>, vector<16xf32>,
      %broadcast_in_dim3A_1033 = arith.constant 1 : i32
      %broadcast_in_dim3A_1034 = vector.broadcast %broadcast_in_dim3A_1033 : i32 to vector<16xi32>
      %slice3A_1035 = vector.extract_strided_slice %and3A_932 {offsets = [13], sizes = [1], strides = [1]} : vector<16xi32> to vector<1xi32>
      %squeeze3A_1036 = vector.extract %slice3A_1035[0] : i32 from vector<1xi32>
      %broadcast_in_dim3A_1037 = vector.broadcast %squeeze3A_1036 : i32 to vector<16xi32>
      %gather3A_1038 = arith.constant 1 : i32
      %gather3A_1039 = arith.constant 0 : i32
      %gather3A_1040 = arith.constant 0 : i32
      %gather3A_1041 = arith.constant 0 : i32
      %gather3A_1042 = tpu.memref_slice %arg6[%gather3A_1038, %gather3A_1039, %gather3A_1040, %gather3A_1041] : memref<2x4x32x128xf32, #tpu.memory_space<vmem>> -> memref<1x4x32x128xf32, #tpu.memory_space<vmem>>
      %gather3A_1043 = tpu.memref_squeeze %gather3A_1042 : memref<1x4x32x128xf32, #tpu.memory_space<vmem>> -> memref<4x32x128xf32, #tpu.memory_space<vmem>>
      %gather3A_1044 = tpu.vector_load_idx %gather3A_1043[%broadcast_in_dim3A_1034, %iota3A, %broadcast_in_dim3A_1037] : memref<4x32x128xf32, #tpu.memory_space<vmem>>[vector<16xi32>, vector<16xi32>, vector<16xi32>], vector<16xf32>,
      %add3A_1045 = arith.constant 16 : i32
      %add3A_1046 = vector.broadcast %add3A_1045 : i32 to vector<16xi32>
      %add3A_1047 = arith.addi %iota3A, %add3A_1046 : vector<16xi32>
      %gather3A_1048 = arith.constant 1 : i32
      %gather3A_1049 = arith.constant 0 : i32
      %gather3A_1050 = arith.constant 0 : i32
      %gather3A_1051 = arith.constant 0 : i32
      %gather3A_1052 = tpu.memref_slice %arg6[%gather3A_1048, %gather3A_1049, %gather3A_1050, %gather3A_1051] : memref<2x4x32x128xf32, #tpu.memory_space<vmem>> -> memref<1x4x32x128xf32, #tpu.memory_space<vmem>>
      %gather3A_1053 = tpu.memref_squeeze %gather3A_1052 : memref<1x4x32x128xf32, #tpu.memory_space<vmem>> -> memref<4x32x128xf32, #tpu.memory_space<vmem>>
      %gather3A_1054 = tpu.vector_load_idx %gather3A_1053[%broadcast_in_dim3A_1034, %add3A_1047, %broadcast_in_dim3A_1037] : memref<4x32x128xf32, #tpu.memory_space<vmem>>[vector<16xi32>, vector<16xi32>, vector<16xi32>], vector<16xf32>,
      %add3A_1055 = arith.constant 12 : i32
      %add3A_1056 = arith.addi %mul3A_83, %add3A_1055 : i32
      %add3A_1057 = arith.constant 1 : i32
      %add3A_1058 = arith.addi %add3A_1056, %add3A_1057 : i32
      %swap3A_1059 = arith.index_cast %add3A_1058 : i32 to index
      %swap3A_1060 = arith.constant 0 : index
      %swap3A_1061 = tpu.vector_load %arg7[%swap3A_1059, %swap3A_1060] {strides = array<i32>} : memref<512x32xf32, #tpu.memory_space<vmem>>, vector<16xf32>,
      tpu.vector_store %arg7[%swap3A_1059, %swap3A_1060], %gather3A_1044 {strides = array<i32>} : memref<512x32xf32, #tpu.memory_space<vmem>>, vector<16xf32>,
      %add3A_1062 = arith.constant 12 : i32
      %add3A_1063 = arith.addi %mul3A_83, %add3A_1062 : i32
      %add3A_1064 = arith.constant 1 : i32
      %add3A_1065 = arith.addi %add3A_1063, %add3A_1064 : i32
      %swap3A_1066 = arith.index_cast %add3A_1065 : i32 to index
      %swap3A_1067 = arith.constant 16 : index
      %swap3A_1068 = tpu.vector_load %arg7[%swap3A_1066, %swap3A_1067] {strides = array<i32>} : memref<512x32xf32, #tpu.memory_space<vmem>>, vector<16xf32>,
      tpu.vector_store %arg7[%swap3A_1066, %swap3A_1067], %gather3A_1054 {strides = array<i32>} : memref<512x32xf32, #tpu.memory_space<vmem>>, vector<16xf32>,
      %broadcast_in_dim3A_1069 = arith.constant 2 : i32
      %broadcast_in_dim3A_1070 = vector.broadcast %broadcast_in_dim3A_1069 : i32 to vector<16xi32>
      %slice3A_1071 = vector.extract_strided_slice %and3A_932 {offsets = [14], sizes = [1], strides = [1]} : vector<16xi32> to vector<1xi32>
      %squeeze3A_1072 = vector.extract %slice3A_1071[0] : i32 from vector<1xi32>
      %broadcast_in_dim3A_1073 = vector.broadcast %squeeze3A_1072 : i32 to vector<16xi32>
      %gather3A_1074 = arith.constant 1 : i32
      %gather3A_1075 = arith.constant 0 : i32
      %gather3A_1076 = arith.constant 0 : i32
      %gather3A_1077 = arith.constant 0 : i32
      %gather3A_1078 = tpu.memref_slice %arg6[%gather3A_1074, %gather3A_1075, %gather3A_1076, %gather3A_1077] : memref<2x4x32x128xf32, #tpu.memory_space<vmem>> -> memref<1x4x32x128xf32, #tpu.memory_space<vmem>>
      %gather3A_1079 = tpu.memref_squeeze %gather3A_1078 : memref<1x4x32x128xf32, #tpu.memory_space<vmem>> -> memref<4x32x128xf32, #tpu.memory_space<vmem>>
      %gather3A_1080 = tpu.vector_load_idx %gather3A_1079[%broadcast_in_dim3A_1070, %iota3A, %broadcast_in_dim3A_1073] : memref<4x32x128xf32, #tpu.memory_space<vmem>>[vector<16xi32>, vector<16xi32>, vector<16xi32>], vector<16xf32>,
      %add3A_1081 = arith.constant 16 : i32
      %add3A_1082 = vector.broadcast %add3A_1081 : i32 to vector<16xi32>
      %add3A_1083 = arith.addi %iota3A, %add3A_1082 : vector<16xi32>
      %gather3A_1084 = arith.constant 1 : i32
      %gather3A_1085 = arith.constant 0 : i32
      %gather3A_1086 = arith.constant 0 : i32
      %gather3A_1087 = arith.constant 0 : i32
      %gather3A_1088 = tpu.memref_slice %arg6[%gather3A_1084, %gather3A_1085, %gather3A_1086, %gather3A_1087] : memref<2x4x32x128xf32, #tpu.memory_space<vmem>> -> memref<1x4x32x128xf32, #tpu.memory_space<vmem>>
      %gather3A_1089 = tpu.memref_squeeze %gather3A_1088 : memref<1x4x32x128xf32, #tpu.memory_space<vmem>> -> memref<4x32x128xf32, #tpu.memory_space<vmem>>
      %gather3A_1090 = tpu.vector_load_idx %gather3A_1089[%broadcast_in_dim3A_1070, %add3A_1083, %broadcast_in_dim3A_1073] : memref<4x32x128xf32, #tpu.memory_space<vmem>>[vector<16xi32>, vector<16xi32>, vector<16xi32>], vector<16xf32>,
      %add3A_1091 = arith.constant 12 : i32
      %add3A_1092 = arith.addi %mul3A_83, %add3A_1091 : i32
      %add3A_1093 = arith.constant 2 : i32
      %add3A_1094 = arith.addi %add3A_1092, %add3A_1093 : i32
      %swap3A_1095 = arith.index_cast %add3A_1094 : i32 to index
      %swap3A_1096 = arith.constant 0 : index
      %swap3A_1097 = tpu.vector_load %arg7[%swap3A_1095, %swap3A_1096] {strides = array<i32>} : memref<512x32xf32, #tpu.memory_space<vmem>>, vector<16xf32>,
      tpu.vector_store %arg7[%swap3A_1095, %swap3A_1096], %gather3A_1080 {strides = array<i32>} : memref<512x32xf32, #tpu.memory_space<vmem>>, vector<16xf32>,
      %add3A_1098 = arith.constant 12 : i32
      %add3A_1099 = arith.addi %mul3A_83, %add3A_1098 : i32
      %add3A_1100 = arith.constant 2 : i32
      %add3A_1101 = arith.addi %add3A_1099, %add3A_1100 : i32
      %swap3A_1102 = arith.index_cast %add3A_1101 : i32 to index
      %swap3A_1103 = arith.constant 16 : index
      %swap3A_1104 = tpu.vector_load %arg7[%swap3A_1102, %swap3A_1103] {strides = array<i32>} : memref<512x32xf32, #tpu.memory_space<vmem>>, vector<16xf32>,
      tpu.vector_store %arg7[%swap3A_1102, %swap3A_1103], %gather3A_1090 {strides = array<i32>} : memref<512x32xf32, #tpu.memory_space<vmem>>, vector<16xf32>,
      %broadcast_in_dim3A_1105 = arith.constant 3 : i32
      %broadcast_in_dim3A_1106 = vector.broadcast %broadcast_in_dim3A_1105 : i32 to vector<16xi32>
      %slice3A_1107 = vector.extract_strided_slice %and3A_932 {offsets = [15], sizes = [1], strides = [1]} : vector<16xi32> to vector<1xi32>
      %squeeze3A_1108 = vector.extract %slice3A_1107[0] : i32 from vector<1xi32>
      %broadcast_in_dim3A_1109 = vector.broadcast %squeeze3A_1108 : i32 to vector<16xi32>
      %gather3A_1110 = arith.constant 1 : i32
      %gather3A_1111 = arith.constant 0 : i32
      %gather3A_1112 = arith.constant 0 : i32
      %gather3A_1113 = arith.constant 0 : i32
      %gather3A_1114 = tpu.memref_slice %arg6[%gather3A_1110, %gather3A_1111, %gather3A_1112, %gather3A_1113] : memref<2x4x32x128xf32, #tpu.memory_space<vmem>> -> memref<1x4x32x128xf32, #tpu.memory_space<vmem>>
      %gather3A_1115 = tpu.memref_squeeze %gather3A_1114 : memref<1x4x32x128xf32, #tpu.memory_space<vmem>> -> memref<4x32x128xf32, #tpu.memory_space<vmem>>
      %gather3A_1116 = tpu.vector_load_idx %gather3A_1115[%broadcast_in_dim3A_1106, %iota3A, %broadcast_in_dim3A_1109] : memref<4x32x128xf32, #tpu.memory_space<vmem>>[vector<16xi32>, vector<16xi32>, vector<16xi32>], vector<16xf32>,
      %add3A_1117 = arith.constant 16 : i32
      %add3A_1118 = vector.broadcast %add3A_1117 : i32 to vector<16xi32>
      %add3A_1119 = arith.addi %iota3A, %add3A_1118 : vector<16xi32>
      %gather3A_1120 = arith.constant 1 : i32
      %gather3A_1121 = arith.constant 0 : i32
      %gather3A_1122 = arith.constant 0 : i32
      %gather3A_1123 = arith.constant 0 : i32
      %gather3A_1124 = tpu.memref_slice %arg6[%gather3A_1120, %gather3A_1121, %gather3A_1122, %gather3A_1123] : memref<2x4x32x128xf32, #tpu.memory_space<vmem>> -> memref<1x4x32x128xf32, #tpu.memory_space<vmem>>
      %gather3A_1125 = tpu.memref_squeeze %gather3A_1124 : memref<1x4x32x128xf32, #tpu.memory_space<vmem>> -> memref<4x32x128xf32, #tpu.memory_space<vmem>>
      %gather3A_1126 = tpu.vector_load_idx %gather3A_1125[%broadcast_in_dim3A_1106, %add3A_1119, %broadcast_in_dim3A_1109] : memref<4x32x128xf32, #tpu.memory_space<vmem>>[vector<16xi32>, vector<16xi32>, vector<16xi32>], vector<16xf32>,
      %add3A_1127 = arith.constant 12 : i32
      %add3A_1128 = arith.addi %mul3A_83, %add3A_1127 : i32
      %add3A_1129 = arith.constant 3 : i32
      %add3A_1130 = arith.addi %add3A_1128, %add3A_1129 : i32
      %swap3A_1131 = arith.index_cast %add3A_1130 : i32 to index
      %swap3A_1132 = arith.constant 0 : index
      %swap3A_1133 = tpu.vector_load %arg7[%swap3A_1131, %swap3A_1132] {strides = array<i32>} : memref<512x32xf32, #tpu.memory_space<vmem>>, vector<16xf32>,
      tpu.vector_store %arg7[%swap3A_1131, %swap3A_1132], %gather3A_1116 {strides = array<i32>} : memref<512x32xf32, #tpu.memory_space<vmem>>, vector<16xf32>,
      %add3A_1134 = arith.constant 12 : i32
      %add3A_1135 = arith.addi %mul3A_83, %add3A_1134 : i32
      %add3A_1136 = arith.constant 3 : i32
      %add3A_1137 = arith.addi %add3A_1135, %add3A_1136 : i32
      %swap3A_1138 = arith.index_cast %add3A_1137 : i32 to index
      %swap3A_1139 = arith.constant 16 : index
      %swap3A_1140 = tpu.vector_load %arg7[%swap3A_1138, %swap3A_1139] {strides = array<i32>} : memref<512x32xf32, #tpu.memory_space<vmem>>, vector<16xf32>,
      tpu.vector_store %arg7[%swap3A_1138, %swap3A_1139], %gather3A_1126 {strides = array<i32>} : memref<512x32xf32, #tpu.memory_space<vmem>>, vector<16xf32>,
      %scan3A_1141 = arith.constant 0 : i32
      scf.yield %scan3A_1141 : i32
    }
    %scan3A_75 = arith.constant 32 : i32
    "tpu.region"() ({
      %run_scoped3A = tpu.sem_alloc : memref<!tpu.dma_semaphore, #tpu.memory_space<semaphore_mem>>
      %dma_start3A_76 = arith.constant 0 : i32
      %dma_start3A_77 = tpu.memref_slice %arg4[%mul3A_2, %dma_start3A_76] : memref<16384x32xf32, #tpu.memory_space<hbm>> -> memref<512x32xf32, #tpu.memory_space<hbm>>
      %dma_start3A_78 = arith.constant 0 : i32
      %dma_start3A_79 = tpu.memref_slice %arg4[%mul3A_2, %dma_start3A_78] : memref<16384x32xf32, #tpu.memory_space<hbm>> -> memref<512x32xf32, #tpu.memory_space<hbm>>
      tpu.enqueue_dma source(%arg7 : memref<512x32xf32, #tpu.memory_space<vmem>>) target(%dma_start3A_79 : memref<512x32xf32, #tpu.memory_space<hbm>>) target_semaphore(%run_scoped3A : memref<!tpu.dma_semaphore, #tpu.memory_space<semaphore_mem>>)
      %dma_wait3A = arith.constant 0 : i32
      %dma_wait3A_80 = tpu.memref_slice %arg4[%mul3A_2, %dma_wait3A] : memref<16384x32xf32, #tpu.memory_space<hbm>> -> memref<512x32xf32, #tpu.memory_space<hbm>>
      %dma_wait3A_81 = arith.constant 0 : i32
      %dma_wait3A_82 = tpu.memref_slice %arg4[%mul3A_2, %dma_wait3A_81] : memref<16384x32xf32, #tpu.memory_space<hbm>> -> memref<512x32xf32, #tpu.memory_space<hbm>>
      tpu.wait_dma2 semaphore(%run_scoped3A : memref<!tpu.dma_semaphore, #tpu.memory_space<semaphore_mem>>) src(%arg7 : memref<512x32xf32, #tpu.memory_space<vmem>>) dst(%dma_wait3A_82 : memref<512x32xf32, #tpu.memory_space<hbm>>)
      tpu.yield
    }) : () -> ()
    return
  }
}

module attributes {stable_mosaic.version = 14 : i64} {
  func.func @_proj_body(%arg0: i32, %arg1: memref<4096x32xf32, #tpu.memory_space<vmem>>, %arg2: memref<4096x32xf32, #tpu.memory_space<vmem>>, %arg3: memref<4096x32xf32, #tpu.memory_space<vmem>>, %arg4: memref<4096x1xf32, #tpu.memory_space<vmem>>, %arg5: memref<16x1xf32, #tpu.memory_space<vmem>>, %arg6: memref<1x16xf32, #tpu.memory_space<vmem>>, %arg7: memref<32x128xf32, #tpu.memory_space<vmem>>, %arg8: memref<32x128xf32, #tpu.memory_space<vmem>>, %arg9: memref<32x128xf32, #tpu.memory_space<vmem>>, %arg10: memref<16x128xf32, #tpu.memory_space<vmem>>, %arg11: memref<1x128xf32, #tpu.memory_space<vmem>>, %arg12: memref<4096x128xf32, #tpu.memory_space<vmem>>) attributes {dimension_semantics = [#tpu.dimension_semantics<arbitrary>], iteration_bounds = array<i64: 4>, scalar_prefetch = 0 : i64, scratch_operands = 0 : i64, tpu.core_type = #tpu.core_type<tc>, window_params = [{transform_indices = @transform_0, window_bounds = array<i64: 4096, 32>}, {transform_indices = @transform_1, window_bounds = array<i64: 4096, 32>}, {transform_indices = @transform_2, window_bounds = array<i64: 4096, 32>}, {transform_indices = @transform_3, window_bounds = array<i64: 4096, 1>}, {pipeline_mode = #tpu.pipeline_mode<synchronous>, transform_indices = @transform_4, window_bounds = array<i64: 16, 1>}, {pipeline_mode = #tpu.pipeline_mode<synchronous>, transform_indices = @transform_5, window_bounds = array<i64: 1, 16>}, {pipeline_mode = #tpu.pipeline_mode<synchronous>, transform_indices = @transform_6, window_bounds = array<i64: 32, 128>}, {pipeline_mode = #tpu.pipeline_mode<synchronous>, transform_indices = @transform_7, window_bounds = array<i64: 32, 128>}, {pipeline_mode = #tpu.pipeline_mode<synchronous>, transform_indices = @transform_8, window_bounds = array<i64: 32, 128>}, {pipeline_mode = #tpu.pipeline_mode<synchronous>, transform_indices = @transform_9, window_bounds = array<i64: 16, 128>}, {pipeline_mode = #tpu.pipeline_mode<synchronous>, transform_indices = @transform_10, window_bounds = array<i64: 1, 128>}, {transform_indices = @transform_11, window_bounds = array<i64: 4096, 128>}]} {
    %get3A = arith.constant 0 : index
    %get3A_0 = arith.constant 0 : index
    %get3A_1 = vector.load %arg1[%get3A, %get3A_0] : memref<4096x32xf32, #tpu.memory_space<vmem>>, vector<4096x32xf32>
    %get3A_2 = arith.constant 0 : index
    %get3A_3 = arith.constant 0 : index
    %get3A_4 = vector.load %arg7[%get3A_2, %get3A_3] : memref<32x128xf32, #tpu.memory_space<vmem>>, vector<32x128xf32>
    %dot_general3A = arith.constant dense<0.000000e+00> : vector<4096x128xf32>
    %dot_general3A_5 = tpu.matmul %get3A_1, %get3A_4, %dot_general3A {dimension_numbers = #tpu.dot_dimension_numbers<[1], [0], [0], [1], [0, 0, 1, 1], [], []>, transpose_lhs_hint = false} : vector<4096x32xf32>, vector<32x128xf32>, vector<4096x128xf32> -> vector<4096x128xf32>
    %get3A_6 = arith.constant 0 : index
    %get3A_7 = arith.constant 0 : index
    %get3A_8 = vector.load %arg2[%get3A_6, %get3A_7] : memref<4096x32xf32, #tpu.memory_space<vmem>>, vector<4096x32xf32>
    %get3A_9 = arith.constant 0 : index
    %get3A_10 = arith.constant 0 : index
    %get3A_11 = vector.load %arg8[%get3A_9, %get3A_10] : memref<32x128xf32, #tpu.memory_space<vmem>>, vector<32x128xf32>
    %dot_general3A_12 = arith.constant dense<0.000000e+00> : vector<4096x128xf32>
    %dot_general3A_13 = tpu.matmul %get3A_8, %get3A_11, %dot_general3A_12 {dimension_numbers = #tpu.dot_dimension_numbers<[1], [0], [0], [1], [0, 0, 1, 1], [], []>, transpose_lhs_hint = false} : vector<4096x32xf32>, vector<32x128xf32>, vector<4096x128xf32> -> vector<4096x128xf32>
    %add3A = arith.addf %dot_general3A_5, %dot_general3A_13 : vector<4096x128xf32>
    %get3A_14 = arith.constant 0 : index
    %get3A_15 = arith.constant 0 : index
    %get3A_16 = vector.load %arg3[%get3A_14, %get3A_15] : memref<4096x32xf32, #tpu.memory_space<vmem>>, vector<4096x32xf32>
    %get3A_17 = arith.constant 0 : index
    %get3A_18 = arith.constant 0 : index
    %get3A_19 = vector.load %arg9[%get3A_17, %get3A_18] : memref<32x128xf32, #tpu.memory_space<vmem>>, vector<32x128xf32>
    %dot_general3A_20 = arith.constant dense<0.000000e+00> : vector<4096x128xf32>
    %dot_general3A_21 = tpu.matmul %get3A_16, %get3A_19, %dot_general3A_20 {dimension_numbers = #tpu.dot_dimension_numbers<[1], [0], [0], [1], [0, 0, 1, 1], [], []>, transpose_lhs_hint = false} : vector<4096x32xf32>, vector<32x128xf32>, vector<4096x128xf32> -> vector<4096x128xf32>
    %add3A_22 = arith.addf %add3A, %dot_general3A_21 : vector<4096x128xf32>
    %get3A_23 = arith.constant 0 : index
    %get3A_24 = arith.constant 0 : index
    %get3A_25 = vector.load %arg5[%get3A_23, %get3A_24] : memref<16x1xf32, #tpu.memory_space<vmem>>, vector<16x1xf32>
    %get3A_26 = arith.constant 0 : index
    %get3A_27 = arith.constant 0 : index
    %get3A_28 = vector.load %arg10[%get3A_26, %get3A_27] : memref<16x128xf32, #tpu.memory_space<vmem>>, vector<16x128xf32>
    %dot_general3A_29 = arith.constant dense<0.000000e+00> : vector<1x128xf32>
    %dot_general3A_30 = tpu.matmul %get3A_25, %get3A_28, %dot_general3A_29 {dimension_numbers = #tpu.dot_dimension_numbers<[0], [0], [1], [1], [0, 1, 1, 1], [], []>, transpose_lhs_hint = false} : vector<16x1xf32>, vector<16x128xf32>, vector<1x128xf32> -> vector<1x128xf32>
    %get3A_31 = arith.constant 0 : index
    %get3A_32 = arith.constant 0 : index
    %get3A_33 = vector.load %arg6[%get3A_31, %get3A_32] : memref<1x16xf32, #tpu.memory_space<vmem>>, vector<1x16xf32>
    %get3A_34 = arith.constant 0 : index
    %get3A_35 = arith.constant 0 : index
    %get3A_36 = vector.load %arg10[%get3A_34, %get3A_35] : memref<16x128xf32, #tpu.memory_space<vmem>>, vector<16x128xf32>
    %dot_general3A_37 = arith.constant dense<0.000000e+00> : vector<1x128xf32>
    %dot_general3A_38 = tpu.matmul %get3A_33, %get3A_36, %dot_general3A_37 {dimension_numbers = #tpu.dot_dimension_numbers<[1], [0], [0], [1], [0, 0, 1, 1], [], []>, transpose_lhs_hint = false} : vector<1x16xf32>, vector<16x128xf32>, vector<1x128xf32> -> vector<1x128xf32>
    %get3A_39 = arith.constant 0 : index
    %get3A_40 = arith.constant 0 : index
    %get3A_41 = vector.load %arg4[%get3A_39, %get3A_40] : memref<4096x1xf32, #tpu.memory_space<vmem>>, vector<4096x1xf32>
    %dot_general3A_42 = arith.constant dense<0.000000e+00> : vector<4096x128xf32>
    %dot_general3A_43 = tpu.matmul %get3A_41, %dot_general3A_30, %dot_general3A_42 {dimension_numbers = #tpu.dot_dimension_numbers<[1], [0], [0], [1], [0, 0, 1, 1], [], []>, transpose_lhs_hint = false} : vector<4096x1xf32>, vector<1x128xf32>, vector<4096x128xf32> -> vector<4096x128xf32>
    %add3A_44 = arith.addf %add3A_22, %dot_general3A_43 : vector<4096x128xf32>
    %add3A_45 = vector.broadcast %dot_general3A_38 : vector<1x128xf32> to vector<4096x128xf32>
    %add3A_46 = arith.addf %add3A_44, %add3A_45 : vector<4096x128xf32>
    %get3A_47 = arith.constant 0 : index
    %get3A_48 = arith.constant 0 : index
    %get3A_49 = vector.load %arg11[%get3A_47, %get3A_48] : memref<1x128xf32, #tpu.memory_space<vmem>>, vector<1x128xf32>
    %add3A_50 = vector.broadcast %get3A_49 : vector<1x128xf32> to vector<4096x128xf32>
    %add3A_51 = arith.addf %add3A_46, %add3A_50 : vector<4096x128xf32>
    %mul3A = arith.constant 11.3137083 : f32
    %mul3A_52 = vector.broadcast %mul3A : f32 to vector<4096x128xf32>
    %mul3A_53 = arith.mulf %add3A_51, %mul3A_52 : vector<4096x128xf32>
    %swap3A = arith.constant 0 : index
    %swap3A_54 = arith.constant 0 : index
    %swap3A_55 = vector.load %arg12[%swap3A, %swap3A_54] : memref<4096x128xf32, #tpu.memory_space<vmem>>, vector<4096x128xf32>
    tpu.vector_store %arg12[%swap3A, %swap3A_54], %mul3A_53 {strides = array<i32>} : memref<4096x128xf32, #tpu.memory_space<vmem>>, vector<4096x128xf32>,
    return
  }
  func.func @transform_0(%arg0: i32) -> (i32, i32) {
    %c0_i32 = arith.constant 0 : i32
    %c0_i32_0 = arith.constant 0 : i32
    return %arg0, %c0_i32 : i32, i32
  }
  func.func @transform_1(%arg0: i32) -> (i32, i32) {
    %c0_i32 = arith.constant 0 : i32
    %c0_i32_0 = arith.constant 0 : i32
    return %arg0, %c0_i32 : i32, i32
  }
  func.func @transform_2(%arg0: i32) -> (i32, i32) {
    %c0_i32 = arith.constant 0 : i32
    %c0_i32_0 = arith.constant 0 : i32
    return %arg0, %c0_i32 : i32, i32
  }
  func.func @transform_3(%arg0: i32) -> (i32, i32) {
    %c0_i32 = arith.constant 0 : i32
    %c0_i32_0 = arith.constant 0 : i32
    return %arg0, %c0_i32 : i32, i32
  }
  func.func @transform_4(%arg0: i32) -> (i32, i32) {
    %c0_i32 = arith.constant 0 : i32
    %c0_i32_0 = arith.constant 0 : i32
    %c0_i32_1 = arith.constant 0 : i32
    return %c0_i32, %c0_i32_0 : i32, i32
  }
  func.func @transform_5(%arg0: i32) -> (i32, i32) {
    %c0_i32 = arith.constant 0 : i32
    %c0_i32_0 = arith.constant 0 : i32
    %c0_i32_1 = arith.constant 0 : i32
    return %c0_i32, %c0_i32_0 : i32, i32
  }
  func.func @transform_6(%arg0: i32) -> (i32, i32) {
    %c0_i32 = arith.constant 0 : i32
    %c0_i32_0 = arith.constant 0 : i32
    %c0_i32_1 = arith.constant 0 : i32
    return %c0_i32, %c0_i32_0 : i32, i32
  }
  func.func @transform_7(%arg0: i32) -> (i32, i32) {
    %c0_i32 = arith.constant 0 : i32
    %c0_i32_0 = arith.constant 0 : i32
    %c0_i32_1 = arith.constant 0 : i32
    return %c0_i32, %c0_i32_0 : i32, i32
  }
  func.func @transform_8(%arg0: i32) -> (i32, i32) {
    %c0_i32 = arith.constant 0 : i32
    %c0_i32_0 = arith.constant 0 : i32
    %c0_i32_1 = arith.constant 0 : i32
    return %c0_i32, %c0_i32_0 : i32, i32
  }
  func.func @transform_9(%arg0: i32) -> (i32, i32) {
    %c0_i32 = arith.constant 0 : i32
    %c0_i32_0 = arith.constant 0 : i32
    %c0_i32_1 = arith.constant 0 : i32
    return %c0_i32, %c0_i32_0 : i32, i32
  }
  func.func @transform_10(%arg0: i32) -> (i32, i32) {
    %c0_i32 = arith.constant 0 : i32
    %c0_i32_0 = arith.constant 0 : i32
    %c0_i32_1 = arith.constant 0 : i32
    return %c0_i32, %c0_i32_0 : i32, i32
  }
  func.func @transform_11(%arg0: i32) -> (i32, i32) {
    %c0_i32 = arith.constant 0 : i32
    %c0_i32_0 = arith.constant 0 : i32
    return %arg0, %c0_i32 : i32, i32
  }
}

</mosaic_0001>

<sc_bundles>
// kernel: kernel.5.cloned.1.call-start
scs
__scs_entry_jumppad:
0x0: {  	(pc) =	sbr.rel $0x88, $3  }
0x1: {  	(tag) =	ssettag $0x0;
	lr =	simm.s32 $0x1  }
0x2: {  	[smem:$0x3F96] =	sst lr;
	_ =	strace $0xD0000000  }
0x3: {  	_ = 	snop  }
0x4: {  	_ = 	snop  }
0x5: {  	_ = 	snop  }
0x6: {  	_ = 	snop  }
0x7: {  	_ = 	snop  }
__scs_overlays_trampoline_lowered:
0x8: {  	[smem:$0x3FA5] =	sst s0  }
0x9: {  	[smem:$0x3FA6] =	sst s1  }
0xa: {  	[smem:$0x3FA7] =	sst s2  }
0xb: {  	[smem:$0x3FA8] =	sst s3  }
0xc: {  	[smem:$0x3FA9] =	sst s4  }
0xd: {  	[smem:$0x3FAA] =	sst s5  }
0xe: {  	[smem:$0x3FAB] =	sst s6  }
0xf: {  	[smem:$0x3FAC] =	sst s7  }
0x10: {  	[smem:$0x3FAD] =	sst s8  }
0x11: {  	[smem:$0x3FAE] =	sst s9;
	s0 =	simm.s32 @!p0 $0x0  }
0x12: {  	s1 =	sld [smem:$0x3F94];
	s0 =	simm.s32 @p0 $0x1  }
0x13: {  	[smem:$0x3FAF] =	sst s0;
	s0 =	simm.s32 @!p1 $0x0  }
0x14: {  	s2 =	sld [smem:$0x3F93];
	s0 =	simm.s32 @p1 $0x1  }
0x15: {  	[smem:$0x3FB0] =	sst s0;
	s0 =	simm.s32 @!p2 $0x0  }
0x16: {  	s3 =	sld [smem:$0x3FDB];
	s0 =	simm.s32 @p2 $0x1  }
0x17: {  	s4 =	simm.s32 $0x1BF5;
	[smem:$0x3FB2] =	sst s0  }
0x18: {  	s0 =	sld [smem:$0x3F95];
	_ =	swait.ge [sflag:s4], $0x0  }
0x19: {  	s7 =	sld [smem:$0x3F96]  }
0x1a: {  	s8 =	sadd.s32 $0xFFFFE003, lr  }
0x1b: {  	s9 =	sadd.s32 $0xFFFFFEF7, lr;
	s5 =	simm.s32 $0xFFFFFFFF;
	p2 =	slt.u32 s8, $0xFFFFF086  }
0x1c: {  	p1 =	slt.u32 s9, $0xF7A;
	s5 =	simm.s32 @!p2 $0x0  }
0x1d: {  	s5 =	simm.s32 @p1 $0x1;
	p0 =	seq.s32 s7, s2  }
0x1e: {  	s7 =	smul.u32 @!p0 $0xF7A, s2;
	p2 =	seq.s32 @!p0 s5, $0x0  }
0x1f: {  	s9 =	smul.u32 $0xF7A, s1;
	s8 =	simm.s32 @!p0 $0x1BF5;
	p2 =	por !p2, p0  }
0x20: {  	[sflag:s8] =	ssyncset.s32 @!p0 $0xFFFFF086;
	s6 =	sadd.s32 @!p0 s3, s7;
	s7 =	simm.s32 @!p0 $0x108  }
0x21: {  	s3 =	sadd.s32 s3, s9;
	s6 =	sadd.s32 @!p0 $0x88, s6;
	s7 =	simm.s32 @p2 $0x1082  }
0x22: {  	[simem:s7], [sflag:s8] =	dma.local @!p0 [hbm:s6], $0xF7A  }
0x23: {  	s9 =	sor.u32 $0xD0000000, s2;
	s6 =	simm.s32 $0x108;
	_ =	swait.ge @!p0 [sflag:s8], $0x0  }
0x24: {  	s3 =	sadd.s32 $0x88, s3;
	s6 =	simm.s32 @!p1 $0x1082;
	[sflag:s4] =	ssyncset.s32 $0xFFFFF086  }
0x25: {  	[simem:s6], [sflag:s4] =	dma.local [hbm:s3], $0xF7A  }
0x26: {  	[smem:$0x3F96] =	sst s1;
	(tag) =	ssettag s2;
	_ =	strace s9  }
0x27: {  	s1 =	sld [smem:$0x3FA6]  }
0x28: {  	s2 =	sld [smem:$0x3FA7]  }
0x29: {  	s4 =	sld [smem:$0x3FA9]  }
0x2a: {  	p0 =	seq.s32 s5, $0x0;
	s5 =	sld [smem:$0x3FAA]  }
0x2b: {  	s6 =	sld [smem:$0x3FAB]  }
0x2c: {  	s7 =	sld [smem:$0x3FAC]  }
0x2d: {  	s3 =	simm.s32 $0x108;
	s8 =	sld [smem:$0x3FAD]  }
0x2e: {  	s3 =	simm.s32 @!p0 $0x1082;
	s9 =	sld [smem:$0x3FAE]  }
0x2f: {  	lr =	sadd.s32 s0, s3;
	s0 =	sld [smem:$0x3FA5]  }
0x30: {  	s3 =	sld [smem:$0x3FA8]  }
0x31: {  	[smem:$0x3FB1] =	sst s10  }
0x32: {  	s10 =	sld [smem:$0x3FAF];
	_ =	sdelay $0x3  }
0x33: {  	p0 =	seq.s32 s10, $0x1;
	s10 =	sld [smem:$0x3FB1];
	_ =	sdelay $0x3  }
0x34: {  	[smem:$0x3FB1] =	sst s10  }
0x35: {  	s10 =	sld [smem:$0x3FB0];
	_ =	sdelay $0x3  }
0x36: {  	p1 =	seq.s32 s10, $0x1;
	s10 =	sld [smem:$0x3FB1];
	_ =	sdelay $0x3  }
0x37: {  	[smem:$0x3FB1] =	sst s10  }
0x38: {  	s10 =	sld [smem:$0x3FB2]  }
0x39: {  	_ = 	snop;
	(pc) =	sbr.ind lr, $3  }
0x3a: {  	_ = 	snop  }
0x3b: {  	_ = 	snop  }
0x3c: {  	p2 =	seq.s32 s10, $0x1;
	s10 =	sld [smem:$0x3FB1]  }
0x3d: {  	_ =	shalt  }
0x3e: {  	_ =	shalt  }
0x3f: {  	_ =	shalt  }
0x40: {  	_ =	shalt  }
0x41: {  	_ =	shalt  }
0x42: {  	_ =	shalt  }
0x43: {  	_ =	shalt  }
0x44: {  	_ =	shalt  }
0x45: {  	_ =	shalt  }
0x46: {  	_ =	shalt  }
0x47: {  	_ =	shalt  }
0x48: {  	_ =	shalt  }
0x49: {  	_ =	shalt  }
0x4a: {  	_ =	shalt  }
0x4b: {  	_ =	shalt  }
0x4c: {  	_ =	shalt  }
0x4d: {  	_ =	shalt  }
0x4e: {  	_ =	shalt  }
0x4f: {  	_ =	shalt  }
0x50: {  	_ =	shalt  }
0x51: {  	_ =	shalt  }
0x52: {  	_ =	shalt  }
0x53: {  	_ =	shalt  }
0x54: {  	_ =	shalt  }
0x55: {  	_ =	shalt  }
0x56: {  	_ =	shalt  }
0x57: {  	_ =	shalt  }
0x58: {  	_ =	shalt  }
0x59: {  	_ =	shalt  }
0x5a: {  	_ =	shalt  }
0x5b: {  	_ =	shalt  }
0x5c: {  	_ =	shalt  }
0x5d: {  	_ =	shalt  }
0x5e: {  	_ =	shalt  }
0x5f: {  	_ =	shalt  }
0x60: {  	_ =	shalt  }
0x61: {  	_ =	shalt  }
0x62: {  	_ =	shalt  }
0x63: {  	_ =	shalt  }
0x64: {  	_ =	shalt  }
0x65: {  	_ =	shalt  }
0x66: {  	_ =	shalt  }
0x67: {  	_ =	shalt  }
0x68: {  	_ =	shalt  }
0x69: {  	_ =	shalt  }
0x6a: {  	_ =	shalt  }
0x6b: {  	_ =	shalt  }
0x6c: {  	_ =	shalt  }
0x6d: {  	_ =	shalt  }
0x6e: {  	_ =	shalt  }
0x6f: {  	_ =	shalt  }
0x70: {  	_ =	shalt  }
0x71: {  	_ =	shalt  }
0x72: {  	_ =	shalt  }
0x73: {  	_ =	shalt  }
0x74: {  	_ =	shalt  }
0x75: {  	_ =	shalt  }
0x76: {  	_ =	shalt  }
0x77: {  	_ =	shalt  }
0x78: {  	_ =	shalt  }
0x79: {  	_ =	shalt  }
0x7a: {  	_ =	shalt  }
0x7b: {  	_ =	shalt  }
0x7c: {  	_ =	shalt  }
0x7d: {  	_ =	shalt  }
0x7e: {  	_ =	shalt  }
0x7f: {  	_ =	shalt  }
0x80: {  	_ =	shalt  }
0x81: {  	_ =	shalt  }
0x82: {  	_ =	shalt  }
0x83: {  	_ =	shalt  }
0x84: {  	_ =	shalt  }
0x85: {  	_ =	shalt  }
0x86: {  	_ =	shalt  }
0x87: {  	_ =	shalt  }
.Lfunc_end0:
.L_simem_size_0:
called_computation_lowered:
.L_overlay_start_0:
0x88: {  	s2 =	sld [smem:$0x3FD9]  }
0x89: {  	s3 =	sld [smem:$0x3FFE];
	_ =	sdelay $0x1  }
0x8a: {  	s1 =	srdreg.scid  }
0x8b: {  	s0 =	sand.u32 $0x1, s1  }
0x8c: {  	s17 =	sshll.u32 s0, $0xA;
	s2 =	sadd.s32 s3, s2  }
0x8d: {  	s2 =	sadd.s32 s2, s17  }
0x8e: {  	[smem:$0x3FBD] =	sst s2  }
0x8f: {  	_ = 	snop  }
0x90: {  	s2 =	sld [smem:$0x3FC5]  }
0x91: {  	s18 =	sld [smem:$0x3FD0];
	(tm) =	ssettm $0x1  }
0x92: {  	s4 =	sld [smem:$0x3FFB];
	_ =	sdelay $0x3  }
0x93: {  	_ =	strace s4  }
0x94: {  	s4 =	sld [smem:$0x3FFC];
	_ =	sdelay $0x3  }
0x95: {  	_ =	strace s4  }
0x96: {  	s4 =	sld [smem:$0x3FFD];
	_ =	sdelay $0x3  }
0x97: {  	_ =	strace s4  }
0x98: {  	_ =	strace $0x8FFFFFFF  }
0x99: {  	s19 =	sld [smem:$0x3FDB];
	_ =	sdelay $0x1  }
0x9a: {  	s5 =	simm.s32 $_scs_section_size  }
0x9b: {  	s6 =	simm.s32 $_size__tile_overlayer_lowered;
	s7 =	simm.s32 $_tile_overlayer_lowered  }
0x9c: {  	s22 =	simm.s32 $0x1BFF;
	s21 =	sshll.u32 s7, $0x1;
	s4 =	sadd.s32 s5, s19  }
0x9d: {  	s8 =	simm.s32 $0x0;
	s20 =	sshll.u32 s6, $0x1;
	s6 =	sadd.s32 s21, s4  }
0x9e: {  	[timem:s8], [sflag:s22] =	dma.local [hbm:s6], s20  }
0x9f: {  	_ =	swait.ge [sflag:s22], s20  }
0xa0: {  	s5 =	ssub.s32 $0x0, s20;
	[sflag:s22] =	ssyncset.done $0x0  }
0xa1: {  	[sflag:s22] =	ssyncadd.s32 s5;
	_ =	sdelay $0x1  }
0xa2: {  	s23 =	simm.s32 $0x1B8B  }
0xa3: {  	_ =	swait.ge [sflag:s23], $0x1  }
0xa4: {  	[sflag:s23] =	ssyncset.done $0x0  }
0xa5: {  	s25 =	simm.s32 $0x1B8E;
	s24 =	sld [smem:$0x3FFE];
	[sflag:s23] =	ssyncadd.s32 $0xFFFFFFFF  }
0xa6: {  	s26 =	simm.s32 $execute0_lowered;
	[smem:$0x3FD2] =	sst s25  }
0xa7: {  	s6 =	sshll.u32 s26, $0x1;
	_ =	strace $0x80000046;
	[dreg:$0x1] =	wrdreg $0xFFFFFFFF  }
0xa8: {  	s28 =	simm.s32 $_size_execute0_lowered;
	s4 =	sadd.s32 s4, s6;
	[dreg:$0x0] =	wrdreg $0x0  }
0xa9: {  	s6 =	sshll.u32 s28, $0x1;
	[dreg:$0x2] =	wrdreg s4  }
0xaa: {  	[dreg:$0x3] =	wrdreg s6  }
0xab: {  	[dreg:$0x4] =	wrdreg $0xC0  }
0xac: {  	_ =	task [dreg:s8], $0x5FFFF  }
0xad: {  	[dreg:$0x1] =	wrdreg $0xFFFFFFFF  }
0xae: {  	[dreg:$0x0] =	wrdreg $0x60  }
0xaf: {  	[dreg:$0x2] =	wrdreg s24  }
0xb0: {  	[dreg:$0x3] =	wrdreg s2  }
0xb1: {  	[dreg:$0x4] =	wrdreg s18  }
0xb2: {  	[dreg:$0x5] =	wrdreg $0x9  }
0xb3: {  	_ =	task.clear_ibuf [dreg:s8], $0x6FFFF;
	_ =	strace $0x90000046  }
0xb4: {  	s29 =	simm.s32 $0x9;
	_ =	strace $0x80000048  }
0xb5: {  	_ =	swait.ge [sflag:s29], $0x1  }
0xb6: {  	[sflag:s29] =	ssyncadd.s32 $0xFFFFFFFF  }
0xb7: {  	_ =	strace $0x90000048  }
0xb8: {  	_ =	sfence  }
0xb9: {  	s30 =	sld [smem:$0x0];
	_ =	sdelay $0x2  }
0xba: {  	s31 =	sshll.u32 s1, $0xD;
	s1 =	sshrl.u32 s1, $0x2  }
0xbb: {  	s3 =	sand.u32 $0x4000, s31;
	s1 =	sadd.s32 s1, s30  }
0xbc: {  	s0 =	sor.u32 s3, s0;
	s1 =	sshll.u32 s1, $0x11  }
0xbd: {  	s0 =	sor.u32 s1, s0  }
0xbe: {  	s0 =	sadd.s32 $0x8F2B, s0  }
0xbf: {  	[sflag:s0] =	ssyncadd.remote.s32 $0x1  }
0xc0: {  	_ =	sfence.sel $0xFFFF  }
0xc1: {  	[dreg:$0x0] =	wrdreg $0xFFFFFFFF;
	(pc) =	sbr.abs _section_cstart, $3  }
0xc2: {  	[dreg:$0x1] =	wrdreg $0xFFFFFFFF  }
0xc3: {  	_ =	task.clear_ibuf [dreg:s8], $0x2FFFF;
	_ =	strace $0x9FFFFFFF  }
0xc4: {  	(tm) =	ssettm $0x7FFFFFFF  }
0xc5: {  	_ =	shalt  }
tec
execute0_lowered:
.L_overlay_start_1:
0x0: {  	(tag) =	ssettag $0x1  }
0x1: {  	s4 =	rddreg [dreg:$0x0]  }
0x2: {  	s2 =	rddreg [dreg:$0x1]  }
0x3: {  	s5 =	rddreg [dreg:$0x2]  }
0x4: {  	s1 =	stileid.u32;
	s3 =	srdreg.scid  }
0x5: {  	s0 =	rddreg [dreg:$0x3];
	s10 =	simm.s32 $0x7A1400;
	s11 =	simm.s32 $0x200  }
0x6: {  	s12 =	simm.s32 $0x1200;
	s13 =	simm.s32 $0x2200;
	s14 =	simm.s32 $0x3200  }
0x7: {  	s15 =	simm.s32 $0x4200;
	s16 =	simm.s32 $0x5200;
	s17 =	simm.s32 $0x6200  }
0x8: {  	s18 =	simm.s32 $0x7200;
	s19 =	simm.s32 $0x1;
	s20 =	simm.s32 $0x2  }
0x9: {  	s21 =	simm.s32 $0x8200;
	s22 =	simm.s32 $0x0;
	s6 =	sand.u32 $0x1, s3  }
0xa: {  	s7 =	sshll.u32 s1, $0x1;
	s3 =	simm.s32 $0x0;
	s8 =	sshll.u32 s1, $0x7  }
0xb: {  	v0 =	vlaneseq.u32;
	s7 =	sor.u32 s6, s7;
	[smem:$0x7FF] =	sst s3;
	s8 =	sand.u32 $0x600, s8  }
0xc: {  	v0 =	vmul.u32 $0x80, v0;
	s6 =	ssub.s32 $0x2, s6;
	s9 =	sshll.u32 s7, $0x4;
	s4 =	sadd.s32 s8, s4  }
0xd: {  	_ =	strace $0x80000047;
	s31 =	sshrl.u32 s6, $0x1;
	s7 =	sshll.u32 s7, $0xD  }
0xe: {  	s8 =	simm.s32 $0x400;
	v1 =	vor.u32 $0x800, v0;
	s30 =	sand.u32 $0x70, s9;
	s6 =	ssub.s32 s6, s31  }
0xf: {  	v2 =	vor.u32 $0x1000, v0;
	v3 =	vor.u32 $0x1800, v0;
	v4 =	vor.u32 $0x2000, v0;
	s5 =	sadd.s32 s5, s7;
	s7 =	simm.s32 $0x80;
	s4 =	sadd.s32 s30, s4  }
0x10: {  	v5 =	vor.u32 $0x2800, v0;
	v6 =	vor.u32 $0x3000, v0;
	v7 =	vor.u32 $0x3800, v0;
	s9 =	simm.s32 $0x3;
	s6 =	smax.u32 s6, $0x1;
	s4 =	sadd.s32 $0x3800, s4  }
.LBB2_1:
0x11: {  	[tilespmem:s3], [sflag:$0x3] =	stream.strided.gather [hbm4b:s4+s7], $0x200, s8, s7, $0x38;
	[tilespmem:$0x18200] =	vst v63  }
0x12: {  	_ =	swait.ge [sflag:s9], $0x200  }
0x13: {  	[sflag:s9] =	ssyncset.done $0x0  }
0x14: {  	[sflag:s9] =	ssyncadd.s32 $0xFFFFFE00  }
0x15: {  	v8 =	vld [tilespmem:$0x0];
	_ =	sdelay $0x4  }
0x16: {  	v8 =	vand.u32 $0xFFFFFF80, v8  }
0x17: {  	v8 =	vadd.s32 s2, v8  }
0x18: {  	(v2sf) =	vpush v8, $0x0;
	_ =	sdelay $0x1  }
0x19: {  	(v2sf) =	vpush v8, $0x1;
	_ =	sdelay $0x1  }
0x1a: {  	(v2sf) =	vpush v8, $0x2;
	_ =	sdelay $0x1  }
0x1b: {  	(v2sf) =	vpush v8, $0x3;
	_ =	sdelay $0x8  }
0x1c: {  	s23 =	spop (v2sf)  }
0x1d: {  	[tilespmem:s11], [sflag:$0x1] =	stream.strided.gather [hbm4b:s23+s8], $0x1000, s10, s8, $0x38;
	[tilespmem:$0x18200] =	vst v63  }
0x1e: {  	s30 =	spop (v2sf)  }
0x1f: {  	[tilespmem:s12], [sflag:$0x1] =	stream.strided.gather [hbm4b:s30+s8], $0x1000, s10, s8, $0x38;
	[tilespmem:$0x18200] =	vst v63  }
0x20: {  	s31 =	spop (v2sf)  }
0x21: {  	[tilespmem:s13], [sflag:$0x1] =	stream.strided.gather [hbm4b:s31+s8], $0x1000, s10, s8, $0x38;
	[tilespmem:$0x18200] =	vst v63  }
0x22: {  	s25 =	simm.s32 $0x0;
	s24 =	spop (v2sf)  }
0x23: {  	[tilespmem:s14], [sflag:$0x1] =	stream.strided.gather [hbm4b:s24+s8], $0x1000, s10, s8, $0x38;
	[tilespmem:$0x18200] =	vst v63  }
0x24: {  	v8 =	vld [tilespmem:s25+$0x0];
	_ =	sdelay $0x4  }
0x25: {  	v9 =	vand.u32 $0xFFFFFF80, v8  }
0x26: {  	v9 =	vadd.s32 s2, v9  }
0x27: {  	(v2sf) =	vpush v9, $0x4;
	_ =	sdelay $0x1  }
0x28: {  	(v2sf) =	vpush v9, $0x5;
	_ =	sdelay $0x1  }
0x29: {  	(v2sf) =	vpush v9, $0x6;
	_ =	sdelay $0x1  }
0x2a: {  	(v2sf) =	vpush v9, $0x7;
	_ =	sdelay $0x8  }
0x2b: {  	s26 =	spop (v2sf)  }
0x2c: {  	[tilespmem:s15], [sflag:$0x2] =	stream.strided.gather [hbm4b:s26+s8], $0x1000, s10, s8, $0x38;
	[tilespmem:$0x18200] =	vst v63  }
0x2d: {  	s28 =	spop (v2sf)  }
0x2e: {  	[tilespmem:s16], [sflag:$0x2] =	stream.strided.gather [hbm4b:s28+s8], $0x1000, s10, s8, $0x38;
	[tilespmem:$0x18200] =	vst v63  }
0x2f: {  	s29 =	spop (v2sf)  }
0x30: {  	[tilespmem:s17], [sflag:$0x2] =	stream.strided.gather [hbm4b:s29+s8], $0x1000, s10, s8, $0x38;
	[tilespmem:$0x18200] =	vst v63  }
0x31: {  	s30 =	spop (v2sf)  }
0x32: {  	[tilespmem:s18], [sflag:$0x2] =	stream.strided.gather [hbm4b:s30+s8], $0x1000, s10, s8, $0x38;
	[tilespmem:$0x18200] =	vst v63  }
0x33: {  	_ =	swait.ge [sflag:s19], $0x1000  }
0x34: {  	[sflag:s19] =	ssyncset.done $0x0  }
0x35: {  	[sflag:s19] =	ssyncadd.s32 $0xFFFFF000  }
0x36: {  	_ =	swait.ge [sflag:s19], $0x1000  }
0x37: {  	v8 =	vand.u32 $0x7F, v8;
	[sflag:s19] =	ssyncset.done $0x0  }
0x38: {  	v10 =	vbroadcast v8, $0x0;
	[sflag:s19] =	ssyncadd.s32 $0xFFFFF000  }
0x39: {  	_ =	swait.ge [sflag:s19], $0x1000  }
0x3a: {  	v11 =	vor.u32 v0, v10;
	[sflag:s19] =	ssyncset.done $0x0  }
0x3b: {  	v10 =	vor.u32 v1, v10;
	[sflag:s19] =	ssyncadd.s32 $0xFFFFF000  }
0x3c: {  	_ =	swait.ge [sflag:s19], $0x1000  }
0x3d: {  	[sflag:s19] =	ssyncset.done $0x0  }
0x3e: {  	[sflag:s19] =	ssyncadd.s32 $0xFFFFF000  }
0x3f: {  	v12 =	vbroadcast v8, $0x1;
	v11 =	vld.idx.msk [tilespmem:v11+s11+$0x0], $0xffff  }
0x40: {  	v10 =	vld.idx.msk [tilespmem:v10+s11+$0x0], $0xffff  }
0x41: {  	v13 =	vor.u32 v2, v12  }
0x42: {  	v12 =	vor.u32 v3, v12  }
0x43: {  	s23 =	simm.s32 $0x8600  }
0x44: {  	[tilespmem:s23+$0xFFFFFC00] =	vst v11  }
0x45: {  	[tilespmem:s23+$0xFFFFFC10] =	vst v10  }
0x46: {  	v10 =	vbroadcast v8, $0x2;
	v11 =	vld.idx.msk [tilespmem:v13+s11+$0x0], $0xffff  }
0x47: {  	v12 =	vld.idx.msk [tilespmem:v12+s11+$0x0], $0xffff  }
0x48: {  	v13 =	vor.u32 v4, v10  }
0x49: {  	v10 =	vor.u32 v5, v10;
	_ =	sdelay $0x1  }
0x4a: {  	(v2sf) =	vpush v9, $0x8;
	[tilespmem:s23+$0xFFFFFC80] =	vst v11  }
0x4b: {  	[tilespmem:s23+$0xFFFFFC90] =	vst v12  }
0x4c: {  	(v2sf) =	vpush v9, $0x9;
	v11 =	vbroadcast v8, $0x3;
	v12 =	vld.idx.msk [tilespmem:v13+s11+$0x0], $0xffff  }
0x4d: {  	v10 =	vld.idx.msk [tilespmem:v10+s11+$0x0], $0xffff  }
0x4e: {  	(v2sf) =	vpush v9, $0xA;
	v13 =	vor.u32 v6, v11  }
0x4f: {  	v11 =	vor.u32 v7, v11  }
0x50: {  	(v2sf) =	vpush v9, $0xB  }
0x51: {  	[tilespmem:s23+$0xFFFFFD00] =	vst v12  }
0x52: {  	[tilespmem:s23+$0xFFFFFD10] =	vst v10  }
0x53: {  	v10 =	vld.idx.msk [tilespmem:v13+s11+$0x0], $0xffff  }
0x54: {  	v11 =	vld.idx.msk [tilespmem:v11+s11+$0x0], $0xffff;
	_ =	sdelay $0x3  }
0x55: {  	[tilespmem:s23+$0xFFFFFD80] =	vst v10  }
0x56: {  	s24 =	spop (v2sf);
	[tilespmem:s23+$0xFFFFFD90] =	vst v11  }
0x57: {  	[tilespmem:s11], [sflag:$0x1] =	stream.strided.gather [hbm4b:s24+s8], $0x1000, s10, s8, $0x38;
	[tilespmem:$0x18200] =	vst v63  }
0x58: {  	s31 =	spop (v2sf)  }
0x59: {  	[tilespmem:s12], [sflag:$0x1] =	stream.strided.gather [hbm4b:s31+s8], $0x1000, s10, s8, $0x38;
	[tilespmem:$0x18200] =	vst v63  }
0x5a: {  	s25 =	spop (v2sf)  }
0x5b: {  	[tilespmem:s13], [sflag:$0x1] =	stream.strided.gather [hbm4b:s25+s8], $0x1000, s10, s8, $0x38;
	[tilespmem:$0x18200] =	vst v63  }
0x5c: {  	s26 =	spop (v2sf)  }
0x5d: {  	[tilespmem:s14], [sflag:$0x1] =	stream.strided.gather [hbm4b:s26+s8], $0x1000, s10, s8, $0x38;
	[tilespmem:$0x18200] =	vst v63  }
0x5e: {  	_ =	swait.ge [sflag:s20], $0x1000  }
0x5f: {  	[sflag:s20] =	ssyncset.done $0x0  }
0x60: {  	[sflag:s20] =	ssyncadd.s32 $0xFFFFF000  }
0x61: {  	_ =	swait.ge [sflag:s20], $0x1000  }
0x62: {  	[sflag:s20] =	ssyncset.done $0x0  }
0x63: {  	v10 =	vbroadcast v8, $0x4;
	[sflag:s20] =	ssyncadd.s32 $0xFFFFF000  }
0x64: {  	_ =	swait.ge [sflag:s20], $0x1000  }
0x65: {  	v11 =	vor.u32 v0, v10;
	[sflag:s20] =	ssyncset.done $0x0  }
0x66: {  	v10 =	vor.u32 v1, v10;
	[sflag:s20] =	ssyncadd.s32 $0xFFFFF000  }
0x67: {  	_ =	swait.ge [sflag:s20], $0x1000  }
0x68: {  	[sflag:s20] =	ssyncset.done $0x0  }
0x69: {  	[sflag:s20] =	ssyncadd.s32 $0xFFFFF000  }
0x6a: {  	v12 =	vbroadcast v8, $0x5;
	v11 =	vld.idx.msk [tilespmem:v11+s15+$0x0], $0xffff  }
0x6b: {  	v10 =	vld.idx.msk [tilespmem:v10+s15+$0x0], $0xffff  }
0x6c: {  	v13 =	vor.u32 v3, v12  }
0x6d: {  	v12 =	vor.u32 v2, v12;
	_ =	sdelay $0x1  }
0x6e: {  	[tilespmem:s23+$0xFFFFFE00] =	vst v11  }
0x6f: {  	[tilespmem:s23+$0xFFFFFE10] =	vst v10  }
0x70: {  	v10 =	vbroadcast v8, $0x6;
	v11 =	vld.idx.msk [tilespmem:v13+s15+$0x0], $0xffff  }
0x71: {  	v12 =	vld.idx.msk [tilespmem:v12+s15+$0x0], $0xffff  }
0x72: {  	v13 =	vor.u32 v4, v10  }
0x73: {  	v10 =	vor.u32 v5, v10;
	_ =	sdelay $0x1  }
0x74: {  	(v2sf) =	vpush v9, $0xC;
	[tilespmem:s23+$0xFFFFFE90] =	vst v11  }
0x75: {  	[tilespmem:s23+$0xFFFFFE80] =	vst v12  }
0x76: {  	(v2sf) =	vpush v9, $0xD;
	v11 =	vbroadcast v8, $0x7;
	v12 =	vld.idx.msk [tilespmem:v13+s15+$0x0], $0xffff  }
0x77: {  	v10 =	vld.idx.msk [tilespmem:v10+s15+$0x0], $0xffff  }
0x78: {  	(v2sf) =	vpush v9, $0xE;
	v13 =	vor.u32 v6, v11  }
0x79: {  	v11 =	vor.u32 v7, v11  }
0x7a: {  	(v2sf) =	vpush v9, $0xF  }
0x7b: {  	[tilespmem:s23+$0xFFFFFF00] =	vst v12  }
0x7c: {  	[tilespmem:s23+$0xFFFFFF10] =	vst v10  }
0x7d: {  	v9 =	vld.idx.msk [tilespmem:v13+s15+$0x0], $0xffff  }
0x7e: {  	v10 =	vld.idx.msk [tilespmem:v11+s15+$0x0], $0xffff;
	_ =	sdelay $0x3  }
0x7f: {  	[tilespmem:s23+$0xFFFFFF80] =	vst v9  }
0x80: {  	s28 =	spop (v2sf);
	[tilespmem:s23+$0xFFFFFF90] =	vst v10  }
0x81: {  	[tilespmem:s15], [sflag:$0x2] =	stream.strided.gather [hbm4b:s28+s8], $0x1000, s10, s8, $0x38;
	[tilespmem:$0x18200] =	vst v63  }
0x82: {  	s29 =	spop (v2sf)  }
0x83: {  	[tilespmem:s16], [sflag:$0x2] =	stream.strided.gather [hbm4b:s29+s8], $0x1000, s10, s8, $0x38;
	[tilespmem:$0x18200] =	vst v63  }
0x84: {  	s30 =	spop (v2sf)  }
0x85: {  	[tilespmem:s17], [sflag:$0x2] =	stream.strided.gather [hbm4b:s30+s8], $0x1000, s10, s8, $0x38;
	[tilespmem:$0x18200] =	vst v63  }
0x86: {  	s31 =	spop (v2sf)  }
0x87: {  	[tilespmem:s18], [sflag:$0x2] =	stream.strided.gather [hbm4b:s31+s8], $0x1000, s10, s8, $0x38;
	[tilespmem:$0x18200] =	vst v63  }
0x88: {  	_ =	swait.ge [sflag:s19], $0x1000  }
0x89: {  	[sflag:s19] =	ssyncset.done $0x0  }
0x8a: {  	[sflag:s19] =	ssyncadd.s32 $0xFFFFF000  }
0x8b: {  	_ =	swait.ge [sflag:s19], $0x1000  }
0x8c: {  	[sflag:s19] =	ssyncset.done $0x0  }
0x8d: {  	v9 =	vbroadcast v8, $0x8;
	[sflag:s19] =	ssyncadd.s32 $0xFFFFF000  }
0x8e: {  	_ =	swait.ge [sflag:s19], $0x1000  }
0x8f: {  	v10 =	vor.u32 v0, v9;
	[sflag:s19] =	ssyncset.done $0x0  }
0x90: {  	v9 =	vor.u32 v1, v9;
	[sflag:s19] =	ssyncadd.s32 $0xFFFFF000  }
0x91: {  	_ =	swait.ge [sflag:s19], $0x1000  }
0x92: {  	[sflag:s19] =	ssyncset.done $0x0  }
0x93: {  	[sflag:s19] =	ssyncadd.s32 $0xFFFFF000  }
0x94: {  	v11 =	vbroadcast v8, $0x9;
	v10 =	vld.idx.msk [tilespmem:v10+s11+$0x0], $0xffff  }
0x95: {  	v9 =	vld.idx.msk [tilespmem:v9+s11+$0x0], $0xffff  }
0x96: {  	v12 =	vor.u32 v3, v11  }
0x97: {  	v11 =	vor.u32 v2, v11;
	_ =	sdelay $0x1  }
0x98: {  	[tilespmem:s23+$0x0] =	vst v10  }
0x99: {  	[tilespmem:s23+$0x10] =	vst v9  }
0x9a: {  	v9 =	vbroadcast v8, $0xA;
	v10 =	vld.idx.msk [tilespmem:v12+s11+$0x0], $0xffff  }
0x9b: {  	v11 =	vld.idx.msk [tilespmem:v11+s11+$0x0], $0xffff  }
0x9c: {  	v12 =	vor.u32 v4, v9  }
0x9d: {  	v9 =	vor.u32 v5, v9;
	_ =	sdelay $0x1  }
0x9e: {  	[tilespmem:s23+$0x90] =	vst v10  }
0x9f: {  	[tilespmem:s23+$0x80] =	vst v11  }
0xa0: {  	v10 =	vbroadcast v8, $0xB;
	v11 =	vld.idx.msk [tilespmem:v12+s11+$0x0], $0xffff  }
0xa1: {  	v9 =	vld.idx.msk [tilespmem:v9+s11+$0x0], $0xffff  }
0xa2: {  	v12 =	vor.u32 v6, v10  }
0xa3: {  	v10 =	vor.u32 v7, v10;
	_ =	sdelay $0x1  }
0xa4: {  	[tilespmem:s23+$0x100] =	vst v11  }
0xa5: {  	[tilespmem:s23+$0x110] =	vst v9  }
0xa6: {  	v9 =	vld.idx.msk [tilespmem:v12+s11+$0x0], $0xffff  }
0xa7: {  	v10 =	vld.idx.msk [tilespmem:v10+s11+$0x0], $0xffff;
	_ =	sdelay $0x3  }
0xa8: {  	p0 =	por $0x0, $0x0;
	[tilespmem:s23+$0x180] =	vst v9  }
0xa9: {  	s24 =	simm.s32 @!p0 $0x0;
	[tilespmem:s23+$0x190] =	vst v10  }
0xaa: {  	v9 =	vld @!p0 [tilespmem:s24+$0x10];
	_ =	sdelay $0x4  }
0xab: {  	v9 =	vand.u32 @!p0 $0xFFFFFF80, v9  }
0xac: {  	v9 =	vadd.s32 @!p0 s2, v9  }
0xad: {  	(v2sf) =	vpush @!p0 v9, $0x0;
	_ =	sdelay $0x1  }
0xae: {  	(v2sf) =	vpush @!p0 v9, $0x1;
	_ =	sdelay $0x1  }
0xaf: {  	(v2sf) =	vpush @!p0 v9, $0x2;
	_ =	sdelay $0x1  }
0xb0: {  	(v2sf) =	vpush @!p0 v9, $0x3;
	_ =	sdelay $0x7  }
0xb1: {  	s25 =	simm.s32 @!p0 $0x400  }
0xb2: {  	s26 =	simm.s32 @!p0 $0x7A1400;
	s24 =	simm.s32 @!p0 $0x200;
	s28 =	spop @!p0 (v2sf)  }
0xb3: {  	[tilespmem:s24], [sflag:$0x1] =	stream.strided.gather @!p0 [hbm4b:s28+s25], $0x1000, s26, s25, $0x38;
	[tilespmem:$0x18200] =	vst v63  }
0xb4: {  	s24 =	simm.s32 @!p0 $0x1200;
	s28 =	spop @!p0 (v2sf)  }
0xb5: {  	[tilespmem:s24], [sflag:$0x1] =	stream.strided.gather @!p0 [hbm4b:s28+s25], $0x1000, s26, s25, $0x38;
	[tilespmem:$0x18200] =	vst v63  }
0xb6: {  	s24 =	simm.s32 @!p0 $0x2200;
	s28 =	spop @!p0 (v2sf)  }
0xb7: {  	[tilespmem:s24], [sflag:$0x1] =	stream.strided.gather @!p0 [hbm4b:s28+s25], $0x1000, s26, s25, $0x38;
	[tilespmem:$0x18200] =	vst v63  }
0xb8: {  	s24 =	simm.s32 @!p0 $0x3200;
	s28 =	spop @!p0 (v2sf)  }
0xb9: {  	[tilespmem:s24], [sflag:$0x1] =	stream.strided.gather @!p0 [hbm4b:s28+s25], $0x1000, s26, s25, $0x38;
	[tilespmem:$0x18200] =	vst v63  }
0xba: {  	_ =	swait.ge [sflag:s20], $0x1000  }
0xbb: {  	[sflag:s20] =	ssyncset.done $0x0  }
0xbc: {  	[sflag:s20] =	ssyncadd.s32 $0xFFFFF000  }
0xbd: {  	_ =	swait.ge [sflag:s20], $0x1000  }
0xbe: {  	[sflag:s20] =	ssyncset.done $0x0  }
0xbf: {  	v9 =	vbroadcast v8, $0xC;
	[sflag:s20] =	ssyncadd.s32 $0xFFFFF000  }
0xc0: {  	_ =	swait.ge [sflag:s20], $0x1000  }
0xc1: {  	v10 =	vor.u32 v0, v9;
	[sflag:s20] =	ssyncset.done $0x0  }
0xc2: {  	v9 =	vor.u32 v1, v9;
	[sflag:s20] =	ssyncadd.s32 $0xFFFFF000  }
0xc3: {  	_ =	swait.ge [sflag:s20], $0x1000  }
0xc4: {  	[sflag:s20] =	ssyncset.done $0x0  }
0xc5: {  	[sflag:s20] =	ssyncadd.s32 $0xFFFFF000  }
0xc6: {  	v11 =	vbroadcast v8, $0xD;
	v10 =	vld.idx.msk [tilespmem:v10+s15+$0x0], $0xffff  }
0xc7: {  	v9 =	vld.idx.msk [tilespmem:v9+s15+$0x0], $0xffff  }
0xc8: {  	v12 =	vor.u32 v2, v11  }
0xc9: {  	v11 =	vor.u32 v3, v11;
	_ =	sdelay $0x1  }
0xca: {  	[tilespmem:s23+$0x200] =	vst v10  }
0xcb: {  	[tilespmem:s23+$0x210] =	vst v9  }
0xcc: {  	v13 =	vbroadcast v8, $0xE;
	v10 =	vld.idx.msk [tilespmem:v12+s15+$0x0], $0xffff  }
0xcd: {  	v11 =	vld.idx.msk [tilespmem:v11+s15+$0x0], $0xffff  }
0xce: {  	v12 =	vor.u32 v4, v13  }
0xcf: {  	v8 =	vbroadcast v8, $0xF;
	s25 =	simm.s32 $0x40;
	s24 =	simm.s32 $0x8600;
	v9 =	vor.u32 v5, v13  }
.LBB2_2:
0xd0: {  	s23 =	sadd.s32 $0x800, s23;
	s26 =	smov.u32 s25;
	s25 =	sadd.s32 $0x40, s25  }
0xd1: {  	p0 =	sne.s32 s25, $0x800;
	[tilespmem:s24+$0x280] =	vst v10  }
0xd2: {  	[tilespmem:s24+$0x290] =	vst v11  }
0xd3: {  	v10 =	vld.idx.msk [tilespmem:v12+s15+$0x0], $0xffff  }
0xd4: {  	v9 =	vld.idx.msk [tilespmem:v9+s15+$0x0], $0xffff;
	_ =	sdelay $0x1  }
0xd5: {  	v11 =	vor.u32 v6, v8  }
0xd6: {  	v8 =	vor.u32 v7, v8;
	_ =	sdelay $0x1  }
0xd7: {  	[tilespmem:s24+$0x300] =	vst v10  }
0xd8: {  	[tilespmem:s24+$0x310] =	vst v9  }
0xd9: {  	v9 =	vld.idx.msk [tilespmem:v11+s15+$0x0], $0xffff  }
0xda: {  	v8 =	vld.idx.msk [tilespmem:v8+s15+$0x0], $0xffff;
	_ =	sdelay $0x3  }
0xdb: {  	s28 =	sshra.s32 s26, $0x2  }
0xdc: {  	[tilespmem:s24+$0x380] =	vst v9  }
0xdd: {  	[tilespmem:s24+$0x390] =	vst v8;
	s24 =	smov.u32 s23  }
0xde: {  	v8 =	vld [tilespmem:s28+$0x0];
	_ =	sdelay $0x4  }
0xdf: {  	v9 =	vand.u32 $0xFFFFFF80, v8;
	v8 =	vand.u32 $0x7F, v8  }
0xe0: {  	v16 =	vadd.s32 s2, v9;
	v21 =	vbroadcast v8, $0x0;
	v22 =	vbroadcast v8, $0x1  }
0xe1: {  	v23 =	vbroadcast v8, $0x2;
	v24 =	vbroadcast v8, $0x3;
	(v2sf) =	vpush v16, $0x4  }
0xe2: {  	v20 =	vbroadcast v8, $0x4;
	v19 =	vbroadcast v8, $0x5  }
0xe3: {  	v18 =	vbroadcast v8, $0x6;
	v17 =	vbroadcast v8, $0x7;
	(v2sf) =	vpush v16, $0x5  }
0xe4: {  	v15 =	vbroadcast v8, $0x8;
	v14 =	vbroadcast v8, $0x9  }
0xe5: {  	v13 =	vbroadcast v8, $0xA;
	v12 =	vbroadcast v8, $0xB;
	(v2sf) =	vpush v16, $0x6  }
0xe6: {  	v11 =	vbroadcast v8, $0xC;
	v10 =	vbroadcast v8, $0xD  }
0xe7: {  	v9 =	vbroadcast v8, $0xE;
	v8 =	vbroadcast v8, $0xF;
	(v2sf) =	vpush v16, $0x7;
	_ =	sdelay $0x8  }
0xe8: {  	s28 =	spop (v2sf)  }
0xe9: {  	[tilespmem:s15], [sflag:$0x2] =	stream.strided.gather [hbm4b:s28+s8], $0x1000, s10, s8, $0x38;
	[tilespmem:$0x18200] =	vst v63  }
0xea: {  	s28 =	spop (v2sf)  }
0xeb: {  	[tilespmem:s16], [sflag:$0x2] =	stream.strided.gather [hbm4b:s28+s8], $0x1000, s10, s8, $0x38;
	[tilespmem:$0x18200] =	vst v63  }
0xec: {  	s28 =	spop (v2sf)  }
0xed: {  	[tilespmem:s17], [sflag:$0x2] =	stream.strided.gather [hbm4b:s28+s8], $0x1000, s10, s8, $0x38;
	[tilespmem:$0x18200] =	vst v63  }
0xee: {  	s28 =	spop (v2sf)  }
0xef: {  	[tilespmem:s18], [sflag:$0x2] =	stream.strided.gather [hbm4b:s28+s8], $0x1000, s10, s8, $0x38;
	[tilespmem:$0x18200] =	vst v63  }
0xf0: {  	_ =	swait.ge [sflag:s19], $0x1000  }
0xf1: {  	[sflag:s19] =	ssyncset.done $0x0  }
0xf2: {  	[sflag:s19] =	ssyncadd.s32 $0xFFFFF000  }
0xf3: {  	_ =	swait.ge [sflag:s19], $0x1000  }
0xf4: {  	[sflag:s19] =	ssyncset.done $0x0  }
0xf5: {  	[sflag:s19] =	ssyncadd.s32 $0xFFFFF000  }
0xf6: {  	_ =	swait.ge [sflag:s19], $0x1000  }
0xf7: {  	v25 =	vor.u32 v0, v21;
	[sflag:s19] =	ssyncset.done $0x0  }
0xf8: {  	v21 =	vor.u32 v1, v21;
	[sflag:s19] =	ssyncadd.s32 $0xFFFFF000  }
0xf9: {  	_ =	swait.ge [sflag:s19], $0x1000  }
0xfa: {  	[sflag:s19] =	ssyncset.done $0x0  }
0xfb: {  	[sflag:s19] =	ssyncadd.s32 $0xFFFFF000  }
0xfc: {  	v25 =	vld.idx.msk [tilespmem:v25+s11+$0x0], $0xffff  }
0xfd: {  	v21 =	vld.idx.msk [tilespmem:v21+s11+$0x0], $0xffff;
	_ =	sdelay $0x1  }
0xfe: {  	v26 =	vor.u32 v2, v22  }
0xff: {  	v22 =	vor.u32 v3, v22;
	_ =	sdelay $0x1  }
0x100: {  	[tilespmem:s23+$0xFFFFFC00] =	vst v25  }
0x101: {  	[tilespmem:s23+$0xFFFFFC10] =	vst v21  }
0x102: {  	v21 =	vld.idx.msk [tilespmem:v26+s11+$0x0], $0xffff  }
0x103: {  	v22 =	vld.idx.msk [tilespmem:v22+s11+$0x0], $0xffff;
	_ =	sdelay $0x1  }
0x104: {  	v25 =	vor.u32 v4, v23  }
0x105: {  	v23 =	vor.u32 v5, v23;
	_ =	sdelay $0x1  }
0x106: {  	[tilespmem:s23+$0xFFFFFC80] =	vst v21  }
0x107: {  	[tilespmem:s23+$0xFFFFFC90] =	vst v22  }
0x108: {  	v21 =	vld.idx.msk [tilespmem:v25+s11+$0x0], $0xffff;
	(v2sf) =	vpush v16, $0x8  }
0x109: {  	v22 =	vld.idx.msk [tilespmem:v23+s11+$0x0], $0xffff  }
0x10a: {  	(v2sf) =	vpush v16, $0x9  }
0x10b: {  	v23 =	vor.u32 v6, v24  }
0x10c: {  	v24 =	vor.u32 v7, v24;
	(v2sf) =	vpush v16, $0xA;
	_ =	sdelay $0x1  }
0x10d: {  	[tilespmem:s23+$0xFFFFFD00] =	vst v21;
	(v2sf) =	vpush v16, $0xB  }
0x10e: {  	[tilespmem:s23+$0xFFFFFD10] =	vst v22  }
0x10f: {  	v21 =	vld.idx.msk [tilespmem:v23+s11+$0x0], $0xffff  }
0x110: {  	v22 =	vld.idx.msk [tilespmem:v24+s11+$0x0], $0xffff;
	_ =	sdelay $0x4  }
0x111: {  	[tilespmem:s23+$0xFFFFFD80] =	vst v21  }
0x112: {  	[tilespmem:s23+$0xFFFFFD90] =	vst v22;
	s28 =	spop (v2sf)  }
0x113: {  	[tilespmem:s11], [sflag:$0x1] =	stream.strided.gather [hbm4b:s28+s8], $0x1000, s10, s8, $0x38;
	[tilespmem:$0x18200] =	vst v63  }
0x114: {  	s28 =	spop (v2sf)  }
0x115: {  	[tilespmem:s12], [sflag:$0x1] =	stream.strided.gather [hbm4b:s28+s8], $0x1000, s10, s8, $0x38;
	[tilespmem:$0x18200] =	vst v63  }
0x116: {  	s28 =	spop (v2sf)  }
0x117: {  	[tilespmem:s13], [sflag:$0x1] =	stream.strided.gather [hbm4b:s28+s8], $0x1000, s10, s8, $0x38;
	[tilespmem:$0x18200] =	vst v63  }
0x118: {  	s28 =	spop (v2sf)  }
0x119: {  	[tilespmem:s14], [sflag:$0x1] =	stream.strided.gather [hbm4b:s28+s8], $0x1000, s10, s8, $0x38;
	[tilespmem:$0x18200] =	vst v63  }
0x11a: {  	_ =	swait.ge [sflag:s20], $0x1000  }
0x11b: {  	[sflag:s20] =	ssyncset.done $0x0  }
0x11c: {  	[sflag:s20] =	ssyncadd.s32 $0xFFFFF000  }
0x11d: {  	_ =	swait.ge [sflag:s20], $0x1000  }
0x11e: {  	[sflag:s20] =	ssyncset.done $0x0  }
0x11f: {  	[sflag:s20] =	ssyncadd.s32 $0xFFFFF000  }
0x120: {  	_ =	swait.ge [sflag:s20], $0x1000  }
0x121: {  	v21 =	vor.u32 v0, v20;
	[sflag:s20] =	ssyncset.done $0x0  }
0x122: {  	v20 =	vor.u32 v1, v20;
	[sflag:s20] =	ssyncadd.s32 $0xFFFFF000  }
0x123: {  	_ =	swait.ge [sflag:s20], $0x1000  }
0x124: {  	[sflag:s20] =	ssyncset.done $0x0  }
0x125: {  	[sflag:s20] =	ssyncadd.s32 $0xFFFFF000  }
0x126: {  	v21 =	vld.idx.msk [tilespmem:v21+s15+$0x0], $0xffff  }
0x127: {  	v20 =	vld.idx.msk [tilespmem:v20+s15+$0x0], $0xffff;
	_ =	sdelay $0x1  }
0x128: {  	v22 =	vor.u32 v3, v19  }
0x129: {  	v19 =	vor.u32 v2, v19;
	_ =	sdelay $0x1  }
0x12a: {  	[tilespmem:s23+$0xFFFFFE00] =	vst v21  }
0x12b: {  	[tilespmem:s23+$0xFFFFFE10] =	vst v20  }
0x12c: {  	v20 =	vld.idx.msk [tilespmem:v22+s15+$0x0], $0xffff  }
0x12d: {  	v19 =	vld.idx.msk [tilespmem:v19+s15+$0x0], $0xffff;
	_ =	sdelay $0x1  }
0x12e: {  	v21 =	vor.u32 v4, v18  }
0x12f: {  	v18 =	vor.u32 v5, v18;
	_ =	sdelay $0x1  }
0x130: {  	[tilespmem:s23+$0xFFFFFE90] =	vst v20  }
0x131: {  	[tilespmem:s23+$0xFFFFFE80] =	vst v19  }
0x132: {  	v19 =	vld.idx.msk [tilespmem:v21+s15+$0x0], $0xffff;
	(v2sf) =	vpush v16, $0xC  }
0x133: {  	v18 =	vld.idx.msk [tilespmem:v18+s15+$0x0], $0xffff  }
0x134: {  	(v2sf) =	vpush v16, $0xD  }
0x135: {  	v20 =	vor.u32 v6, v17  }
0x136: {  	v17 =	vor.u32 v7, v17;
	(v2sf) =	vpush v16, $0xE;
	_ =	sdelay $0x1  }
0x137: {  	[tilespmem:s23+$0xFFFFFF00] =	vst v19;
	(v2sf) =	vpush v16, $0xF  }
0x138: {  	[tilespmem:s23+$0xFFFFFF10] =	vst v18  }
0x139: {  	v16 =	vld.idx.msk [tilespmem:v20+s15+$0x0], $0xffff  }
0x13a: {  	v17 =	vld.idx.msk [tilespmem:v17+s15+$0x0], $0xffff;
	_ =	sdelay $0x4  }
0x13b: {  	[tilespmem:s23+$0xFFFFFF80] =	vst v16  }
0x13c: {  	[tilespmem:s23+$0xFFFFFF90] =	vst v17;
	s28 =	spop (v2sf)  }
0x13d: {  	[tilespmem:s15], [sflag:$0x2] =	stream.strided.gather [hbm4b:s28+s8], $0x1000, s10, s8, $0x38;
	[tilespmem:$0x18200] =	vst v63  }
0x13e: {  	s28 =	spop (v2sf)  }
0x13f: {  	[tilespmem:s16], [sflag:$0x2] =	stream.strided.gather [hbm4b:s28+s8], $0x1000, s10, s8, $0x38;
	[tilespmem:$0x18200] =	vst v63  }
0x140: {  	s28 =	spop (v2sf)  }
0x141: {  	[tilespmem:s17], [sflag:$0x2] =	stream.strided.gather [hbm4b:s28+s8], $0x1000, s10, s8, $0x38;
	[tilespmem:$0x18200] =	vst v63  }
0x142: {  	s28 =	spop (v2sf)  }
0x143: {  	[tilespmem:s18], [sflag:$0x2] =	stream.strided.gather [hbm4b:s28+s8], $0x1000, s10, s8, $0x38;
	[tilespmem:$0x18200] =	vst v63  }
0x144: {  	_ =	swait.ge [sflag:s19], $0x1000  }
0x145: {  	[sflag:s19] =	ssyncset.done $0x0  }
0x146: {  	[sflag:s19] =	ssyncadd.s32 $0xFFFFF000  }
0x147: {  	_ =	swait.ge [sflag:s19], $0x1000  }
0x148: {  	[sflag:s19] =	ssyncset.done $0x0  }
0x149: {  	[sflag:s19] =	ssyncadd.s32 $0xFFFFF000  }
0x14a: {  	_ =	swait.ge [sflag:s19], $0x1000  }
0x14b: {  	v16 =	vor.u32 v0, v15;
	[sflag:s19] =	ssyncset.done $0x0  }
0x14c: {  	v15 =	vor.u32 v1, v15;
	[sflag:s19] =	ssyncadd.s32 $0xFFFFF000  }
0x14d: {  	_ =	swait.ge [sflag:s19], $0x1000  }
0x14e: {  	[sflag:s19] =	ssyncset.done $0x0  }
0x14f: {  	[sflag:s19] =	ssyncadd.s32 $0xFFFFF000  }
0x150: {  	v16 =	vld.idx.msk [tilespmem:v16+s11+$0x0], $0xffff  }
0x151: {  	v15 =	vld.idx.msk [tilespmem:v15+s11+$0x0], $0xffff;
	_ =	sdelay $0x1  }
0x152: {  	v17 =	vor.u32 v3, v14  }
0x153: {  	v14 =	vor.u32 v2, v14;
	_ =	sdelay $0x1  }
0x154: {  	[tilespmem:s23+$0x0] =	vst v16  }
0x155: {  	[tilespmem:s23+$0x10] =	vst v15  }
0x156: {  	v15 =	vld.idx.msk [tilespmem:v17+s11+$0x0], $0xffff  }
0x157: {  	v14 =	vld.idx.msk [tilespmem:v14+s11+$0x0], $0xffff;
	_ =	sdelay $0x1  }
0x158: {  	v16 =	vor.u32 v4, v13  }
0x159: {  	v13 =	vor.u32 v5, v13;
	_ =	sdelay $0x1  }
0x15a: {  	[tilespmem:s23+$0x90] =	vst v15  }
0x15b: {  	[tilespmem:s23+$0x80] =	vst v14  }
0x15c: {  	v14 =	vld.idx.msk [tilespmem:v16+s11+$0x0], $0xffff  }
0x15d: {  	v13 =	vld.idx.msk [tilespmem:v13+s11+$0x0], $0xffff;
	_ =	sdelay $0x1  }
0x15e: {  	v15 =	vor.u32 v6, v12  }
0x15f: {  	v12 =	vor.u32 v7, v12;
	_ =	sdelay $0x1  }
0x160: {  	[tilespmem:s23+$0x100] =	vst v14  }
0x161: {  	[tilespmem:s23+$0x110] =	vst v13  }
0x162: {  	v13 =	vld.idx.msk [tilespmem:v15+s11+$0x0], $0xffff  }
0x163: {  	v12 =	vld.idx.msk [tilespmem:v12+s11+$0x0], $0xffff;
	_ =	sdelay $0x4  }
0x164: {  	p1 =	seq.s32 s26, $0x7C0;
	[tilespmem:s23+$0x180] =	vst v13  }
0x165: {  	s26 =	sshra.s32 @!p1 s26, $0x2;
	[tilespmem:s23+$0x190] =	vst v12  }
0x166: {  	v12 =	vld @!p1 [tilespmem:s26+$0x10];
	_ =	sdelay $0x4  }
0x167: {  	v12 =	vand.u32 @!p1 $0xFFFFFF80, v12  }
0x168: {  	v12 =	vadd.s32 @!p1 s2, v12  }
0x169: {  	(v2sf) =	vpush @!p1 v12, $0x0;
	_ =	sdelay $0x1  }
0x16a: {  	(v2sf) =	vpush @!p1 v12, $0x1;
	_ =	sdelay $0x1  }
0x16b: {  	(v2sf) =	vpush @!p1 v12, $0x2;
	_ =	sdelay $0x1  }
0x16c: {  	(v2sf) =	vpush @!p1 v12, $0x3;
	_ =	sdelay $0x7  }
0x16d: {  	s26 =	simm.s32 @!p1 $0x200  }
0x16e: {  	s29 =	simm.s32 @!p1 $0x7A1400;
	s28 =	simm.s32 @!p1 $0x400;
	s30 =	spop @!p1 (v2sf)  }
0x16f: {  	[tilespmem:s26], [sflag:$0x1] =	stream.strided.gather @!p1 [hbm4b:s30+s28], $0x1000, s29, s28, $0x38;
	[tilespmem:$0x18200] =	vst v63  }
0x170: {  	s26 =	simm.s32 @!p1 $0x1200;
	s30 =	spop @!p1 (v2sf)  }
0x171: {  	[tilespmem:s26], [sflag:$0x1] =	stream.strided.gather @!p1 [hbm4b:s30+s28], $0x1000, s29, s28, $0x38;
	[tilespmem:$0x18200] =	vst v63  }
0x172: {  	s26 =	simm.s32 @!p1 $0x2200;
	s30 =	spop @!p1 (v2sf)  }
0x173: {  	[tilespmem:s26], [sflag:$0x1] =	stream.strided.gather @!p1 [hbm4b:s30+s28], $0x1000, s29, s28, $0x38;
	[tilespmem:$0x18200] =	vst v63  }
0x174: {  	s26 =	simm.s32 @!p1 $0x3200;
	s30 =	spop @!p1 (v2sf)  }
0x175: {  	[tilespmem:s26], [sflag:$0x1] =	stream.strided.gather @!p1 [hbm4b:s30+s28], $0x1000, s29, s28, $0x38;
	[tilespmem:$0x18200] =	vst v63  }
0x176: {  	_ =	swait.ge [sflag:s20], $0x1000  }
0x177: {  	[sflag:s20] =	ssyncset.done $0x0  }
0x178: {  	[sflag:s20] =	ssyncadd.s32 $0xFFFFF000  }
0x179: {  	_ =	swait.ge [sflag:s20], $0x1000  }
0x17a: {  	[sflag:s20] =	ssyncset.done $0x0  }
0x17b: {  	[sflag:s20] =	ssyncadd.s32 $0xFFFFF000  }
0x17c: {  	_ =	swait.ge [sflag:s20], $0x1000  }
0x17d: {  	v12 =	vor.u32 v0, v11;
	[sflag:s20] =	ssyncset.done $0x0  }
0x17e: {  	v11 =	vor.u32 v1, v11;
	[sflag:s20] =	ssyncadd.s32 $0xFFFFF000  }
0x17f: {  	_ =	swait.ge [sflag:s20], $0x1000  }
0x180: {  	[sflag:s20] =	ssyncset.done $0x0  }
0x181: {  	[sflag:s20] =	ssyncadd.s32 $0xFFFFF000  }
0x182: {  	v12 =	vld.idx.msk [tilespmem:v12+s15+$0x0], $0xffff  }
0x183: {  	v11 =	vld.idx.msk [tilespmem:v11+s15+$0x0], $0xffff;
	_ =	sdelay $0x1  }
0x184: {  	v13 =	vor.u32 v2, v10  }
0x185: {  	v14 =	vor.u32 v3, v10;
	_ =	sdelay $0x1  }
0x186: {  	[tilespmem:s23+$0x200] =	vst v12  }
0x187: {  	[tilespmem:s23+$0x210] =	vst v11  }
.Ltmp0:
0x188: {  	v10 =	vld.idx.msk [tilespmem:v13+s15+$0x0], $0xffff;
	(pc) =	sbr.rel @p0 .LBB2_2-.Ltmp0, $3  }
0x189: {  	v11 =	vld.idx.msk [tilespmem:v14+s15+$0x0], $0xffff;
	_ =	sdelay $0x1  }
0x18a: {  	v12 =	vor.u32 v4, v9  }
0x18b: {  	v9 =	vor.u32 v5, v9  }
0x18c: {  	_ =	sdelay $0x1  }
0x18d: {  	[tilespmem:s24+$0x280] =	vst v10  }
0x18e: {  	[tilespmem:s24+$0x290] =	vst v11  }
0x18f: {  	v10 =	vld.idx.msk [tilespmem:v12+s15+$0x0], $0xffff  }
0x190: {  	v9 =	vld.idx.msk [tilespmem:v9+s15+$0x0], $0xffff  }
0x191: {  	v63 =	vor.u32 v6, v8  }
0x192: {  	v8 =	vor.u32 v7, v8;
	_ =	sdelay $0x1  }
0x193: {  	[tilespmem:s24+$0x300] =	vst v10  }
0x194: {  	[tilespmem:s24+$0x310] =	vst v9  }
0x195: {  	v9 =	vld.idx.msk [tilespmem:v63+s15+$0x0], $0xffff  }
0x196: {  	v8 =	vld.idx.msk [tilespmem:v8+s15+$0x0], $0xffff;
	_ =	sdelay $0x2  }
0x197: {  	s22 =	sadd.s32 $0x1, s22  }
0x198: {  	p0 =	sne.s32 s22, s6;
	[tilespmem:s24+$0x380] =	vst v9  }
.Ltmp1:
0x199: {  	[tilespmem:s24+$0x390] =	vst v8;
	(pc) =	sbr.rel @p0 .LBB2_1-.Ltmp1, $4  }
0x19a: {  	[hbm4b:s5+s3] =	stream.linear.scatter [tilespmem:s21], [sflag:$0x3], $0x10000, $0x38;
	[tilespmem:$0x18200] =	vst v63  }
0x19b: {  	_ =	swait.ge [sflag:s9], $0x10000  }
0x19c: {  	[sflag:s9] =	ssyncset.done $0x0  }
0x19d: {  	[sflag:s9] =	ssyncadd.s32 $0xFFFF0000  }
0x19e: {  	_ =	sfence.sel $0x180000  }
0x19f: {  	[bflag:$0x0] =	sbarrier.arrive $0xFFFF  }
0x1a0: {  	p0 =	sne.s32 s1, $0x0;
	_ =	strace $0x90000047  }
0x1a1: {  	s0 =	sadd.s32 @!p0 $0x100000, s0;
	[bflag:$0x2] =	sbarrier.arrive $0xFFFF  }
0x1a2: {  	[sflag:s0] =	ssyncadd.tile.s32 @!p0 $0x1;
	_ =	shalt  }
.Lfunc_end2:
_tile_overlayer_lowered:
.L_overlay_start_2:
0x1a3: {  	(tag) =	ssettag $0x2  }
0x1a4: {  	s0 =	rddreg [dreg:$0x0];
	s2 =	stileid.u32  }
0x1a5: {  	s1 =	rddreg [dreg:$0x1];
	p0 =	sne.s32 s2, $0x0  }
0x1a6: {  	s3 =	rddreg [dreg:$0x2];
	[bflag:$0x3] =	sbarrier.arrive $0xFFFF;
	s2 =	simm.s32 @!p0 $0x1C03  }
0x1a7: {  	[timem:s3], [sflag:s2] =	dma.local @!p0 [hbm:s0], s1  }
0x1a8: {  	s0 =	simm.s32 @!p0 $0x3  }
0x1a9: {  	_ =	swait.ge @!p0 [sflag:s0], s1  }
0x1aa: {  	s1 =	ssub.s32 @!p0 $0x0, s1;
	[sflag:s0] =	ssyncset.done @!p0 $0x0  }
0x1ab: {  	[sflag:s0] =	ssyncadd.s32 @!p0 s1  }
0x1ac: {  	[bflag:$0x3] =	sbarrier.arrive $0xFFFF  }
0x1ad: {  	_ =	shalt  }

// kernel: kernel.8.cloned.1.call-start
scs
__scs_entry_jumppad:
0x0: {  	(pc) =	sbr.rel $0x88, $3  }
0x1: {  	(tag) =	ssettag $0x0;
	lr =	simm.s32 $0x1  }
0x2: {  	[smem:$0x3F96] =	sst lr;
	_ =	strace $0xD0000000  }
0x3: {  	_ = 	snop  }
0x4: {  	_ = 	snop  }
0x5: {  	_ = 	snop  }
0x6: {  	_ = 	snop  }
0x7: {  	_ = 	snop  }
__scs_overlays_trampoline_lowered:
0x8: {  	[smem:$0x3FA5] =	sst s0  }
0x9: {  	[smem:$0x3FA6] =	sst s1  }
0xa: {  	[smem:$0x3FA7] =	sst s2  }
0xb: {  	[smem:$0x3FA8] =	sst s3  }
0xc: {  	[smem:$0x3FA9] =	sst s4  }
0xd: {  	[smem:$0x3FAA] =	sst s5  }
0xe: {  	[smem:$0x3FAB] =	sst s6  }
0xf: {  	[smem:$0x3FAC] =	sst s7  }
0x10: {  	[smem:$0x3FAD] =	sst s8  }
0x11: {  	[smem:$0x3FAE] =	sst s9;
	s0 =	simm.s32 @!p0 $0x0  }
0x12: {  	s1 =	sld [smem:$0x3F94];
	s0 =	simm.s32 @p0 $0x1  }
0x13: {  	[smem:$0x3FAF] =	sst s0;
	s0 =	simm.s32 @!p1 $0x0  }
0x14: {  	s2 =	sld [smem:$0x3F93];
	s0 =	simm.s32 @p1 $0x1  }
0x15: {  	[smem:$0x3FB0] =	sst s0;
	s0 =	simm.s32 @!p2 $0x0  }
0x16: {  	s3 =	sld [smem:$0x3FDB];
	s0 =	simm.s32 @p2 $0x1  }
0x17: {  	s4 =	simm.s32 $0x1BF5;
	[smem:$0x3FB2] =	sst s0  }
0x18: {  	s0 =	sld [smem:$0x3F95];
	_ =	swait.ge [sflag:s4], $0x0  }
0x19: {  	s7 =	sld [smem:$0x3F96]  }
0x1a: {  	s8 =	sadd.s32 $0xFFFFE003, lr  }
0x1b: {  	s9 =	sadd.s32 $0xFFFFFEF7, lr;
	s5 =	simm.s32 $0xFFFFFFFF;
	p2 =	slt.u32 s8, $0xFFFFF086  }
0x1c: {  	p1 =	slt.u32 s9, $0xF7A;
	s5 =	simm.s32 @!p2 $0x0  }
0x1d: {  	s5 =	simm.s32 @p1 $0x1;
	p0 =	seq.s32 s7, s2  }
0x1e: {  	s7 =	smul.u32 @!p0 $0xF7A, s2;
	p2 =	seq.s32 @!p0 s5, $0x0  }
0x1f: {  	s9 =	smul.u32 $0xF7A, s1;
	s8 =	simm.s32 @!p0 $0x1BF5;
	p2 =	por !p2, p0  }
0x20: {  	[sflag:s8] =	ssyncset.s32 @!p0 $0xFFFFF086;
	s6 =	sadd.s32 @!p0 s3, s7;
	s7 =	simm.s32 @!p0 $0x108  }
0x21: {  	s3 =	sadd.s32 s3, s9;
	s6 =	sadd.s32 @!p0 $0x88, s6;
	s7 =	simm.s32 @p2 $0x1082  }
0x22: {  	[simem:s7], [sflag:s8] =	dma.local @!p0 [hbm:s6], $0xF7A  }
0x23: {  	s9 =	sor.u32 $0xD0000000, s2;
	s6 =	simm.s32 $0x108;
	_ =	swait.ge @!p0 [sflag:s8], $0x0  }
0x24: {  	s3 =	sadd.s32 $0x88, s3;
	s6 =	simm.s32 @!p1 $0x1082;
	[sflag:s4] =	ssyncset.s32 $0xFFFFF086  }
0x25: {  	[simem:s6], [sflag:s4] =	dma.local [hbm:s3], $0xF7A  }
0x26: {  	[smem:$0x3F96] =	sst s1;
	(tag) =	ssettag s2;
	_ =	strace s9  }
0x27: {  	s1 =	sld [smem:$0x3FA6]  }
0x28: {  	s2 =	sld [smem:$0x3FA7]  }
0x29: {  	s4 =	sld [smem:$0x3FA9]  }
0x2a: {  	p0 =	seq.s32 s5, $0x0;
	s5 =	sld [smem:$0x3FAA]  }
0x2b: {  	s6 =	sld [smem:$0x3FAB]  }
0x2c: {  	s7 =	sld [smem:$0x3FAC]  }
0x2d: {  	s3 =	simm.s32 $0x108;
	s8 =	sld [smem:$0x3FAD]  }
0x2e: {  	s3 =	simm.s32 @!p0 $0x1082;
	s9 =	sld [smem:$0x3FAE]  }
0x2f: {  	lr =	sadd.s32 s0, s3;
	s0 =	sld [smem:$0x3FA5]  }
0x30: {  	s3 =	sld [smem:$0x3FA8]  }
0x31: {  	[smem:$0x3FB1] =	sst s10  }
0x32: {  	s10 =	sld [smem:$0x3FAF];
	_ =	sdelay $0x3  }
0x33: {  	p0 =	seq.s32 s10, $0x1;
	s10 =	sld [smem:$0x3FB1];
	_ =	sdelay $0x3  }
0x34: {  	[smem:$0x3FB1] =	sst s10  }
0x35: {  	s10 =	sld [smem:$0x3FB0];
	_ =	sdelay $0x3  }
0x36: {  	p1 =	seq.s32 s10, $0x1;
	s10 =	sld [smem:$0x3FB1];
	_ =	sdelay $0x3  }
0x37: {  	[smem:$0x3FB1] =	sst s10  }
0x38: {  	s10 =	sld [smem:$0x3FB2]  }
0x39: {  	_ = 	snop;
	(pc) =	sbr.ind lr, $3  }
0x3a: {  	_ = 	snop  }
0x3b: {  	_ = 	snop  }
0x3c: {  	p2 =	seq.s32 s10, $0x1;
	s10 =	sld [smem:$0x3FB1]  }
0x3d: {  	_ =	shalt  }
0x3e: {  	_ =	shalt  }
0x3f: {  	_ =	shalt  }
0x40: {  	_ =	shalt  }
0x41: {  	_ =	shalt  }
0x42: {  	_ =	shalt  }
0x43: {  	_ =	shalt  }
0x44: {  	_ =	shalt  }
0x45: {  	_ =	shalt  }
0x46: {  	_ =	shalt  }
0x47: {  	_ =	shalt  }
0x48: {  	_ =	shalt  }
0x49: {  	_ =	shalt  }
0x4a: {  	_ =	shalt  }
0x4b: {  	_ =	shalt  }
0x4c: {  	_ =	shalt  }
0x4d: {  	_ =	shalt  }
0x4e: {  	_ =	shalt  }
0x4f: {  	_ =	shalt  }
0x50: {  	_ =	shalt  }
0x51: {  	_ =	shalt  }
0x52: {  	_ =	shalt  }
0x53: {  	_ =	shalt  }
0x54: {  	_ =	shalt  }
0x55: {  	_ =	shalt  }
0x56: {  	_ =	shalt  }
0x57: {  	_ =	shalt  }
0x58: {  	_ =	shalt  }
0x59: {  	_ =	shalt  }
0x5a: {  	_ =	shalt  }
0x5b: {  	_ =	shalt  }
0x5c: {  	_ =	shalt  }
0x5d: {  	_ =	shalt  }
0x5e: {  	_ =	shalt  }
0x5f: {  	_ =	shalt  }
0x60: {  	_ =	shalt  }
0x61: {  	_ =	shalt  }
0x62: {  	_ =	shalt  }
0x63: {  	_ =	shalt  }
0x64: {  	_ =	shalt  }
0x65: {  	_ =	shalt  }
0x66: {  	_ =	shalt  }
0x67: {  	_ =	shalt  }
0x68: {  	_ =	shalt  }
0x69: {  	_ =	shalt  }
0x6a: {  	_ =	shalt  }
0x6b: {  	_ =	shalt  }
0x6c: {  	_ =	shalt  }
0x6d: {  	_ =	shalt  }
0x6e: {  	_ =	shalt  }
0x6f: {  	_ =	shalt  }
0x70: {  	_ =	shalt  }
0x71: {  	_ =	shalt  }
0x72: {  	_ =	shalt  }
0x73: {  	_ =	shalt  }
0x74: {  	_ =	shalt  }
0x75: {  	_ =	shalt  }
0x76: {  	_ =	shalt  }
0x77: {  	_ =	shalt  }
0x78: {  	_ =	shalt  }
0x79: {  	_ =	shalt  }
0x7a: {  	_ =	shalt  }
0x7b: {  	_ =	shalt  }
0x7c: {  	_ =	shalt  }
0x7d: {  	_ =	shalt  }
0x7e: {  	_ =	shalt  }
0x7f: {  	_ =	shalt  }
0x80: {  	_ =	shalt  }
0x81: {  	_ =	shalt  }
0x82: {  	_ =	shalt  }
0x83: {  	_ =	shalt  }
0x84: {  	_ =	shalt  }
0x85: {  	_ =	shalt  }
0x86: {  	_ =	shalt  }
0x87: {  	_ =	shalt  }
.Lfunc_end0:
.L_simem_size_0:
called_computation.1_lowered:
.L_overlay_start_0:
0x88: {  	s2 =	sld [smem:$0x3FD9]  }
0x89: {  	s3 =	sld [smem:$0x3FFE];
	_ =	sdelay $0x1  }
0x8a: {  	s1 =	srdreg.scid  }
0x8b: {  	s0 =	sand.u32 $0x1, s1  }
0x8c: {  	s16 =	sshll.u32 s0, $0xA;
	s2 =	sadd.s32 s3, s2  }
0x8d: {  	s2 =	sadd.s32 s2, s16  }
0x8e: {  	[smem:$0x3FBD] =	sst s2  }
0x8f: {  	_ = 	snop  }
0x90: {  	(tm) =	ssettm $0x1  }
0x91: {  	s17 =	sld [smem:$0x3FFB];
	_ =	sdelay $0x3  }
0x92: {  	_ =	strace s17  }
0x93: {  	s2 =	sld [smem:$0x3FFC];
	_ =	sdelay $0x3  }
0x94: {  	_ =	strace s2  }
0x95: {  	s2 =	sld [smem:$0x3FFD];
	_ =	sdelay $0x3  }
0x96: {  	_ =	strace s2  }
0x97: {  	_ =	strace $0x8FFFFFFF  }
0x98: {  	s18 =	sld [smem:$0x3FDB];
	_ =	sdelay $0x1  }
0x99: {  	s19 =	simm.s32 $_scs_section_size  }
0x9a: {  	s4 =	simm.s32 $_size__tile_overlayer_lowered;
	s5 =	simm.s32 $_tile_overlayer_lowered  }
0x9b: {  	s22 =	simm.s32 $0x1BFF;
	s21 =	sshll.u32 s5, $0x1;
	s2 =	sadd.s32 s19, s18  }
0x9c: {  	s6 =	simm.s32 $0x0;
	s20 =	sshll.u32 s4, $0x1;
	s4 =	sadd.s32 s21, s2  }
0x9d: {  	[timem:s6], [sflag:s22] =	dma.local [hbm:s4], s20  }
0x9e: {  	_ =	swait.ge [sflag:s22], s20  }
0x9f: {  	s3 =	ssub.s32 $0x0, s20;
	[sflag:s22] =	ssyncset.done $0x0  }
0xa0: {  	[sflag:s22] =	ssyncadd.s32 s3;
	_ =	sdelay $0x1  }
0xa1: {  	s23 =	simm.s32 $0x1B8B  }
0xa2: {  	_ =	swait.ge [sflag:s23], $0x1  }
0xa3: {  	[sflag:s23] =	ssyncset.done $0x0  }
0xa4: {  	s25 =	simm.s32 $0x1B8E;
	s24 =	sld [smem:$0x3FFE];
	[sflag:s23] =	ssyncadd.s32 $0xFFFFFFFF  }
0xa5: {  	s26 =	simm.s32 $execute0_lowered;
	[smem:$0x3FD2] =	sst s25  }
0xa6: {  	s4 =	sshll.u32 s26, $0x1;
	_ =	strace $0x80000049;
	[dreg:$0x1] =	wrdreg $0xFFFFFFFF  }
0xa7: {  	s28 =	simm.s32 $_size_execute0_lowered;
	s2 =	sadd.s32 s2, s4;
	[dreg:$0x0] =	wrdreg $0x0  }
0xa8: {  	s4 =	sshll.u32 s28, $0x1;
	[dreg:$0x2] =	wrdreg s2  }
0xa9: {  	[dreg:$0x3] =	wrdreg s4  }
0xaa: {  	[dreg:$0x4] =	wrdreg $0xC0  }
0xab: {  	_ =	task [dreg:s6], $0x5FFFF  }
0xac: {  	[dreg:$0x1] =	wrdreg $0xFFFFFFFF  }
0xad: {  	[dreg:$0x0] =	wrdreg $0x60  }
0xae: {  	[dreg:$0x2] =	wrdreg s24  }
0xaf: {  	[dreg:$0x3] =	wrdreg $0x9  }
0xb0: {  	_ =	task.clear_ibuf [dreg:s6], $0x4FFFF;
	_ =	strace $0x90000049  }
0xb1: {  	s29 =	simm.s32 $0x9;
	_ =	strace $0x8000004B  }
0xb2: {  	_ =	swait.ge [sflag:s29], $0x1  }
0xb3: {  	[sflag:s29] =	ssyncadd.s32 $0xFFFFFFFF  }
0xb4: {  	_ =	strace $0x9000004B  }
0xb5: {  	_ =	sfence  }
0xb6: {  	s30 =	sld [smem:$0x0];
	_ =	sdelay $0x2  }
0xb7: {  	s31 =	sshll.u32 s1, $0xD;
	s1 =	sshrl.u32 s1, $0x2  }
0xb8: {  	s3 =	sand.u32 $0x4000, s31;
	s1 =	sadd.s32 s1, s30  }
0xb9: {  	s0 =	sor.u32 s3, s0;
	s1 =	sshll.u32 s1, $0x11  }
0xba: {  	s0 =	sor.u32 s1, s0  }
0xbb: {  	s0 =	sadd.s32 $0x8F2B, s0  }
0xbc: {  	[sflag:s0] =	ssyncadd.remote.s32 $0x1  }
0xbd: {  	_ =	sfence.sel $0xFFFF  }
0xbe: {  	[dreg:$0x0] =	wrdreg $0xFFFFFFFF;
	(pc) =	sbr.abs _section_cstart, $3  }
0xbf: {  	[dreg:$0x1] =	wrdreg $0xFFFFFFFF  }
0xc0: {  	_ =	task.clear_ibuf [dreg:s6], $0x2FFFF;
	_ =	strace $0x9FFFFFFF  }
0xc1: {  	(tm) =	ssettm $0x7FFFFFFF  }
tec
execute0_lowered:
.L_overlay_start_1:
0x0: {  	(tag) =	ssettag $0x1  }
0x1: {  	s1 =	srdreg.scid  }
0x2: {  	s0 =	stileid.u32;
	s24 =	sand.u32 $0x1, s1  }
0x3: {  	s30 =	sshll.u32 s0, $0xA;
	s2 =	sshll.u32 s24, $0x9  }
0x4: {  	s25 =	rddreg [dreg:$0x0];
	s26 =	sor.u32 s2, s30  }
0x5: {  	s1 =	rddreg [dreg:$0x1];
	s2 =	simm.s32 $0x0;
	s3 =	sshrl.u32 s26, $0x3  }
0x6: {  	[smem:$0x7FF] =	sst s2;
	s5 =	sadd.s32 s3, s25  }
0x7: {  	_ =	strace $0x8000004A;
	s3 =	simm.s32 $0x2;
	s4 =	sadd.s32 $0x4200, s5  }
0x8: {  	[tilespmem:s2], [sflag:$0x2] =	stream.linear.gather [hbm4b:s4+s2], $0x200, $0x38;
	[tilespmem:$0x8400] =	vst v63  }
0x9: {  	_ =	swait.ge [sflag:s3], $0x200  }
0xa: {  	[sflag:s3] =	ssyncset.done $0x0  }
0xb: {  	s6 =	simm.s32 $0x200;
	s5 =	sadd.s32 $0x3A00, s5;
	[sflag:s3] =	ssyncadd.s32 $0xFFFFFE00  }
0xc: {  	[tilespmem:s6], [sflag:$0x2] =	stream.linear.gather [hbm4b:s5+s2], $0x200, $0x38;
	[tilespmem:$0x8400] =	vst v63  }
0xd: {  	_ =	swait.ge [sflag:s3], $0x200  }
0xe: {  	s8 =	simm.s32 $0x80;
	[sflag:s3] =	ssyncset.done $0x0  }
0xf: {  	s9 =	simm.s32 $0x400;
	s7 =	sadd.s32 $0x1EC600, s25;
	[sflag:s3] =	ssyncadd.s32 $0xFFFFFE00  }
0x10: {  	[tilespmem:s9], [sflag:$0x1] =	stream.indirect.gather [hbm4b:s7+s8], $0x20, s2, s8, $0xb8;
	[tilespmem:$0x8400] =	vst v63  }
0x11: {  	s10 =	simm.s32 $0x1400  }
0x12: {  	[tilespmem:s10], [sflag:$0x1] =	stream.indirect.gather [hbm4b:s7+s8], $0x20, s8, s8, $0xb8;
	[tilespmem:$0x8400] =	vst v63  }
0x13: {  	s11 =	simm.s32 $0x100;
	s12 =	simm.s32 $0x2400  }
0x14: {  	[tilespmem:s12], [sflag:$0x1] =	stream.indirect.gather [hbm4b:s7+s8], $0x20, s11, s8, $0xb8;
	[tilespmem:$0x8400] =	vst v63  }
0x15: {  	s13 =	simm.s32 $0x180;
	s14 =	simm.s32 $0x3400  }
0x16: {  	[tilespmem:s14], [sflag:$0x1] =	stream.indirect.gather [hbm4b:s7+s8], $0x20, s13, s8, $0xb8;
	[tilespmem:$0x8400] =	vst v63  }
0x17: {  	s16 =	simm.s32 $0x4400;
	s15 =	sadd.s32 $0x18AA00, s25  }
0x18: {  	[tilespmem:s16], [sflag:$0x1] =	stream.indirect.gather [hbm4b:s15+s8], $0x20, s6, s8, $0xb8;
	[tilespmem:$0x8400] =	vst v63  }
0x19: {  	s17 =	simm.s32 $0x280;
	s18 =	simm.s32 $0x5400  }
0x1a: {  	[tilespmem:s18], [sflag:$0x1] =	stream.indirect.gather [hbm4b:s15+s8], $0x20, s17, s8, $0xb8;
	[tilespmem:$0x8400] =	vst v63  }
0x1b: {  	s19 =	simm.s32 $0x300;
	s20 =	simm.s32 $0x6400  }
0x1c: {  	[tilespmem:s20], [sflag:$0x1] =	stream.indirect.gather [hbm4b:s15+s8], $0x20, s19, s8, $0xb8;
	[tilespmem:$0x8400] =	vst v63  }
0x1d: {  	s21 =	simm.s32 $0x380;
	s22 =	simm.s32 $0x7400;
	s23 =	simm.s32 $0x1  }
0x1e: {  	[tilespmem:s22], [sflag:$0x1] =	stream.indirect.gather [hbm4b:s15+s8], $0x20, s21, s8, $0xb8;
	[tilespmem:$0x8400] =	vst v63  }
0x1f: {  	_ =	swait.ge [sflag:s23], $0x1000  }
0x20: {  	[sflag:s23] =	ssyncset.done $0x0  }
0x21: {  	[sflag:s23] =	ssyncadd.s32 $0xFFFFF000  }
0x22: {  	_ =	swait.ge [sflag:s23], $0x1000  }
0x23: {  	[sflag:s23] =	ssyncset.done $0x0  }
0x24: {  	[sflag:s23] =	ssyncadd.s32 $0xFFFFF000  }
0x25: {  	_ =	swait.ge [sflag:s23], $0x1000  }
0x26: {  	[sflag:s23] =	ssyncset.done $0x0  }
0x27: {  	[sflag:s23] =	ssyncadd.s32 $0xFFFFF000  }
0x28: {  	_ =	swait.ge [sflag:s23], $0x1000  }
0x29: {  	[sflag:s23] =	ssyncset.done $0x0  }
0x2a: {  	[sflag:s23] =	ssyncadd.s32 $0xFFFFF000  }
0x2b: {  	_ =	swait.ge [sflag:s23], $0x1000  }
0x2c: {  	[sflag:s23] =	ssyncset.done $0x0  }
0x2d: {  	[sflag:s23] =	ssyncadd.s32 $0xFFFFF000  }
0x2e: {  	_ =	swait.ge [sflag:s23], $0x1000  }
0x2f: {  	[sflag:s23] =	ssyncset.done $0x0  }
0x30: {  	[sflag:s23] =	ssyncadd.s32 $0xFFFFF000  }
0x31: {  	_ =	swait.ge [sflag:s23], $0x1000  }
0x32: {  	[sflag:s23] =	ssyncset.done $0x0  }
0x33: {  	s31 =	ssub.s32 $0x2, s24;
	[sflag:s23] =	ssyncadd.s32 $0xFFFFF000  }
0x34: {  	s28 =	sshrl.u32 s31, $0x1;
	s26 =	sshll.u32 s26, $0x2;
	_ =	swait.ge [sflag:s23], $0x1000  }
0x35: {  	s25 =	sadd.s32 s26, s25;
	s26 =	ssub.s32 s31, s28;
	[sflag:s23] =	ssyncset.done $0x0  }
0x36: {  	s24 =	sadd.s32 $0x14A00, s25;
	s26 =	smax.u32 s26, $0x1;
	[sflag:s23] =	ssyncadd.s32 $0xFFFFF000  }
0x37: {  	[hbm4b:s24+s2] =	stream.linear.scatter [tilespmem:s9], [sflag:$0x2], $0x4000, $0x38;
	[tilespmem:$0x8400] =	vst v63  }
0x38: {  	p0 =	sne.s32 s26, $0x1;
	_ =	swait.ge [sflag:s3], $0x4000  }
.Ltmp0:
0x39: {  	[sflag:s3] =	ssyncset.done $0x0;
	(pc) =	sbr.rel @!p0 .LBB2_2-.Ltmp0, $4  }
0x3a: {  	s25 =	sadd.s32 $0x4A00, s25;
	[sflag:s3] =	ssyncadd.s32 $0xFFFFC000  }
0x3b: {  	[hbm4b:s25+s2] =	stream.linear.scatter [tilespmem:s16], [sflag:$0x2], $0x4000, $0x38;
	[tilespmem:$0x8400] =	vst v63  }
0x3c: {  	_ =	swait.ge [sflag:s3], $0x4000  }
0x3d: {  	s26 =	sadd.s32 $0xFFFFFFFF, s26;
	[sflag:s3] =	ssyncset.done $0x0  }
.LBB2_1:
0x3e: {  	p0 =	sne.s32 s26, $0x1;
	s26 =	sadd.s32 $0xFFFFFFFF, s26;
	[sflag:s3] =	ssyncadd.s32 $0xFFFFC000  }
0x3f: {  	[tilespmem:s2], [sflag:$0x2] =	stream.linear.gather [hbm4b:s4+s2], $0x200, $0x38;
	[tilespmem:$0x8400] =	vst v63  }
0x40: {  	_ =	swait.ge [sflag:s3], $0x200  }
0x41: {  	[sflag:s3] =	ssyncset.done $0x0  }
0x42: {  	[sflag:s3] =	ssyncadd.s32 $0xFFFFFE00  }
0x43: {  	[tilespmem:s6], [sflag:$0x2] =	stream.linear.gather [hbm4b:s5+s2], $0x200, $0x38;
	[tilespmem:$0x8400] =	vst v63  }
0x44: {  	_ =	swait.ge [sflag:s3], $0x200  }
0x45: {  	[sflag:s3] =	ssyncset.done $0x0  }
0x46: {  	[sflag:s3] =	ssyncadd.s32 $0xFFFFFE00  }
0x47: {  	[tilespmem:s9], [sflag:$0x1] =	stream.indirect.gather [hbm4b:s7+s8], $0x20, s2, s8, $0xb8;
	[tilespmem:$0x8400] =	vst v63  }
0x48: {  	_ = 	snop  }
0x49: {  	[tilespmem:s10], [sflag:$0x1] =	stream.indirect.gather [hbm4b:s7+s8], $0x20, s8, s8, $0xb8;
	[tilespmem:$0x8400] =	vst v63  }
0x4a: {  	_ = 	snop  }
0x4b: {  	[tilespmem:s12], [sflag:$0x1] =	stream.indirect.gather [hbm4b:s7+s8], $0x20, s11, s8, $0xb8;
	[tilespmem:$0x8400] =	vst v63  }
0x4c: {  	_ = 	snop  }
0x4d: {  	[tilespmem:s14], [sflag:$0x1] =	stream.indirect.gather [hbm4b:s7+s8], $0x20, s13, s8, $0xb8;
	[tilespmem:$0x8400] =	vst v63  }
0x4e: {  	_ = 	snop  }
0x4f: {  	[tilespmem:s16], [sflag:$0x1] =	stream.indirect.gather [hbm4b:s15+s8], $0x20, s6, s8, $0xb8;
	[tilespmem:$0x8400] =	vst v63  }
0x50: {  	_ = 	snop  }
0x51: {  	[tilespmem:s18], [sflag:$0x1] =	stream.indirect.gather [hbm4b:s15+s8], $0x20, s17, s8, $0xb8;
	[tilespmem:$0x8400] =	vst v63  }
0x52: {  	_ = 	snop  }
0x53: {  	[tilespmem:s20], [sflag:$0x1] =	stream.indirect.gather [hbm4b:s15+s8], $0x20, s19, s8, $0xb8;
	[tilespmem:$0x8400] =	vst v63  }
0x54: {  	_ = 	snop  }
0x55: {  	[tilespmem:s22], [sflag:$0x1] =	stream.indirect.gather [hbm4b:s15+s8], $0x20, s21, s8, $0xb8;
	[tilespmem:$0x8400] =	vst v63  }
0x56: {  	_ =	swait.ge [sflag:s23], $0x1000  }
0x57: {  	[sflag:s23] =	ssyncset.done $0x0  }
0x58: {  	[sflag:s23] =	ssyncadd.s32 $0xFFFFF000  }
0x59: {  	_ =	swait.ge [sflag:s23], $0x1000  }
0x5a: {  	[sflag:s23] =	ssyncset.done $0x0  }
0x5b: {  	[sflag:s23] =	ssyncadd.s32 $0xFFFFF000  }
0x5c: {  	_ =	swait.ge [sflag:s23], $0x1000  }
0x5d: {  	[sflag:s23] =	ssyncset.done $0x0  }
0x5e: {  	[sflag:s23] =	ssyncadd.s32 $0xFFFFF000  }
0x5f: {  	_ =	swait.ge [sflag:s23], $0x1000  }
0x60: {  	[sflag:s23] =	ssyncset.done $0x0  }
0x61: {  	[sflag:s23] =	ssyncadd.s32 $0xFFFFF000  }
0x62: {  	_ =	swait.ge [sflag:s23], $0x1000  }
0x63: {  	[sflag:s23] =	ssyncset.done $0x0  }
0x64: {  	[sflag:s23] =	ssyncadd.s32 $0xFFFFF000  }
0x65: {  	_ =	swait.ge [sflag:s23], $0x1000  }
0x66: {  	[sflag:s23] =	ssyncset.done $0x0  }
0x67: {  	[sflag:s23] =	ssyncadd.s32 $0xFFFFF000  }
0x68: {  	_ =	swait.ge [sflag:s23], $0x1000  }
0x69: {  	[sflag:s23] =	ssyncset.done $0x0  }
0x6a: {  	[sflag:s23] =	ssyncadd.s32 $0xFFFFF000  }
0x6b: {  	_ =	swait.ge [sflag:s23], $0x1000  }
0x6c: {  	[sflag:s23] =	ssyncset.done $0x0  }
0x6d: {  	[sflag:s23] =	ssyncadd.s32 $0xFFFFF000  }
0x6e: {  	[hbm4b:s24+s2] =	stream.linear.scatter [tilespmem:s9], [sflag:$0x2], $0x4000, $0x38;
	[tilespmem:$0x8400] =	vst v63  }
0x6f: {  	_ =	swait.ge [sflag:s3], $0x4000  }
.Ltmp1:
0x70: {  	[sflag:s3] =	ssyncset.done $0x0;
	(pc) =	sbr.rel @p0 .LBB2_1-.Ltmp1, $4  }
0x71: {  	[sflag:s3] =	ssyncadd.s32 $0xFFFFC000  }
0x72: {  	[hbm4b:s25+s2] =	stream.linear.scatter [tilespmem:s16], [sflag:$0x2], $0x4000, $0x38;
	[tilespmem:$0x8400] =	vst v63  }
0x73: {  	_ =	swait.ge [sflag:s3], $0x4000  }
0x74: {  	[sflag:s3] =	ssyncset.done $0x0  }
.LBB2_2:
0x75: {  	[sflag:s3] =	ssyncadd.s32 $0xFFFFC000  }
0x76: {  	_ =	sfence.sel $0x180000  }
0x77: {  	[bflag:$0x0] =	sbarrier.arrive $0xFFFF  }
0x78: {  	p0 =	sne.s32 s0, $0x0;
	_ =	strace $0x9000004A  }
0x79: {  	s0 =	sadd.s32 @!p0 $0x100000, s1;
	[bflag:$0x2] =	sbarrier.arrive $0xFFFF  }
0x7a: {  	[sflag:s0] =	ssyncadd.tile.s32 @!p0 $0x1;
	_ =	shalt  }
.Lfunc_end2:
_tile_overlayer_lowered:
.L_overlay_start_2:
0x7b: {  	(tag) =	ssettag $0x2  }
0x7c: {  	s0 =	rddreg [dreg:$0x0];
	s2 =	stileid.u32  }
0x7d: {  	s1 =	rddreg [dreg:$0x1];
	p0 =	sne.s32 s2, $0x0  }
0x7e: {  	s3 =	rddreg [dreg:$0x2];
	[bflag:$0x3] =	sbarrier.arrive $0xFFFF;
	s2 =	simm.s32 @!p0 $0x1C02  }
0x7f: {  	[timem:s3], [sflag:s2] =	dma.local @!p0 [hbm:s0], s1  }
0x80: {  	s0 =	simm.s32 @!p0 $0x2  }
0x81: {  	_ =	swait.ge @!p0 [sflag:s0], s1  }
0x82: {  	s1 =	ssub.s32 @!p0 $0x0, s1;
	[sflag:s0] =	ssyncset.done @!p0 $0x0  }
0x83: {  	[sflag:s0] =	ssyncadd.s32 @!p0 s1  }
0x84: {  	[bflag:$0x3] =	sbarrier.arrive $0xFFFF  }
0x85: {  	_ =	shalt  }

</sc_bundles>
